<compile_context>
chip_gen: v7x
topology: tpu7x:2x2x1
jax: 0.10.2.dev20260603
libtpu: 0.0.44.dev20260713+nightly
codegen_flags: <defaults>
</compile_context>

<pallas_src>
import functools

import jax
import jax.numpy as jnp
import numpy as np
from jax import lax
from jax.experimental import pallas as pl
from jax.experimental.pallas import tpu as pltpu
from jax.experimental.pallas import tpu_sc as plsc

K = 64
BLK = 8
CAP = 1024
NEG = np.float32(-3.0e38)
LANES = 16
SUP = 25


def _gather1d(x, idx):
    return lax.gather(
        x, idx[:, None],
        lax.GatherDimensionNumbers(
            offset_dims=(), collapsed_slice_dims=(0,), start_index_map=(0,)),
        slice_sizes=(1,),
        mode=lax.GatherScatterMode.PROMISE_IN_BOUNDS)


def _sc_select_kernel(b, v, rows_per_worker, logits_hbm, cv_hbm, ci_hbm,
                      row_v, vbuf, ibuf, off_ref):
    nchv = v // LANES
    nsup = nchv // SUP
    wid = lax.axis_index("s") * 2 + lax.axis_index("c")
    lane = lax.iota(jnp.int32, LANES)

    def row_body(q, _rb):
        row = wid * rows_per_worker + q
        pltpu.sync_copy(logits_hbm.at[row], row_v)

        def init_body(j, _):
            vbuf[pl.ds(j * LANES, LANES)] = jnp.full((LANES,), NEG, jnp.float32)
            ibuf[pl.ds(j * LANES, LANES)] = jnp.zeros((LANES,), jnp.int32)
            return 0
        lax.fori_loop(0, CAP // LANES, init_body, 0)

        def sup_body(s, carry):
            t1, t2, t3, t4 = carry
            acc = row_v[pl.ds(s * (SUP * LANES), LANES)]
            for u in range(1, SUP):
                acc = jnp.maximum(acc, row_v[pl.ds(s * (SUP * LANES) + u * LANES, LANES)])
            n1 = jnp.maximum(t1, acc); acc = jnp.minimum(t1, acc); t1 = n1
            n2 = jnp.maximum(t2, acc); acc = jnp.minimum(t2, acc); t2 = n2
            n3 = jnp.maximum(t3, acc); acc = jnp.minimum(t3, acc); t3 = n3
            t4 = jnp.maximum(t4, acc)
            return t1, t2, t3, t4
        init4 = (jnp.full((LANES,), NEG, jnp.float32),) * 4
        _, _, _, t4 = lax.fori_loop(0, nsup, sup_body, init4)
        t = t4
        for stp in (1, 2, 4, 8):
            t = jnp.minimum(t, _gather1d(t, lane ^ stp))

        off_ref[0] = 0
        GRP = 10

        def grp_body(g, _g):
            base = g * (GRP * LANES)
            vs = [row_v[pl.ds(base + u * LANES, LANES)] for u in range(GRP)]
            mx = vs[0]
            for u in range(1, GRP):
                mx = jnp.maximum(mx, vs[u])
            gm = jnp.where(mx >= t, 1, 0)
            for sh in (1, 2, 4, 8):
                gm = gm | _gather1d(gm, lane ^ sh)

            @pl.when(gm[0] > 0)
            def _():
                for u in range(GRP):
                    val = vs[u]
                    mi = jnp.where(val >= t, 1, 0)
                    sm = mi
                    for sh in (1, 2, 4, 8):
                        sm = sm + _gather1d(sm, lane ^ sh)

                    def inner(_, m):
                        fl = jnp.where(m > 0, lane, LANES - 1)
                        for sh in (1, 2, 4, 8):
                            fl = jnp.minimum(fl, _gather1d(fl, lane ^ sh))
                        vsp = _gather1d(val, fl)
                        isp = (base + u * LANES) + fl
                        off2 = jnp.minimum(off_ref[0], CAP - LANES)
                        vbuf[pl.ds(off2, LANES)] = vsp
                        ibuf[pl.ds(off2, LANES)] = isp
                        off_ref[0] = off2 + 1
                        return jnp.where(lane == fl, 0, m)

                    lax.fori_loop(0, sm[0], inner, mi)
            return 0
        lax.fori_loop(0, nchv // GRP, grp_body, 0)

        pltpu.sync_copy(vbuf, cv_hbm.at[row])
        pltpu.sync_copy(ibuf, ci_hbm.at[row])
        return 0

    lax.fori_loop(0, rows_per_worker, row_body, 0)


def _sc_select(logits):
    b, v = logits.shape
    mesh = plsc.VectorSubcoreMesh(core_axis_name="c", subcore_axis_name="s")
    rows_per_worker = b // 32
    fn = functools.partial(
        pl.kernel,
        mesh=mesh,
        out_type=[
            jax.ShapeDtypeStruct((b, CAP), jnp.float32),
            jax.ShapeDtypeStruct((b, CAP), jnp.int32),
        ],
        scratch_types=[
            pltpu.VMEM((v,), jnp.float32),
            pltpu.VMEM((CAP,), jnp.float32),
            pltpu.VMEM((CAP,), jnp.int32),
            pltpu.SMEM((1,), jnp.int32),
        ],
    )(functools.partial(_sc_select_kernel, b, v, rows_per_worker))
    return fn(logits)


def _threefry_bits_at(pos):
    k1 = jnp.uint32(0)
    k2 = jnp.uint32(1)
    ks0, ks1 = k1, k2
    ks2 = k1 ^ k2 ^ jnp.uint32(0x1BD11BDA)

    def rot(x, r):
        return (x << jnp.uint32(r)) | (x >> jnp.uint32(32 - r))

    def rounds(x0, x1, rots):
        for r in rots:
            x0 = x0 + x1
            x1 = rot(x1, r)
            x1 = x0 ^ x1
        return x0, x1

    ra = (13, 15, 26, 6)
    rb = (17, 29, 16, 24)
    x0 = jnp.zeros_like(pos) + ks0
    x1 = pos + ks1
    x0, x1 = rounds(x0, x1, ra); x0 = x0 + ks1; x1 = x1 + ks2 + jnp.uint32(1)
    x0, x1 = rounds(x0, x1, rb); x0 = x0 + ks2; x1 = x1 + ks0 + jnp.uint32(2)
    x0, x1 = rounds(x0, x1, ra); x0 = x0 + ks0; x1 = x1 + ks1 + jnp.uint32(3)
    x0, x1 = rounds(x0, x1, rb); x0 = x0 + ks1; x1 = x1 + ks2 + jnp.uint32(4)
    x0, x1 = rounds(x0, x1, ra); x0 = x0 + ks2; x1 = x1 + ks0 + jnp.uint32(5)
    return x0 ^ x1


def _gumbel_block(row0, v):
    j = lax.broadcasted_iota(jnp.uint32, (BLK, K), 1)
    b = row0.astype(jnp.uint32) + lax.broadcasted_iota(jnp.uint32, (BLK, K), 0)
    bits = _threefry_bits_at(b * jnp.uint32(v) + j)
    f = lax.bitcast_convert_type(
        (bits >> jnp.uint32(9)) | jnp.uint32(0x3F800000), jnp.float32
    ) - jnp.float32(1.0)
    tiny = jnp.float32(1.1754944e-38)
    u = jnp.maximum(tiny, f * (jnp.float32(1.0) - tiny) + tiny)
    return -jnp.log(-jnp.log(u))


def _tc_stats_kernel(logits_ref, temp_ref, m_ref, s_ref):
    x = logits_ref[...] * (jnp.float32(1.0) / temp_ref[...])
    m = jnp.max(x, axis=-1, keepdims=True)
    m_ref[...] = m
    s_ref[...] = jnp.sum(jnp.exp(x - m), axis=-1, keepdims=True)


def _tc_sample_kernel(v, cv_ref, ci_ref, m_ref, s_ref, temp_ref, topk_ref,
                      topp_ref, minp_ref, tok_ref, lp_ref):
    rtemp = jnp.float32(1.0) / temp_ref[...]
    cv = cv_ref[...] * rtemp
    ci = ci_ref[...]
    m = m_ref[...]
    s = s_ref[...]
    p = jnp.exp(cv - m) / s

    def body(k, carry):
        acc_v, acc_i, pw = carry
        mx = jnp.max(pw, axis=-1, keepdims=True)
        ix = jnp.max(jnp.where(pw == mx, ci, -1), axis=-1, keepdims=True)
        pw = jnp.where((pw == mx) & (ci == ix), jnp.float32(-1.0), pw)
        jj = lax.broadcasted_iota(jnp.int32, (BLK, K), 1)
        acc_v = jnp.where(jj == k, mx, acc_v)
        acc_i = jnp.where(jj == k, ix, acc_i)
        return acc_v, acc_i, pw

    topv, topi, _ = lax.fori_loop(
        0, K, body,
        (jnp.zeros((BLK, K), jnp.float32), jnp.zeros((BLK, K), jnp.int32), p),
    )

    cs = topv
    for sh in (1, 2, 4, 8, 16, 32):
        shifted = jnp.concatenate(
            [jnp.zeros((BLK, sh), jnp.float32), cs[:, : K - sh]], axis=1)
        cs = cs + shifted

    jj = lax.broadcasted_iota(jnp.int32, (BLK, K), 1)
    pf = jnp.where(jj >= topk_ref[...], jnp.float32(0.0), topv)
    pf = jnp.where(cs - pf > topp_ref[...], jnp.float32(0.0), pf)
    thr = pf[:, 0:1] * minp_ref[...]
    pf = jnp.where(pf < thr, jnp.float32(0.0), pf)

    row0 = pl.program_id(0) * BLK
    g = _gumbel_block(row0, v)
    score = jnp.where(pf > 0, jnp.log(pf) + g, NEG)
    smax = jnp.max(score, axis=-1, keepdims=True)
    sampled = jnp.min(jnp.where(score == smax, jj, K), axis=-1, keepdims=True)
    onehot = jj == sampled
    tok_ref[...] = jnp.sum(jnp.where(onehot, topi, 0), axis=-1, keepdims=True)
    lp_ref[...] = jnp.sum(
        jnp.where(onehot, jnp.log(topv), jnp.float32(0.0)),
        axis=-1, keepdims=True)


def kernel(logits, temperatures, top_ks, top_ps, min_ps):
    b, v = logits.shape
    grid = b // BLK
    cand_v, cand_i = _sc_select(logits)
    m, s = pl.pallas_call(
        _tc_stats_kernel,
        grid=(grid,),
        in_specs=[
            pl.BlockSpec((BLK, v), lambda i: (i, 0)),
            pl.BlockSpec((BLK, 1), lambda i: (i, 0)),
        ],
        out_specs=[
            pl.BlockSpec((BLK, 1), lambda i: (i, 0)),
            pl.BlockSpec((BLK, 1), lambda i: (i, 0)),
        ],
        out_shape=[
            jax.ShapeDtypeStruct((b, 1), jnp.float32),
            jax.ShapeDtypeStruct((b, 1), jnp.float32),
        ],
    )(logits, temperatures)
    tok, lp = pl.pallas_call(
        functools.partial(_tc_sample_kernel, v),
        grid=(grid,),
        in_specs=[
            pl.BlockSpec((BLK, CAP), lambda i: (i, 0)),
            pl.BlockSpec((BLK, CAP), lambda i: (i, 0)),
            pl.BlockSpec((BLK, 1), lambda i: (i, 0)),
            pl.BlockSpec((BLK, 1), lambda i: (i, 0)),
            pl.BlockSpec((BLK, 1), lambda i: (i, 0)),
            pl.BlockSpec((BLK, 1), lambda i: (i, 0)),
            pl.BlockSpec((BLK, 1), lambda i: (i, 0)),
            pl.BlockSpec((BLK, 1), lambda i: (i, 0)),
        ],
        out_specs=[
            pl.BlockSpec((BLK, 1), lambda i: (i, 0)),
            pl.BlockSpec((BLK, 1), lambda i: (i, 0)),
        ],
        out_shape=[
            jax.ShapeDtypeStruct((b, 1), jnp.int32),
            jax.ShapeDtypeStruct((b, 1), jnp.float32),
        ],
    )(
        cand_v,
        cand_i,
        m,
        s,
        temperatures,
        top_ks.reshape(b, 1),
        top_ps.reshape(b, 1),
        min_ps.reshape(b, 1),
    )
    return tok[:, 0], lp[:, 0]

# --- scband reference (transcript-rebuilt; emitter-appended) ---
"""Pipeline reference for scband-sampler-58806692217204 (READ-ONLY COPY).

The authoritative reference and input builder live on the scoring server;
editing this copy changes nothing except your own understanding.
"""

import jax, jax.numpy as jnp
import numpy as np

B = 128
V = 100000

def setup_inputs(seed: int = 0) -> dict:
    key = jax.random.key(seed)
    k1, k2, k3, k4 = jax.random.split(key, 4)
    logits = jax.random.normal(k1, (B, V), dtype=jnp.float32)
    temperatures = jnp.ones((B, 1), dtype=jnp.float32)
    # top_ks must be >= 1 so at least one token survives the top-k mask
    top_ks = jax.random.randint(k2, (B,), 1, 64).astype(jnp.int32)
    top_ps = jax.random.uniform(k3, (B,), dtype=jnp.float32)
    min_ps = jax.random.uniform(k4, (B,), dtype=jnp.float32)
    return {"logits": logits, "temperatures": temperatures, "top_ks": top_ks, "top_ps": top_ps, "min_ps": min_ps}

def reference(logits, temperatures, top_ks, top_ps, min_ps):
    # non-greedy sampling path with return_logprob=True, need_min_p_sampling=True
    logits = jnp.reshape(logits, (-1, logits.shape[-1]))
    logits = jnp.divide(logits, temperatures)
    probs = jax.nn.softmax(logits, axis=-1)
    # _sample_part_a
    probs_sort = jnp.sort(probs, axis=-1)[:, ::-1]
    probs_idx = jnp.argsort(probs, axis=-1)[:, ::-1]
    probs_sum = jnp.cumsum(probs_sort, axis=-1)
    top_k_mask = jnp.arange(0, probs.shape[-1]).reshape(1, -1) >= top_ks.reshape(-1, 1)
    probs_sort = jnp.where(top_k_mask, 0.0, probs_sort)
    top_p_mask = probs_sum - probs_sort > top_ps.reshape(-1, 1)
    probs_sort = jnp.where(top_p_mask, 0.0, probs_sort)
    min_p_thresholds = probs_sort[:, 0] * min_ps
    min_p_mask = probs_sort < min_p_thresholds.reshape(-1, 1)
    probs_sort = jnp.where(min_p_mask, 0.0, probs_sort)
    # categorical sample over filtered sorted probs (fixed rng key)
    sampled_index = jax.random.categorical(jax.random.key(1), jnp.log(probs_sort)).reshape(-1, 1)
    # _sample_part_b
    batch_next_token_ids = jnp.take_along_axis(probs_idx.astype(jnp.int32), sampled_index, axis=1).flatten()
    # logprobs (return_logprob path)
    logprobs = jnp.log(probs).clip(min=jnp.finfo(probs.dtype).min)
    next_token_logprobs = logprobs[jnp.arange(batch_next_token_ids.shape[0]), batch_next_token_ids]
    return (batch_next_token_ids, next_token_logprobs)

if __name__ == "__main__":
    import jax
    _d = setup_inputs()
    print(jax.jit(kernel)(*tuple(_d.values())))

</pallas_src>

<mosaic_0001>
#map = affine_map<(d0, d1) -> (0, 0)>
module attributes {stable_mosaic.version = 14 : i64} {
  func.func @_sc_select_kernel(%arg0: i32, %arg1: i32, %arg2: memref<128x100000xf32, #tpu.memory_space<hbm>>, %arg3: memref<128x1024xf32, #tpu.memory_space<hbm>>, %arg4: memref<128x1024xi32, #tpu.memory_space<hbm>>, %arg5: memref<100000xf32, #tpu.memory_space<vmem>>, %arg6: memref<1024xf32, #tpu.memory_space<vmem>>, %arg7: memref<1024xi32, #tpu.memory_space<vmem>>, %arg8: memref<1xi32, #tpu.memory_space<smem>>) attributes {dimension_semantics = [#tpu.dimension_semantics<core_parallel>, #tpu.dimension_semantics<subcore_parallel>], iteration_bounds = array<i64: 2, 16>, scalar_prefetch = 0 : i64, scratch_operands = 4 : i64, tpu.core_type = #tpu.core_type<sc_vector_subcore>, window_params = [{transform_indices = #map}, {transform_indices = #map}, {transform_indices = #map}]} {
    %mul3A = arith.constant 2 : i32
    %mul3A_0 = arith.muli %arg1, %mul3A : i32
    %add3A = arith.addi %mul3A_0, %arg0 : i32
    %iota3A = tpu.iota {dimensions = array<i32: 0>} : vector<16xi32>
    %scan3A = arith.constant 0 : i32
    %scan3A_1 = arith.constant 0 : i32
    %scan3A_2 = arith.constant 4 : i32
    %scan3A_3 = arith.addi %scan3A_1, %scan3A_2 : i32
    %scan3A_4 = arith.constant 1 : i32
    %scan3A_5 = scf.for %scan3A_7 = %scan3A_1 to %scan3A_3 step %scan3A_4 iter_args(%scan3A_8 = %scan3A) -> (i32)  : i32 {
      %mul3A_9 = arith.constant 4 : i32
      %mul3A_10 = arith.muli %add3A, %mul3A_9 : i32
      %add3A_11 = arith.addi %mul3A_10, %scan3A_7 : i32
      "tpu.region"() ({
        %run_scoped3A = tpu.sem_alloc : memref<!tpu.dma_semaphore, #tpu.memory_space<semaphore_mem>>
        %dma_start3A = arith.constant 0 : i32
        %dma_start3A_62 = tpu.memref_slice %arg2[%add3A_11, %dma_start3A] : memref<128x100000xf32, #tpu.memory_space<hbm>> -> memref<1x100000xf32, #tpu.memory_space<hbm>>
        %dma_start3A_63 = tpu.memref_squeeze %dma_start3A_62 : memref<1x100000xf32, #tpu.memory_space<hbm>> -> memref<100000xf32, #tpu.memory_space<hbm>>
        %dma_start3A_64 = arith.constant 0 : i32
        %dma_start3A_65 = tpu.memref_slice %arg2[%add3A_11, %dma_start3A_64] : memref<128x100000xf32, #tpu.memory_space<hbm>> -> memref<1x100000xf32, #tpu.memory_space<hbm>>
        %dma_start3A_66 = tpu.memref_squeeze %dma_start3A_65 : memref<1x100000xf32, #tpu.memory_space<hbm>> -> memref<100000xf32, #tpu.memory_space<hbm>>
        tpu.enqueue_dma source(%dma_start3A_66 : memref<100000xf32, #tpu.memory_space<hbm>>) target(%arg5 : memref<100000xf32, #tpu.memory_space<vmem>>) target_semaphore(%run_scoped3A : memref<!tpu.dma_semaphore, #tpu.memory_space<semaphore_mem>>)
        %dma_wait3A = arith.constant 0 : i32
        %dma_wait3A_67 = tpu.memref_slice %arg2[%add3A_11, %dma_wait3A] : memref<128x100000xf32, #tpu.memory_space<hbm>> -> memref<1x100000xf32, #tpu.memory_space<hbm>>
        %dma_wait3A_68 = tpu.memref_squeeze %dma_wait3A_67 : memref<1x100000xf32, #tpu.memory_space<hbm>> -> memref<100000xf32, #tpu.memory_space<hbm>>
        %dma_wait3A_69 = arith.constant 0 : i32
        %dma_wait3A_70 = tpu.memref_slice %arg2[%add3A_11, %dma_wait3A_69] : memref<128x100000xf32, #tpu.memory_space<hbm>> -> memref<1x100000xf32, #tpu.memory_space<hbm>>
        %dma_wait3A_71 = tpu.memref_squeeze %dma_wait3A_70 : memref<1x100000xf32, #tpu.memory_space<hbm>> -> memref<100000xf32, #tpu.memory_space<hbm>>
        tpu.wait_dma2 semaphore(%run_scoped3A : memref<!tpu.dma_semaphore, #tpu.memory_space<semaphore_mem>>) src(%dma_wait3A_71 : memref<100000xf32, #tpu.memory_space<hbm>>) dst(%arg5 : memref<100000xf32, #tpu.memory_space<vmem>>)
        tpu.yield
      }) : () -> ()
      %scan3A_12 = arith.constant 0 : i32
      %scan3A_13 = arith.constant 0 : i32
      %scan3A_14 = arith.constant 64 : i32
      %scan3A_15 = arith.addi %scan3A_13, %scan3A_14 : i32
      %scan3A_16 = arith.constant 1 : i32
      %scan3A_17 = scf.for %scan3A_62 = %scan3A_13 to %scan3A_15 step %scan3A_16 iter_args(%scan3A_63 = %scan3A_12) -> (i32)  : i32 {
        %broadcast_in_dim3A_64 = arith.constant -3.000000e+38 : f32
        %broadcast_in_dim3A_65 = vector.broadcast %broadcast_in_dim3A_64 : f32 to vector<16xf32>
        %mul3A_66 = arith.constant 16 : i32
        %mul3A_67 = arith.muli %scan3A_62, %mul3A_66 : i32
        %swap3A_68 = arith.index_cast %mul3A_67 : i32 to index
        %swap3A_69 = tpu.vector_load %arg6[%swap3A_68] {strides = array<i32>} : memref<1024xf32, #tpu.memory_space<vmem>>, vector<16xf32>,
        %swap3A_70 = vector.shape_cast %swap3A_69 : vector<16xf32> to vector<16xf32>
        %swap3A_71 = vector.shape_cast %broadcast_in_dim3A_65 : vector<16xf32> to vector<16xf32>
        tpu.vector_store %arg6[%swap3A_68], %swap3A_71 {strides = array<i32>} : memref<1024xf32, #tpu.memory_space<vmem>>, vector<16xf32>,
        %broadcast_in_dim3A_72 = arith.constant 0 : i32
        %broadcast_in_dim3A_73 = vector.broadcast %broadcast_in_dim3A_72 : i32 to vector<16xi32>
        %mul3A_74 = arith.constant 16 : i32
        %mul3A_75 = arith.muli %scan3A_62, %mul3A_74 : i32
        %swap3A_76 = arith.index_cast %mul3A_75 : i32 to index
        %swap3A_77 = tpu.vector_load %arg7[%swap3A_76] {strides = array<i32>} : memref<1024xi32, #tpu.memory_space<vmem>>, vector<16xi32>,
        %swap3A_78 = vector.shape_cast %swap3A_77 : vector<16xi32> to vector<16xi32>
        %swap3A_79 = vector.shape_cast %broadcast_in_dim3A_73 : vector<16xi32> to vector<16xi32>
        tpu.vector_store %arg7[%swap3A_76], %swap3A_79 {strides = array<i32>} : memref<1024xi32, #tpu.memory_space<vmem>>, vector<16xi32>,
        %scan3A_80 = arith.constant 0 : i32
        scf.yield %scan3A_80 : i32
      }
      %scan3A_18 = arith.constant 64 : i32
      %broadcast_in_dim3A = arith.constant -3.000000e+38 : f32
      %broadcast_in_dim3A_19 = vector.broadcast %broadcast_in_dim3A : f32 to vector<16xf32>
      %scan3A_20 = arith.constant 0 : i32
      %scan3A_21 = arith.constant 250 : i32
      %scan3A_22 = arith.addi %scan3A_20, %scan3A_21 : i32
      %scan3A_23 = arith.constant 1 : i32
      %scan3A_24:4 = scf.for %scan3A_62 = %scan3A_20 to %scan3A_22 step %scan3A_23 iter_args(%scan3A_63 = %broadcast_in_dim3A_19, %scan3A_64 = %broadcast_in_dim3A_19, %scan3A_65 = %broadcast_in_dim3A_19, %scan3A_66 = %broadcast_in_dim3A_19) -> (vector<16xf32>, vector<16xf32>, vector<16xf32>, vector<16xf32>)  : i32 {
        %mul3A_67 = arith.constant 400 : i32
        %mul3A_68 = arith.muli %scan3A_62, %mul3A_67 : i32
        %get3A = arith.index_cast %mul3A_68 : i32 to index
        %get3A_69 = tpu.vector_load %arg5[%get3A] {strides = array<i32>} : memref<100000xf32, #tpu.memory_space<vmem>>, vector<16xf32>,
        %get3A_70 = vector.shape_cast %get3A_69 : vector<16xf32> to vector<16xf32>
        %mul3A_71 = arith.constant 400 : i32
        %mul3A_72 = arith.muli %scan3A_62, %mul3A_71 : i32
        %add3A_73 = arith.constant 16 : i32
        %add3A_74 = arith.addi %mul3A_72, %add3A_73 : i32
        %get3A_75 = arith.index_cast %add3A_74 : i32 to index
        %get3A_76 = tpu.vector_load %arg5[%get3A_75] {strides = array<i32>} : memref<100000xf32, #tpu.memory_space<vmem>>, vector<16xf32>,
        %get3A_77 = vector.shape_cast %get3A_76 : vector<16xf32> to vector<16xf32>
        %max3A = arith.maximumf %get3A_70, %get3A_77 : vector<16xf32>
        %mul3A_78 = arith.constant 400 : i32
        %mul3A_79 = arith.muli %scan3A_62, %mul3A_78 : i32
        %add3A_80 = arith.constant 32 : i32
        %add3A_81 = arith.addi %mul3A_79, %add3A_80 : i32
        %get3A_82 = arith.index_cast %add3A_81 : i32 to index
        %get3A_83 = tpu.vector_load %arg5[%get3A_82] {strides = array<i32>} : memref<100000xf32, #tpu.memory_space<vmem>>, vector<16xf32>,
        %get3A_84 = vector.shape_cast %get3A_83 : vector<16xf32> to vector<16xf32>
        %max3A_85 = arith.maximumf %max3A, %get3A_84 : vector<16xf32>
        %mul3A_86 = arith.constant 400 : i32
        %mul3A_87 = arith.muli %scan3A_62, %mul3A_86 : i32
        %add3A_88 = arith.constant 48 : i32
        %add3A_89 = arith.addi %mul3A_87, %add3A_88 : i32
        %get3A_90 = arith.index_cast %add3A_89 : i32 to index
        %get3A_91 = tpu.vector_load %arg5[%get3A_90] {strides = array<i32>} : memref<100000xf32, #tpu.memory_space<vmem>>, vector<16xf32>,
        %get3A_92 = vector.shape_cast %get3A_91 : vector<16xf32> to vector<16xf32>
        %max3A_93 = arith.maximumf %max3A_85, %get3A_92 : vector<16xf32>
        %mul3A_94 = arith.constant 400 : i32
        %mul3A_95 = arith.muli %scan3A_62, %mul3A_94 : i32
        %add3A_96 = arith.constant 64 : i32
        %add3A_97 = arith.addi %mul3A_95, %add3A_96 : i32
        %get3A_98 = arith.index_cast %add3A_97 : i32 to index
        %get3A_99 = tpu.vector_load %arg5[%get3A_98] {strides = array<i32>} : memref<100000xf32, #tpu.memory_space<vmem>>, vector<16xf32>,
        %get3A_100 = vector.shape_cast %get3A_99 : vector<16xf32> to vector<16xf32>
        %max3A_101 = arith.maximumf %max3A_93, %get3A_100 : vector<16xf32>
        %mul3A_102 = arith.constant 400 : i32
        %mul3A_103 = arith.muli %scan3A_62, %mul3A_102 : i32
        %add3A_104 = arith.constant 80 : i32
        %add3A_105 = arith.addi %mul3A_103, %add3A_104 : i32
        %get3A_106 = arith.index_cast %add3A_105 : i32 to index
        %get3A_107 = tpu.vector_load %arg5[%get3A_106] {strides = array<i32>} : memref<100000xf32, #tpu.memory_space<vmem>>, vector<16xf32>,
        %get3A_108 = vector.shape_cast %get3A_107 : vector<16xf32> to vector<16xf32>
        %max3A_109 = arith.maximumf %max3A_101, %get3A_108 : vector<16xf32>
        %mul3A_110 = arith.constant 400 : i32
        %mul3A_111 = arith.muli %scan3A_62, %mul3A_110 : i32
        %add3A_112 = arith.constant 96 : i32
        %add3A_113 = arith.addi %mul3A_111, %add3A_112 : i32
        %get3A_114 = arith.index_cast %add3A_113 : i32 to index
        %get3A_115 = tpu.vector_load %arg5[%get3A_114] {strides = array<i32>} : memref<100000xf32, #tpu.memory_space<vmem>>, vector<16xf32>,
        %get3A_116 = vector.shape_cast %get3A_115 : vector<16xf32> to vector<16xf32>
        %max3A_117 = arith.maximumf %max3A_109, %get3A_116 : vector<16xf32>
        %mul3A_118 = arith.constant 400 : i32
        %mul3A_119 = arith.muli %scan3A_62, %mul3A_118 : i32
        %add3A_120 = arith.constant 112 : i32
        %add3A_121 = arith.addi %mul3A_119, %add3A_120 : i32
        %get3A_122 = arith.index_cast %add3A_121 : i32 to index
        %get3A_123 = tpu.vector_load %arg5[%get3A_122] {strides = array<i32>} : memref<100000xf32, #tpu.memory_space<vmem>>, vector<16xf32>,
        %get3A_124 = vector.shape_cast %get3A_123 : vector<16xf32> to vector<16xf32>
        %max3A_125 = arith.maximumf %max3A_117, %get3A_124 : vector<16xf32>
        %mul3A_126 = arith.constant 400 : i32
        %mul3A_127 = arith.muli %scan3A_62, %mul3A_126 : i32
        %add3A_128 = arith.constant 128 : i32
        %add3A_129 = arith.addi %mul3A_127, %add3A_128 : i32
        %get3A_130 = arith.index_cast %add3A_129 : i32 to index
        %get3A_131 = tpu.vector_load %arg5[%get3A_130] {strides = array<i32>} : memref<100000xf32, #tpu.memory_space<vmem>>, vector<16xf32>,
        %get3A_132 = vector.shape_cast %get3A_131 : vector<16xf32> to vector<16xf32>
        %max3A_133 = arith.maximumf %max3A_125, %get3A_132 : vector<16xf32>
        %mul3A_134 = arith.constant 400 : i32
        %mul3A_135 = arith.muli %scan3A_62, %mul3A_134 : i32
        %add3A_136 = arith.constant 144 : i32
        %add3A_137 = arith.addi %mul3A_135, %add3A_136 : i32
        %get3A_138 = arith.index_cast %add3A_137 : i32 to index
        %get3A_139 = tpu.vector_load %arg5[%get3A_138] {strides = array<i32>} : memref<100000xf32, #tpu.memory_space<vmem>>, vector<16xf32>,
        %get3A_140 = vector.shape_cast %get3A_139 : vector<16xf32> to vector<16xf32>
        %max3A_141 = arith.maximumf %max3A_133, %get3A_140 : vector<16xf32>
        %mul3A_142 = arith.constant 400 : i32
        %mul3A_143 = arith.muli %scan3A_62, %mul3A_142 : i32
        %add3A_144 = arith.constant 160 : i32
        %add3A_145 = arith.addi %mul3A_143, %add3A_144 : i32
        %get3A_146 = arith.index_cast %add3A_145 : i32 to index
        %get3A_147 = tpu.vector_load %arg5[%get3A_146] {strides = array<i32>} : memref<100000xf32, #tpu.memory_space<vmem>>, vector<16xf32>,
        %get3A_148 = vector.shape_cast %get3A_147 : vector<16xf32> to vector<16xf32>
        %max3A_149 = arith.maximumf %max3A_141, %get3A_148 : vector<16xf32>
        %mul3A_150 = arith.constant 400 : i32
        %mul3A_151 = arith.muli %scan3A_62, %mul3A_150 : i32
        %add3A_152 = arith.constant 176 : i32
        %add3A_153 = arith.addi %mul3A_151, %add3A_152 : i32
        %get3A_154 = arith.index_cast %add3A_153 : i32 to index
        %get3A_155 = tpu.vector_load %arg5[%get3A_154] {strides = array<i32>} : memref<100000xf32, #tpu.memory_space<vmem>>, vector<16xf32>,
        %get3A_156 = vector.shape_cast %get3A_155 : vector<16xf32> to vector<16xf32>
        %max3A_157 = arith.maximumf %max3A_149, %get3A_156 : vector<16xf32>
        %mul3A_158 = arith.constant 400 : i32
        %mul3A_159 = arith.muli %scan3A_62, %mul3A_158 : i32
        %add3A_160 = arith.constant 192 : i32
        %add3A_161 = arith.addi %mul3A_159, %add3A_160 : i32
        %get3A_162 = arith.index_cast %add3A_161 : i32 to index
        %get3A_163 = tpu.vector_load %arg5[%get3A_162] {strides = array<i32>} : memref<100000xf32, #tpu.memory_space<vmem>>, vector<16xf32>,
        %get3A_164 = vector.shape_cast %get3A_163 : vector<16xf32> to vector<16xf32>
        %max3A_165 = arith.maximumf %max3A_157, %get3A_164 : vector<16xf32>
        %mul3A_166 = arith.constant 400 : i32
        %mul3A_167 = arith.muli %scan3A_62, %mul3A_166 : i32
        %add3A_168 = arith.constant 208 : i32
        %add3A_169 = arith.addi %mul3A_167, %add3A_168 : i32
        %get3A_170 = arith.index_cast %add3A_169 : i32 to index
        %get3A_171 = tpu.vector_load %arg5[%get3A_170] {strides = array<i32>} : memref<100000xf32, #tpu.memory_space<vmem>>, vector<16xf32>,
        %get3A_172 = vector.shape_cast %get3A_171 : vector<16xf32> to vector<16xf32>
        %max3A_173 = arith.maximumf %max3A_165, %get3A_172 : vector<16xf32>
        %mul3A_174 = arith.constant 400 : i32
        %mul3A_175 = arith.muli %scan3A_62, %mul3A_174 : i32
        %add3A_176 = arith.constant 224 : i32
        %add3A_177 = arith.addi %mul3A_175, %add3A_176 : i32
        %get3A_178 = arith.index_cast %add3A_177 : i32 to index
        %get3A_179 = tpu.vector_load %arg5[%get3A_178] {strides = array<i32>} : memref<100000xf32, #tpu.memory_space<vmem>>, vector<16xf32>,
        %get3A_180 = vector.shape_cast %get3A_179 : vector<16xf32> to vector<16xf32>
        %max3A_181 = arith.maximumf %max3A_173, %get3A_180 : vector<16xf32>
        %mul3A_182 = arith.constant 400 : i32
        %mul3A_183 = arith.muli %scan3A_62, %mul3A_182 : i32
        %add3A_184 = arith.constant 240 : i32
        %add3A_185 = arith.addi %mul3A_183, %add3A_184 : i32
        %get3A_186 = arith.index_cast %add3A_185 : i32 to index
        %get3A_187 = tpu.vector_load %arg5[%get3A_186] {strides = array<i32>} : memref<100000xf32, #tpu.memory_space<vmem>>, vector<16xf32>,
        %get3A_188 = vector.shape_cast %get3A_187 : vector<16xf32> to vector<16xf32>
        %max3A_189 = arith.maximumf %max3A_181, %get3A_188 : vector<16xf32>
        %mul3A_190 = arith.constant 400 : i32
        %mul3A_191 = arith.muli %scan3A_62, %mul3A_190 : i32
        %add3A_192 = arith.constant 256 : i32
        %add3A_193 = arith.addi %mul3A_191, %add3A_192 : i32
        %get3A_194 = arith.index_cast %add3A_193 : i32 to index
        %get3A_195 = tpu.vector_load %arg5[%get3A_194] {strides = array<i32>} : memref<100000xf32, #tpu.memory_space<vmem>>, vector<16xf32>,
        %get3A_196 = vector.shape_cast %get3A_195 : vector<16xf32> to vector<16xf32>
        %max3A_197 = arith.maximumf %max3A_189, %get3A_196 : vector<16xf32>
        %mul3A_198 = arith.constant 400 : i32
        %mul3A_199 = arith.muli %scan3A_62, %mul3A_198 : i32
        %add3A_200 = arith.constant 272 : i32
        %add3A_201 = arith.addi %mul3A_199, %add3A_200 : i32
        %get3A_202 = arith.index_cast %add3A_201 : i32 to index
        %get3A_203 = tpu.vector_load %arg5[%get3A_202] {strides = array<i32>} : memref<100000xf32, #tpu.memory_space<vmem>>, vector<16xf32>,
        %get3A_204 = vector.shape_cast %get3A_203 : vector<16xf32> to vector<16xf32>
        %max3A_205 = arith.maximumf %max3A_197, %get3A_204 : vector<16xf32>
        %mul3A_206 = arith.constant 400 : i32
        %mul3A_207 = arith.muli %scan3A_62, %mul3A_206 : i32
        %add3A_208 = arith.constant 288 : i32
        %add3A_209 = arith.addi %mul3A_207, %add3A_208 : i32
        %get3A_210 = arith.index_cast %add3A_209 : i32 to index
        %get3A_211 = tpu.vector_load %arg5[%get3A_210] {strides = array<i32>} : memref<100000xf32, #tpu.memory_space<vmem>>, vector<16xf32>,
        %get3A_212 = vector.shape_cast %get3A_211 : vector<16xf32> to vector<16xf32>
        %max3A_213 = arith.maximumf %max3A_205, %get3A_212 : vector<16xf32>
        %mul3A_214 = arith.constant 400 : i32
        %mul3A_215 = arith.muli %scan3A_62, %mul3A_214 : i32
        %add3A_216 = arith.constant 304 : i32
        %add3A_217 = arith.addi %mul3A_215, %add3A_216 : i32
        %get3A_218 = arith.index_cast %add3A_217 : i32 to index
        %get3A_219 = tpu.vector_load %arg5[%get3A_218] {strides = array<i32>} : memref<100000xf32, #tpu.memory_space<vmem>>, vector<16xf32>,
        %get3A_220 = vector.shape_cast %get3A_219 : vector<16xf32> to vector<16xf32>
        %max3A_221 = arith.maximumf %max3A_213, %get3A_220 : vector<16xf32>
        %mul3A_222 = arith.constant 400 : i32
        %mul3A_223 = arith.muli %scan3A_62, %mul3A_222 : i32
        %add3A_224 = arith.constant 320 : i32
        %add3A_225 = arith.addi %mul3A_223, %add3A_224 : i32
        %get3A_226 = arith.index_cast %add3A_225 : i32 to index
        %get3A_227 = tpu.vector_load %arg5[%get3A_226] {strides = array<i32>} : memref<100000xf32, #tpu.memory_space<vmem>>, vector<16xf32>,
        %get3A_228 = vector.shape_cast %get3A_227 : vector<16xf32> to vector<16xf32>
        %max3A_229 = arith.maximumf %max3A_221, %get3A_228 : vector<16xf32>
        %mul3A_230 = arith.constant 400 : i32
        %mul3A_231 = arith.muli %scan3A_62, %mul3A_230 : i32
        %add3A_232 = arith.constant 336 : i32
        %add3A_233 = arith.addi %mul3A_231, %add3A_232 : i32
        %get3A_234 = arith.index_cast %add3A_233 : i32 to index
        %get3A_235 = tpu.vector_load %arg5[%get3A_234] {strides = array<i32>} : memref<100000xf32, #tpu.memory_space<vmem>>, vector<16xf32>,
        %get3A_236 = vector.shape_cast %get3A_235 : vector<16xf32> to vector<16xf32>
        %max3A_237 = arith.maximumf %max3A_229, %get3A_236 : vector<16xf32>
        %mul3A_238 = arith.constant 400 : i32
        %mul3A_239 = arith.muli %scan3A_62, %mul3A_238 : i32
        %add3A_240 = arith.constant 352 : i32
        %add3A_241 = arith.addi %mul3A_239, %add3A_240 : i32
        %get3A_242 = arith.index_cast %add3A_241 : i32 to index
        %get3A_243 = tpu.vector_load %arg5[%get3A_242] {strides = array<i32>} : memref<100000xf32, #tpu.memory_space<vmem>>, vector<16xf32>,
        %get3A_244 = vector.shape_cast %get3A_243 : vector<16xf32> to vector<16xf32>
        %max3A_245 = arith.maximumf %max3A_237, %get3A_244 : vector<16xf32>
        %mul3A_246 = arith.constant 400 : i32
        %mul3A_247 = arith.muli %scan3A_62, %mul3A_246 : i32
        %add3A_248 = arith.constant 368 : i32
        %add3A_249 = arith.addi %mul3A_247, %add3A_248 : i32
        %get3A_250 = arith.index_cast %add3A_249 : i32 to index
        %get3A_251 = tpu.vector_load %arg5[%get3A_250] {strides = array<i32>} : memref<100000xf32, #tpu.memory_space<vmem>>, vector<16xf32>,
        %get3A_252 = vector.shape_cast %get3A_251 : vector<16xf32> to vector<16xf32>
        %max3A_253 = arith.maximumf %max3A_245, %get3A_252 : vector<16xf32>
        %mul3A_254 = arith.constant 400 : i32
        %mul3A_255 = arith.muli %scan3A_62, %mul3A_254 : i32
        %add3A_256 = arith.constant 384 : i32
        %add3A_257 = arith.addi %mul3A_255, %add3A_256 : i32
        %get3A_258 = arith.index_cast %add3A_257 : i32 to index
        %get3A_259 = tpu.vector_load %arg5[%get3A_258] {strides = array<i32>} : memref<100000xf32, #tpu.memory_space<vmem>>, vector<16xf32>,
        %get3A_260 = vector.shape_cast %get3A_259 : vector<16xf32> to vector<16xf32>
        %max3A_261 = arith.maximumf %max3A_253, %get3A_260 : vector<16xf32>
        %max3A_262 = arith.maximumf %scan3A_63, %max3A_261 : vector<16xf32>
        %min3A_263 = arith.minimumf %scan3A_63, %max3A_261 : vector<16xf32>
        %max3A_264 = arith.maximumf %scan3A_64, %min3A_263 : vector<16xf32>
        %min3A_265 = arith.minimumf %scan3A_64, %min3A_263 : vector<16xf32>
        %max3A_266 = arith.maximumf %scan3A_65, %min3A_265 : vector<16xf32>
        %min3A_267 = arith.minimumf %scan3A_65, %min3A_265 : vector<16xf32>
        %max3A_268 = arith.maximumf %scan3A_66, %min3A_267 : vector<16xf32>
        scf.yield %max3A_262, %max3A_264, %max3A_266, %max3A_268 : vector<16xf32>, vector<16xf32>, vector<16xf32>, vector<16xf32>
      }
      %scan3A_25 = arith.constant 250 : i32
      %xor3A = arith.constant 1 : i32
      %xor3A_26 = vector.broadcast %xor3A : i32 to vector<16xi32>
      %xor3A_27 = arith.xori %iota3A, %xor3A_26 : vector<16xi32>
      %broadcast_in_dim3A_28 = vector.shape_cast %xor3A_27 : vector<16xi32> to vector<16x1xi32>
      %gather3A = vector.shape_cast %broadcast_in_dim3A_28 : vector<16x1xi32> to vector<16xi32>
      %gather3A_29 = tpu.dynamic_gather %scan3A_24#3[%gather3A] in [0] : vector<16xf32>, vector<16xi32> -> vector<16xf32>
      %min3A = arith.minimumf %scan3A_24#3, %gather3A_29 : vector<16xf32>
      %xor3A_30 = arith.constant 2 : i32
      %xor3A_31 = vector.broadcast %xor3A_30 : i32 to vector<16xi32>
      %xor3A_32 = arith.xori %iota3A, %xor3A_31 : vector<16xi32>
      %broadcast_in_dim3A_33 = vector.shape_cast %xor3A_32 : vector<16xi32> to vector<16x1xi32>
      %gather3A_34 = vector.shape_cast %broadcast_in_dim3A_33 : vector<16x1xi32> to vector<16xi32>
      %gather3A_35 = tpu.dynamic_gather %min3A[%gather3A_34] in [0] : vector<16xf32>, vector<16xi32> -> vector<16xf32>
      %min3A_36 = arith.minimumf %min3A, %gather3A_35 : vector<16xf32>
      %xor3A_37 = arith.constant 4 : i32
      %xor3A_38 = vector.broadcast %xor3A_37 : i32 to vector<16xi32>
      %xor3A_39 = arith.xori %iota3A, %xor3A_38 : vector<16xi32>
      %broadcast_in_dim3A_40 = vector.shape_cast %xor3A_39 : vector<16xi32> to vector<16x1xi32>
      %gather3A_41 = vector.shape_cast %broadcast_in_dim3A_40 : vector<16x1xi32> to vector<16xi32>
      %gather3A_42 = tpu.dynamic_gather %min3A_36[%gather3A_41] in [0] : vector<16xf32>, vector<16xi32> -> vector<16xf32>
      %min3A_43 = arith.minimumf %min3A_36, %gather3A_42 : vector<16xf32>
      %xor3A_44 = arith.constant 8 : i32
      %xor3A_45 = vector.broadcast %xor3A_44 : i32 to vector<16xi32>
      %xor3A_46 = arith.xori %iota3A, %xor3A_45 : vector<16xi32>
      %broadcast_in_dim3A_47 = vector.shape_cast %xor3A_46 : vector<16xi32> to vector<16x1xi32>
      %gather3A_48 = vector.shape_cast %broadcast_in_dim3A_47 : vector<16x1xi32> to vector<16xi32>
      %gather3A_49 = tpu.dynamic_gather %min3A_43[%gather3A_48] in [0] : vector<16xf32>, vector<16xi32> -> vector<16xf32>
      %min3A_50 = arith.minimumf %min3A_43, %gather3A_49 : vector<16xf32>
      %swap3A = arith.constant 0 : i32
      %swap3A_51 = arith.constant 0 : i32
      %swap3A_52 = arith.index_cast %swap3A_51 : i32 to index
      %swap3A_53 = memref.load %arg8[%swap3A_52] : memref<1xi32, #tpu.memory_space<smem>>
      memref.store %swap3A, %arg8[%swap3A_52] : memref<1xi32, #tpu.memory_space<smem>>
      %scan3A_54 = arith.constant 0 : i32
      %scan3A_55 = arith.constant 0 : i32
      %scan3A_56 = arith.constant 625 : i32
      %scan3A_57 = arith.addi %scan3A_55, %scan3A_56 : i32
      %scan3A_58 = arith.constant 1 : i32
      %scan3A_59 = scf.for %scan3A_62 = %scan3A_55 to %scan3A_57 step %scan3A_58 iter_args(%scan3A_63 = %scan3A_54) -> (i32)  : i32 {
        %mul3A_64 = arith.constant 160 : i32
        %mul3A_65 = arith.muli %scan3A_62, %mul3A_64 : i32
        %add3A_66 = arith.constant 0 : i32
        %add3A_67 = arith.addi %mul3A_65, %add3A_66 : i32
        %get3A = arith.index_cast %add3A_67 : i32 to index
        %get3A_68 = tpu.vector_load %arg5[%get3A] {strides = array<i32>} : memref<100000xf32, #tpu.memory_space<vmem>>, vector<16xf32>,
        %get3A_69 = vector.shape_cast %get3A_68 : vector<16xf32> to vector<16xf32>
        %add3A_70 = arith.constant 16 : i32
        %add3A_71 = arith.addi %mul3A_65, %add3A_70 : i32
        %get3A_72 = arith.index_cast %add3A_71 : i32 to index
        %get3A_73 = tpu.vector_load %arg5[%get3A_72] {strides = array<i32>} : memref<100000xf32, #tpu.memory_space<vmem>>, vector<16xf32>,
        %get3A_74 = vector.shape_cast %get3A_73 : vector<16xf32> to vector<16xf32>
        %add3A_75 = arith.constant 32 : i32
        %add3A_76 = arith.addi %mul3A_65, %add3A_75 : i32
        %get3A_77 = arith.index_cast %add3A_76 : i32 to index
        %get3A_78 = tpu.vector_load %arg5[%get3A_77] {strides = array<i32>} : memref<100000xf32, #tpu.memory_space<vmem>>, vector<16xf32>,
        %get3A_79 = vector.shape_cast %get3A_78 : vector<16xf32> to vector<16xf32>
        %add3A_80 = arith.constant 48 : i32
        %add3A_81 = arith.addi %mul3A_65, %add3A_80 : i32
        %get3A_82 = arith.index_cast %add3A_81 : i32 to index
        %get3A_83 = tpu.vector_load %arg5[%get3A_82] {strides = array<i32>} : memref<100000xf32, #tpu.memory_space<vmem>>, vector<16xf32>,
        %get3A_84 = vector.shape_cast %get3A_83 : vector<16xf32> to vector<16xf32>
        %add3A_85 = arith.constant 64 : i32
        %add3A_86 = arith.addi %mul3A_65, %add3A_85 : i32
        %get3A_87 = arith.index_cast %add3A_86 : i32 to index
        %get3A_88 = tpu.vector_load %arg5[%get3A_87] {strides = array<i32>} : memref<100000xf32, #tpu.memory_space<vmem>>, vector<16xf32>,
        %get3A_89 = vector.shape_cast %get3A_88 : vector<16xf32> to vector<16xf32>
        %add3A_90 = arith.constant 80 : i32
        %add3A_91 = arith.addi %mul3A_65, %add3A_90 : i32
        %get3A_92 = arith.index_cast %add3A_91 : i32 to index
        %get3A_93 = tpu.vector_load %arg5[%get3A_92] {strides = array<i32>} : memref<100000xf32, #tpu.memory_space<vmem>>, vector<16xf32>,
        %get3A_94 = vector.shape_cast %get3A_93 : vector<16xf32> to vector<16xf32>
        %add3A_95 = arith.constant 96 : i32
        %add3A_96 = arith.addi %mul3A_65, %add3A_95 : i32
        %get3A_97 = arith.index_cast %add3A_96 : i32 to index
        %get3A_98 = tpu.vector_load %arg5[%get3A_97] {strides = array<i32>} : memref<100000xf32, #tpu.memory_space<vmem>>, vector<16xf32>,
        %get3A_99 = vector.shape_cast %get3A_98 : vector<16xf32> to vector<16xf32>
        %add3A_100 = arith.constant 112 : i32
        %add3A_101 = arith.addi %mul3A_65, %add3A_100 : i32
        %get3A_102 = arith.index_cast %add3A_101 : i32 to index
        %get3A_103 = tpu.vector_load %arg5[%get3A_102] {strides = array<i32>} : memref<100000xf32, #tpu.memory_space<vmem>>, vector<16xf32>,
        %get3A_104 = vector.shape_cast %get3A_103 : vector<16xf32> to vector<16xf32>
        %add3A_105 = arith.constant 128 : i32
        %add3A_106 = arith.addi %mul3A_65, %add3A_105 : i32
        %get3A_107 = arith.index_cast %add3A_106 : i32 to index
        %get3A_108 = tpu.vector_load %arg5[%get3A_107] {strides = array<i32>} : memref<100000xf32, #tpu.memory_space<vmem>>, vector<16xf32>,
        %get3A_109 = vector.shape_cast %get3A_108 : vector<16xf32> to vector<16xf32>
        %add3A_110 = arith.constant 144 : i32
        %add3A_111 = arith.addi %mul3A_65, %add3A_110 : i32
        %get3A_112 = arith.index_cast %add3A_111 : i32 to index
        %get3A_113 = tpu.vector_load %arg5[%get3A_112] {strides = array<i32>} : memref<100000xf32, #tpu.memory_space<vmem>>, vector<16xf32>,
        %get3A_114 = vector.shape_cast %get3A_113 : vector<16xf32> to vector<16xf32>
        %max3A = arith.maximumf %get3A_69, %get3A_74 : vector<16xf32>
        %max3A_115 = arith.maximumf %max3A, %get3A_79 : vector<16xf32>
        %max3A_116 = arith.maximumf %max3A_115, %get3A_84 : vector<16xf32>
        %max3A_117 = arith.maximumf %max3A_116, %get3A_89 : vector<16xf32>
        %max3A_118 = arith.maximumf %max3A_117, %get3A_94 : vector<16xf32>
        %max3A_119 = arith.maximumf %max3A_118, %get3A_99 : vector<16xf32>
        %max3A_120 = arith.maximumf %max3A_119, %get3A_104 : vector<16xf32>
        %max3A_121 = arith.maximumf %max3A_120, %get3A_109 : vector<16xf32>
        %max3A_122 = arith.maximumf %max3A_121, %get3A_114 : vector<16xf32>
        %ge3A = arith.cmpf oge, %max3A_122, %min3A_50 : vector<16xf32>
        %jit3A = arith.constant 1 : i32
        %jit3A_123 = arith.constant 0 : i32
        %broadcast_in_dim3A_124 = vector.broadcast %jit3A : i32 to vector<16xi32>
        %broadcast_in_dim3A_125 = vector.broadcast %jit3A_123 : i32 to vector<16xi32>
        %select_n3A = arith.select %ge3A, %broadcast_in_dim3A_124, %broadcast_in_dim3A_125 : vector<16xi1>, vector<16xi32>
        %xor3A_126 = arith.constant 1 : i32
        %xor3A_127 = vector.broadcast %xor3A_126 : i32 to vector<16xi32>
        %xor3A_128 = arith.xori %iota3A, %xor3A_127 : vector<16xi32>
        %broadcast_in_dim3A_129 = vector.shape_cast %xor3A_128 : vector<16xi32> to vector<16x1xi32>
        %gather3A_130 = vector.shape_cast %broadcast_in_dim3A_129 : vector<16x1xi32> to vector<16xi32>
        %gather3A_131 = tpu.dynamic_gather %select_n3A[%gather3A_130] in [0] : vector<16xi32>, vector<16xi32> -> vector<16xi32>
        %or3A = arith.ori %select_n3A, %gather3A_131 : vector<16xi32>
        %xor3A_132 = arith.constant 2 : i32
        %xor3A_133 = vector.broadcast %xor3A_132 : i32 to vector<16xi32>
        %xor3A_134 = arith.xori %iota3A, %xor3A_133 : vector<16xi32>
        %broadcast_in_dim3A_135 = vector.shape_cast %xor3A_134 : vector<16xi32> to vector<16x1xi32>
        %gather3A_136 = vector.shape_cast %broadcast_in_dim3A_135 : vector<16x1xi32> to vector<16xi32>
        %gather3A_137 = tpu.dynamic_gather %or3A[%gather3A_136] in [0] : vector<16xi32>, vector<16xi32> -> vector<16xi32>
        %or3A_138 = arith.ori %or3A, %gather3A_137 : vector<16xi32>
        %xor3A_139 = arith.constant 4 : i32
        %xor3A_140 = vector.broadcast %xor3A_139 : i32 to vector<16xi32>
        %xor3A_141 = arith.xori %iota3A, %xor3A_140 : vector<16xi32>
        %broadcast_in_dim3A_142 = vector.shape_cast %xor3A_141 : vector<16xi32> to vector<16x1xi32>
        %gather3A_143 = vector.shape_cast %broadcast_in_dim3A_142 : vector<16x1xi32> to vector<16xi32>
        %gather3A_144 = tpu.dynamic_gather %or3A_138[%gather3A_143] in [0] : vector<16xi32>, vector<16xi32> -> vector<16xi32>
        %or3A_145 = arith.ori %or3A_138, %gather3A_144 : vector<16xi32>
        %xor3A_146 = arith.constant 8 : i32
        %xor3A_147 = vector.broadcast %xor3A_146 : i32 to vector<16xi32>
        %xor3A_148 = arith.xori %iota3A, %xor3A_147 : vector<16xi32>
        %broadcast_in_dim3A_149 = vector.shape_cast %xor3A_148 : vector<16xi32> to vector<16x1xi32>
        %gather3A_150 = vector.shape_cast %broadcast_in_dim3A_149 : vector<16x1xi32> to vector<16xi32>
        %gather3A_151 = tpu.dynamic_gather %or3A_145[%gather3A_150] in [0] : vector<16xi32>, vector<16xi32> -> vector<16xi32>
        %or3A_152 = arith.ori %or3A_145, %gather3A_151 : vector<16xi32>
        %slice3A = vector.extract_strided_slice %or3A_152 {offsets = [0], sizes = [1], strides = [1]} : vector<16xi32> to vector<1xi32>
        %squeeze3A = vector.extract %slice3A[0] : i32 from vector<1xi32>
        %gt3A = arith.constant 0 : i32
        %gt3A_153 = arith.cmpi sgt, %squeeze3A, %gt3A : i32
        %convert_element_type3A = arith.extui %gt3A_153 : i1 to i32
        %cond3A = arith.constant 0 : i32
        %cond3A_154 = arith.cmpi ne, %convert_element_type3A, %cond3A : i32
        scf.if %cond3A_154 {
          %ge3A_156 = arith.cmpf oge, %get3A_69, %min3A_50 : vector<16xf32>
          %jit3A_157 = arith.constant 1 : i32
          %jit3A_158 = arith.constant 0 : i32
          %broadcast_in_dim3A_159 = vector.broadcast %jit3A_157 : i32 to vector<16xi32>
          %broadcast_in_dim3A_160 = vector.broadcast %jit3A_158 : i32 to vector<16xi32>
          %select_n3A_161 = arith.select %ge3A_156, %broadcast_in_dim3A_159, %broadcast_in_dim3A_160 : vector<16xi1>, vector<16xi32>
          %xor3A_162 = arith.constant 1 : i32
          %xor3A_163 = vector.broadcast %xor3A_162 : i32 to vector<16xi32>
          %xor3A_164 = arith.xori %iota3A, %xor3A_163 : vector<16xi32>
          %broadcast_in_dim3A_165 = vector.shape_cast %xor3A_164 : vector<16xi32> to vector<16x1xi32>
          %gather3A_166 = vector.shape_cast %broadcast_in_dim3A_165 : vector<16x1xi32> to vector<16xi32>
          %gather3A_167 = tpu.dynamic_gather %select_n3A_161[%gather3A_166] in [0] : vector<16xi32>, vector<16xi32> -> vector<16xi32>
          %add3A_168 = arith.addi %select_n3A_161, %gather3A_167 : vector<16xi32>
          %xor3A_169 = arith.constant 2 : i32
          %xor3A_170 = vector.broadcast %xor3A_169 : i32 to vector<16xi32>
          %xor3A_171 = arith.xori %iota3A, %xor3A_170 : vector<16xi32>
          %broadcast_in_dim3A_172 = vector.shape_cast %xor3A_171 : vector<16xi32> to vector<16x1xi32>
          %gather3A_173 = vector.shape_cast %broadcast_in_dim3A_172 : vector<16x1xi32> to vector<16xi32>
          %gather3A_174 = tpu.dynamic_gather %add3A_168[%gather3A_173] in [0] : vector<16xi32>, vector<16xi32> -> vector<16xi32>
          %add3A_175 = arith.addi %add3A_168, %gather3A_174 : vector<16xi32>
          %xor3A_176 = arith.constant 4 : i32
          %xor3A_177 = vector.broadcast %xor3A_176 : i32 to vector<16xi32>
          %xor3A_178 = arith.xori %iota3A, %xor3A_177 : vector<16xi32>
          %broadcast_in_dim3A_179 = vector.shape_cast %xor3A_178 : vector<16xi32> to vector<16x1xi32>
          %gather3A_180 = vector.shape_cast %broadcast_in_dim3A_179 : vector<16x1xi32> to vector<16xi32>
          %gather3A_181 = tpu.dynamic_gather %add3A_175[%gather3A_180] in [0] : vector<16xi32>, vector<16xi32> -> vector<16xi32>
          %add3A_182 = arith.addi %add3A_175, %gather3A_181 : vector<16xi32>
          %xor3A_183 = arith.constant 8 : i32
          %xor3A_184 = vector.broadcast %xor3A_183 : i32 to vector<16xi32>
          %xor3A_185 = arith.xori %iota3A, %xor3A_184 : vector<16xi32>
          %broadcast_in_dim3A_186 = vector.shape_cast %xor3A_185 : vector<16xi32> to vector<16x1xi32>
          %gather3A_187 = vector.shape_cast %broadcast_in_dim3A_186 : vector<16x1xi32> to vector<16xi32>
          %gather3A_188 = tpu.dynamic_gather %add3A_182[%gather3A_187] in [0] : vector<16xi32>, vector<16xi32> -> vector<16xi32>
          %add3A_189 = arith.addi %add3A_182, %gather3A_188 : vector<16xi32>
          %slice3A_190 = vector.extract_strided_slice %add3A_189 {offsets = [0], sizes = [1], strides = [1]} : vector<16xi32> to vector<1xi32>
          %squeeze3A_191 = vector.extract %slice3A_190[0] : i32 from vector<1xi32>
          %while3A = arith.constant 0 : i32
          %while3A_192 = arith.subi %squeeze3A_191, %while3A : i32
          %while3A_193 = arith.addi %while3A, %while3A_192 : i32
          %while3A_194 = arith.constant 1 : i32
          %while3A_195 = arith.divsi %while3A_192, %while3A_194 : i32
          %while3A_196 = arith.muli %while3A_195, %while3A_194 : i32
          %while3A_197 = arith.addi %while3A, %while3A_196 : i32
          %while3A_198 = arith.constant 1 : i32
          %while3A_199 = scf.for %while3A_625 = %while3A to %while3A_197 step %while3A_198 iter_args(%while3A_626 = %select_n3A_161) -> (vector<16xi32>)  : i32 {
            %gt3A_627 = arith.constant 0 : i32
            %gt3A_628 = vector.broadcast %gt3A_627 : i32 to vector<16xi32>
            %gt3A_629 = arith.cmpi sgt, %while3A_626, %gt3A_628 : vector<16xi32>
            %jit3A_630 = arith.constant 15 : i32
            %broadcast_in_dim3A_631 = vector.broadcast %jit3A_630 : i32 to vector<16xi32>
            %select_n3A_632 = arith.select %gt3A_629, %iota3A, %broadcast_in_dim3A_631 : vector<16xi1>, vector<16xi32>
            %xor3A_633 = arith.constant 1 : i32
            %xor3A_634 = vector.broadcast %xor3A_633 : i32 to vector<16xi32>
            %xor3A_635 = arith.xori %iota3A, %xor3A_634 : vector<16xi32>
            %broadcast_in_dim3A_636 = vector.shape_cast %xor3A_635 : vector<16xi32> to vector<16x1xi32>
            %gather3A_637 = vector.shape_cast %broadcast_in_dim3A_636 : vector<16x1xi32> to vector<16xi32>
            %gather3A_638 = tpu.dynamic_gather %select_n3A_632[%gather3A_637] in [0] : vector<16xi32>, vector<16xi32> -> vector<16xi32>
            %min3A_639 = arith.minsi %select_n3A_632, %gather3A_638 : vector<16xi32>
            %xor3A_640 = arith.constant 2 : i32
            %xor3A_641 = vector.broadcast %xor3A_640 : i32 to vector<16xi32>
            %xor3A_642 = arith.xori %iota3A, %xor3A_641 : vector<16xi32>
            %broadcast_in_dim3A_643 = vector.shape_cast %xor3A_642 : vector<16xi32> to vector<16x1xi32>
            %gather3A_644 = vector.shape_cast %broadcast_in_dim3A_643 : vector<16x1xi32> to vector<16xi32>
            %gather3A_645 = tpu.dynamic_gather %min3A_639[%gather3A_644] in [0] : vector<16xi32>, vector<16xi32> -> vector<16xi32>
            %min3A_646 = arith.minsi %min3A_639, %gather3A_645 : vector<16xi32>
            %xor3A_647 = arith.constant 4 : i32
            %xor3A_648 = vector.broadcast %xor3A_647 : i32 to vector<16xi32>
            %xor3A_649 = arith.xori %iota3A, %xor3A_648 : vector<16xi32>
            %broadcast_in_dim3A_650 = vector.shape_cast %xor3A_649 : vector<16xi32> to vector<16x1xi32>
            %gather3A_651 = vector.shape_cast %broadcast_in_dim3A_650 : vector<16x1xi32> to vector<16xi32>
            %gather3A_652 = tpu.dynamic_gather %min3A_646[%gather3A_651] in [0] : vector<16xi32>, vector<16xi32> -> vector<16xi32>
            %min3A_653 = arith.minsi %min3A_646, %gather3A_652 : vector<16xi32>
            %xor3A_654 = arith.constant 8 : i32
            %xor3A_655 = vector.broadcast %xor3A_654 : i32 to vector<16xi32>
            %xor3A_656 = arith.xori %iota3A, %xor3A_655 : vector<16xi32>
            %broadcast_in_dim3A_657 = vector.shape_cast %xor3A_656 : vector<16xi32> to vector<16x1xi32>
            %gather3A_658 = vector.shape_cast %broadcast_in_dim3A_657 : vector<16x1xi32> to vector<16xi32>
            %gather3A_659 = tpu.dynamic_gather %min3A_653[%gather3A_658] in [0] : vector<16xi32>, vector<16xi32> -> vector<16xi32>
            %min3A_660 = arith.minsi %min3A_653, %gather3A_659 : vector<16xi32>
            %broadcast_in_dim3A_661 = vector.shape_cast %min3A_660 : vector<16xi32> to vector<16x1xi32>
            %gather3A_662 = vector.shape_cast %broadcast_in_dim3A_661 : vector<16x1xi32> to vector<16xi32>
            %gather3A_663 = tpu.dynamic_gather %get3A_69[%gather3A_662] in [0] : vector<16xf32>, vector<16xi32> -> vector<16xf32>
            %add3A_664 = arith.constant 0 : i32
            %add3A_665 = arith.addi %mul3A_65, %add3A_664 : i32
            %add3A_666 = vector.broadcast %add3A_665 : i32 to vector<16xi32>
            %add3A_667 = arith.addi %add3A_666, %min3A_660 : vector<16xi32>
            %get3A_668 = arith.constant 0 : i32
            %get3A_669 = arith.index_cast %get3A_668 : i32 to index
            %get3A_670 = memref.load %arg8[%get3A_669] : memref<1xi32, #tpu.memory_space<smem>>
            %min3A_671 = arith.constant 1008 : i32
            %min3A_672 = arith.minsi %get3A_670, %min3A_671 : i32
            %swap3A_673 = arith.index_cast %min3A_672 : i32 to index
            %swap3A_674 = tpu.vector_load %arg6[%swap3A_673] {strides = array<i32>} : memref<1024xf32, #tpu.memory_space<vmem>>, vector<16xf32>,
            %swap3A_675 = vector.shape_cast %swap3A_674 : vector<16xf32> to vector<16xf32>
            %swap3A_676 = vector.shape_cast %gather3A_663 : vector<16xf32> to vector<16xf32>
            tpu.vector_store %arg6[%swap3A_673], %swap3A_676 {strides = array<i32>} : memref<1024xf32, #tpu.memory_space<vmem>>, vector<16xf32>,
            %swap3A_677 = arith.index_cast %min3A_672 : i32 to index
            %swap3A_678 = tpu.vector_load %arg7[%swap3A_677] {strides = array<i32>} : memref<1024xi32, #tpu.memory_space<vmem>>, vector<16xi32>,
            %swap3A_679 = vector.shape_cast %swap3A_678 : vector<16xi32> to vector<16xi32>
            %swap3A_680 = vector.shape_cast %add3A_667 : vector<16xi32> to vector<16xi32>
            tpu.vector_store %arg7[%swap3A_677], %swap3A_680 {strides = array<i32>} : memref<1024xi32, #tpu.memory_space<vmem>>, vector<16xi32>,
            %add3A_681 = arith.constant 1 : i32
            %add3A_682 = arith.addi %min3A_672, %add3A_681 : i32
            %swap3A_683 = arith.constant 0 : i32
            %swap3A_684 = arith.index_cast %swap3A_683 : i32 to index
            %swap3A_685 = memref.load %arg8[%swap3A_684] : memref<1xi32, #tpu.memory_space<smem>>
            memref.store %add3A_682, %arg8[%swap3A_684] : memref<1xi32, #tpu.memory_space<smem>>
            %eq3A = arith.cmpi eq, %iota3A, %min3A_660 : vector<16xi32>
            %jit3A_686 = arith.constant 0 : i32
            %broadcast_in_dim3A_687 = vector.broadcast %jit3A_686 : i32 to vector<16xi32>
            %select_n3A_688 = arith.select %eq3A, %broadcast_in_dim3A_687, %while3A_626 : vector<16xi1>, vector<16xi32>
            scf.yield %select_n3A_688 : vector<16xi32>
          }
          %while3A_200 = arith.constant 1 : i32
          %while3A_201 = scf.for %while3A_625 = %while3A_197 to %while3A_193 step %while3A_200 iter_args(%while3A_626 = %while3A_199) -> (vector<16xi32>)  : i32 {
            %gt3A_627 = arith.constant 0 : i32
            %gt3A_628 = vector.broadcast %gt3A_627 : i32 to vector<16xi32>
            %gt3A_629 = arith.cmpi sgt, %while3A_626, %gt3A_628 : vector<16xi32>
            %jit3A_630 = arith.constant 15 : i32
            %broadcast_in_dim3A_631 = vector.broadcast %jit3A_630 : i32 to vector<16xi32>
            %select_n3A_632 = arith.select %gt3A_629, %iota3A, %broadcast_in_dim3A_631 : vector<16xi1>, vector<16xi32>
            %xor3A_633 = arith.constant 1 : i32
            %xor3A_634 = vector.broadcast %xor3A_633 : i32 to vector<16xi32>
            %xor3A_635 = arith.xori %iota3A, %xor3A_634 : vector<16xi32>
            %broadcast_in_dim3A_636 = vector.shape_cast %xor3A_635 : vector<16xi32> to vector<16x1xi32>
            %gather3A_637 = vector.shape_cast %broadcast_in_dim3A_636 : vector<16x1xi32> to vector<16xi32>
            %gather3A_638 = tpu.dynamic_gather %select_n3A_632[%gather3A_637] in [0] : vector<16xi32>, vector<16xi32> -> vector<16xi32>
            %min3A_639 = arith.minsi %select_n3A_632, %gather3A_638 : vector<16xi32>
            %xor3A_640 = arith.constant 2 : i32
            %xor3A_641 = vector.broadcast %xor3A_640 : i32 to vector<16xi32>
            %xor3A_642 = arith.xori %iota3A, %xor3A_641 : vector<16xi32>
            %broadcast_in_dim3A_643 = vector.shape_cast %xor3A_642 : vector<16xi32> to vector<16x1xi32>
            %gather3A_644 = vector.shape_cast %broadcast_in_dim3A_643 : vector<16x1xi32> to vector<16xi32>
            %gather3A_645 = tpu.dynamic_gather %min3A_639[%gather3A_644] in [0] : vector<16xi32>, vector<16xi32> -> vector<16xi32>
            %min3A_646 = arith.minsi %min3A_639, %gather3A_645 : vector<16xi32>
            %xor3A_647 = arith.constant 4 : i32
            %xor3A_648 = vector.broadcast %xor3A_647 : i32 to vector<16xi32>
            %xor3A_649 = arith.xori %iota3A, %xor3A_648 : vector<16xi32>
            %broadcast_in_dim3A_650 = vector.shape_cast %xor3A_649 : vector<16xi32> to vector<16x1xi32>
            %gather3A_651 = vector.shape_cast %broadcast_in_dim3A_650 : vector<16x1xi32> to vector<16xi32>
            %gather3A_652 = tpu.dynamic_gather %min3A_646[%gather3A_651] in [0] : vector<16xi32>, vector<16xi32> -> vector<16xi32>
            %min3A_653 = arith.minsi %min3A_646, %gather3A_652 : vector<16xi32>
            %xor3A_654 = arith.constant 8 : i32
            %xor3A_655 = vector.broadcast %xor3A_654 : i32 to vector<16xi32>
            %xor3A_656 = arith.xori %iota3A, %xor3A_655 : vector<16xi32>
            %broadcast_in_dim3A_657 = vector.shape_cast %xor3A_656 : vector<16xi32> to vector<16x1xi32>
            %gather3A_658 = vector.shape_cast %broadcast_in_dim3A_657 : vector<16x1xi32> to vector<16xi32>
            %gather3A_659 = tpu.dynamic_gather %min3A_653[%gather3A_658] in [0] : vector<16xi32>, vector<16xi32> -> vector<16xi32>
            %min3A_660 = arith.minsi %min3A_653, %gather3A_659 : vector<16xi32>
            %broadcast_in_dim3A_661 = vector.shape_cast %min3A_660 : vector<16xi32> to vector<16x1xi32>
            %gather3A_662 = vector.shape_cast %broadcast_in_dim3A_661 : vector<16x1xi32> to vector<16xi32>
            %gather3A_663 = tpu.dynamic_gather %get3A_69[%gather3A_662] in [0] : vector<16xf32>, vector<16xi32> -> vector<16xf32>
            %add3A_664 = arith.constant 0 : i32
            %add3A_665 = arith.addi %mul3A_65, %add3A_664 : i32
            %add3A_666 = vector.broadcast %add3A_665 : i32 to vector<16xi32>
            %add3A_667 = arith.addi %add3A_666, %min3A_660 : vector<16xi32>
            %get3A_668 = arith.constant 0 : i32
            %get3A_669 = arith.index_cast %get3A_668 : i32 to index
            %get3A_670 = memref.load %arg8[%get3A_669] : memref<1xi32, #tpu.memory_space<smem>>
            %min3A_671 = arith.constant 1008 : i32
            %min3A_672 = arith.minsi %get3A_670, %min3A_671 : i32
            %swap3A_673 = arith.index_cast %min3A_672 : i32 to index
            %swap3A_674 = tpu.vector_load %arg6[%swap3A_673] {strides = array<i32>} : memref<1024xf32, #tpu.memory_space<vmem>>, vector<16xf32>,
            %swap3A_675 = vector.shape_cast %swap3A_674 : vector<16xf32> to vector<16xf32>
            %swap3A_676 = vector.shape_cast %gather3A_663 : vector<16xf32> to vector<16xf32>
            tpu.vector_store %arg6[%swap3A_673], %swap3A_676 {strides = array<i32>} : memref<1024xf32, #tpu.memory_space<vmem>>, vector<16xf32>,
            %swap3A_677 = arith.index_cast %min3A_672 : i32 to index
            %swap3A_678 = tpu.vector_load %arg7[%swap3A_677] {strides = array<i32>} : memref<1024xi32, #tpu.memory_space<vmem>>, vector<16xi32>,
            %swap3A_679 = vector.shape_cast %swap3A_678 : vector<16xi32> to vector<16xi32>
            %swap3A_680 = vector.shape_cast %add3A_667 : vector<16xi32> to vector<16xi32>
            tpu.vector_store %arg7[%swap3A_677], %swap3A_680 {strides = array<i32>} : memref<1024xi32, #tpu.memory_space<vmem>>, vector<16xi32>,
            %add3A_681 = arith.constant 1 : i32
            %add3A_682 = arith.addi %min3A_672, %add3A_681 : i32
            %swap3A_683 = arith.constant 0 : i32
            %swap3A_684 = arith.index_cast %swap3A_683 : i32 to index
            %swap3A_685 = memref.load %arg8[%swap3A_684] : memref<1xi32, #tpu.memory_space<smem>>
            memref.store %add3A_682, %arg8[%swap3A_684] : memref<1xi32, #tpu.memory_space<smem>>
            %eq3A = arith.cmpi eq, %iota3A, %min3A_660 : vector<16xi32>
            %jit3A_686 = arith.constant 0 : i32
            %broadcast_in_dim3A_687 = vector.broadcast %jit3A_686 : i32 to vector<16xi32>
            %select_n3A_688 = arith.select %eq3A, %broadcast_in_dim3A_687, %while3A_626 : vector<16xi1>, vector<16xi32>
            scf.yield %select_n3A_688 : vector<16xi32>
          }
          %ge3A_202 = arith.cmpf oge, %get3A_74, %min3A_50 : vector<16xf32>
          %jit3A_203 = arith.constant 1 : i32
          %jit3A_204 = arith.constant 0 : i32
          %broadcast_in_dim3A_205 = vector.broadcast %jit3A_203 : i32 to vector<16xi32>
          %broadcast_in_dim3A_206 = vector.broadcast %jit3A_204 : i32 to vector<16xi32>
          %select_n3A_207 = arith.select %ge3A_202, %broadcast_in_dim3A_205, %broadcast_in_dim3A_206 : vector<16xi1>, vector<16xi32>
          %xor3A_208 = arith.constant 1 : i32
          %xor3A_209 = vector.broadcast %xor3A_208 : i32 to vector<16xi32>
          %xor3A_210 = arith.xori %iota3A, %xor3A_209 : vector<16xi32>
          %broadcast_in_dim3A_211 = vector.shape_cast %xor3A_210 : vector<16xi32> to vector<16x1xi32>
          %gather3A_212 = vector.shape_cast %broadcast_in_dim3A_211 : vector<16x1xi32> to vector<16xi32>
          %gather3A_213 = tpu.dynamic_gather %select_n3A_207[%gather3A_212] in [0] : vector<16xi32>, vector<16xi32> -> vector<16xi32>
          %add3A_214 = arith.addi %select_n3A_207, %gather3A_213 : vector<16xi32>
          %xor3A_215 = arith.constant 2 : i32
          %xor3A_216 = vector.broadcast %xor3A_215 : i32 to vector<16xi32>
          %xor3A_217 = arith.xori %iota3A, %xor3A_216 : vector<16xi32>
          %broadcast_in_dim3A_218 = vector.shape_cast %xor3A_217 : vector<16xi32> to vector<16x1xi32>
          %gather3A_219 = vector.shape_cast %broadcast_in_dim3A_218 : vector<16x1xi32> to vector<16xi32>
          %gather3A_220 = tpu.dynamic_gather %add3A_214[%gather3A_219] in [0] : vector<16xi32>, vector<16xi32> -> vector<16xi32>
          %add3A_221 = arith.addi %add3A_214, %gather3A_220 : vector<16xi32>
          %xor3A_222 = arith.constant 4 : i32
          %xor3A_223 = vector.broadcast %xor3A_222 : i32 to vector<16xi32>
          %xor3A_224 = arith.xori %iota3A, %xor3A_223 : vector<16xi32>
          %broadcast_in_dim3A_225 = vector.shape_cast %xor3A_224 : vector<16xi32> to vector<16x1xi32>
          %gather3A_226 = vector.shape_cast %broadcast_in_dim3A_225 : vector<16x1xi32> to vector<16xi32>
          %gather3A_227 = tpu.dynamic_gather %add3A_221[%gather3A_226] in [0] : vector<16xi32>, vector<16xi32> -> vector<16xi32>
          %add3A_228 = arith.addi %add3A_221, %gather3A_227 : vector<16xi32>
          %xor3A_229 = arith.constant 8 : i32
          %xor3A_230 = vector.broadcast %xor3A_229 : i32 to vector<16xi32>
          %xor3A_231 = arith.xori %iota3A, %xor3A_230 : vector<16xi32>
          %broadcast_in_dim3A_232 = vector.shape_cast %xor3A_231 : vector<16xi32> to vector<16x1xi32>
          %gather3A_233 = vector.shape_cast %broadcast_in_dim3A_232 : vector<16x1xi32> to vector<16xi32>
          %gather3A_234 = tpu.dynamic_gather %add3A_228[%gather3A_233] in [0] : vector<16xi32>, vector<16xi32> -> vector<16xi32>
          %add3A_235 = arith.addi %add3A_228, %gather3A_234 : vector<16xi32>
          %slice3A_236 = vector.extract_strided_slice %add3A_235 {offsets = [0], sizes = [1], strides = [1]} : vector<16xi32> to vector<1xi32>
          %squeeze3A_237 = vector.extract %slice3A_236[0] : i32 from vector<1xi32>
          %while3A_238 = arith.constant 0 : i32
          %while3A_239 = arith.subi %squeeze3A_237, %while3A_238 : i32
          %while3A_240 = arith.addi %while3A_238, %while3A_239 : i32
          %while3A_241 = arith.constant 1 : i32
          %while3A_242 = arith.divsi %while3A_239, %while3A_241 : i32
          %while3A_243 = arith.muli %while3A_242, %while3A_241 : i32
          %while3A_244 = arith.addi %while3A_238, %while3A_243 : i32
          %while3A_245 = arith.constant 1 : i32
          %while3A_246 = scf.for %while3A_625 = %while3A_238 to %while3A_244 step %while3A_245 iter_args(%while3A_626 = %select_n3A_207) -> (vector<16xi32>)  : i32 {
            %gt3A_627 = arith.constant 0 : i32
            %gt3A_628 = vector.broadcast %gt3A_627 : i32 to vector<16xi32>
            %gt3A_629 = arith.cmpi sgt, %while3A_626, %gt3A_628 : vector<16xi32>
            %jit3A_630 = arith.constant 15 : i32
            %broadcast_in_dim3A_631 = vector.broadcast %jit3A_630 : i32 to vector<16xi32>
            %select_n3A_632 = arith.select %gt3A_629, %iota3A, %broadcast_in_dim3A_631 : vector<16xi1>, vector<16xi32>
            %xor3A_633 = arith.constant 1 : i32
            %xor3A_634 = vector.broadcast %xor3A_633 : i32 to vector<16xi32>
            %xor3A_635 = arith.xori %iota3A, %xor3A_634 : vector<16xi32>
            %broadcast_in_dim3A_636 = vector.shape_cast %xor3A_635 : vector<16xi32> to vector<16x1xi32>
            %gather3A_637 = vector.shape_cast %broadcast_in_dim3A_636 : vector<16x1xi32> to vector<16xi32>
            %gather3A_638 = tpu.dynamic_gather %select_n3A_632[%gather3A_637] in [0] : vector<16xi32>, vector<16xi32> -> vector<16xi32>
            %min3A_639 = arith.minsi %select_n3A_632, %gather3A_638 : vector<16xi32>
            %xor3A_640 = arith.constant 2 : i32
            %xor3A_641 = vector.broadcast %xor3A_640 : i32 to vector<16xi32>
            %xor3A_642 = arith.xori %iota3A, %xor3A_641 : vector<16xi32>
            %broadcast_in_dim3A_643 = vector.shape_cast %xor3A_642 : vector<16xi32> to vector<16x1xi32>
            %gather3A_644 = vector.shape_cast %broadcast_in_dim3A_643 : vector<16x1xi32> to vector<16xi32>
            %gather3A_645 = tpu.dynamic_gather %min3A_639[%gather3A_644] in [0] : vector<16xi32>, vector<16xi32> -> vector<16xi32>
            %min3A_646 = arith.minsi %min3A_639, %gather3A_645 : vector<16xi32>
            %xor3A_647 = arith.constant 4 : i32
            %xor3A_648 = vector.broadcast %xor3A_647 : i32 to vector<16xi32>
            %xor3A_649 = arith.xori %iota3A, %xor3A_648 : vector<16xi32>
            %broadcast_in_dim3A_650 = vector.shape_cast %xor3A_649 : vector<16xi32> to vector<16x1xi32>
            %gather3A_651 = vector.shape_cast %broadcast_in_dim3A_650 : vector<16x1xi32> to vector<16xi32>
            %gather3A_652 = tpu.dynamic_gather %min3A_646[%gather3A_651] in [0] : vector<16xi32>, vector<16xi32> -> vector<16xi32>
            %min3A_653 = arith.minsi %min3A_646, %gather3A_652 : vector<16xi32>
            %xor3A_654 = arith.constant 8 : i32
            %xor3A_655 = vector.broadcast %xor3A_654 : i32 to vector<16xi32>
            %xor3A_656 = arith.xori %iota3A, %xor3A_655 : vector<16xi32>
            %broadcast_in_dim3A_657 = vector.shape_cast %xor3A_656 : vector<16xi32> to vector<16x1xi32>
            %gather3A_658 = vector.shape_cast %broadcast_in_dim3A_657 : vector<16x1xi32> to vector<16xi32>
            %gather3A_659 = tpu.dynamic_gather %min3A_653[%gather3A_658] in [0] : vector<16xi32>, vector<16xi32> -> vector<16xi32>
            %min3A_660 = arith.minsi %min3A_653, %gather3A_659 : vector<16xi32>
            %broadcast_in_dim3A_661 = vector.shape_cast %min3A_660 : vector<16xi32> to vector<16x1xi32>
            %gather3A_662 = vector.shape_cast %broadcast_in_dim3A_661 : vector<16x1xi32> to vector<16xi32>
            %gather3A_663 = tpu.dynamic_gather %get3A_74[%gather3A_662] in [0] : vector<16xf32>, vector<16xi32> -> vector<16xf32>
            %add3A_664 = arith.constant 16 : i32
            %add3A_665 = arith.addi %mul3A_65, %add3A_664 : i32
            %add3A_666 = vector.broadcast %add3A_665 : i32 to vector<16xi32>
            %add3A_667 = arith.addi %add3A_666, %min3A_660 : vector<16xi32>
            %get3A_668 = arith.constant 0 : i32
            %get3A_669 = arith.index_cast %get3A_668 : i32 to index
            %get3A_670 = memref.load %arg8[%get3A_669] : memref<1xi32, #tpu.memory_space<smem>>
            %min3A_671 = arith.constant 1008 : i32
            %min3A_672 = arith.minsi %get3A_670, %min3A_671 : i32
            %swap3A_673 = arith.index_cast %min3A_672 : i32 to index
            %swap3A_674 = tpu.vector_load %arg6[%swap3A_673] {strides = array<i32>} : memref<1024xf32, #tpu.memory_space<vmem>>, vector<16xf32>,
            %swap3A_675 = vector.shape_cast %swap3A_674 : vector<16xf32> to vector<16xf32>
            %swap3A_676 = vector.shape_cast %gather3A_663 : vector<16xf32> to vector<16xf32>
            tpu.vector_store %arg6[%swap3A_673], %swap3A_676 {strides = array<i32>} : memref<1024xf32, #tpu.memory_space<vmem>>, vector<16xf32>,
            %swap3A_677 = arith.index_cast %min3A_672 : i32 to index
            %swap3A_678 = tpu.vector_load %arg7[%swap3A_677] {strides = array<i32>} : memref<1024xi32, #tpu.memory_space<vmem>>, vector<16xi32>,
            %swap3A_679 = vector.shape_cast %swap3A_678 : vector<16xi32> to vector<16xi32>
            %swap3A_680 = vector.shape_cast %add3A_667 : vector<16xi32> to vector<16xi32>
            tpu.vector_store %arg7[%swap3A_677], %swap3A_680 {strides = array<i32>} : memref<1024xi32, #tpu.memory_space<vmem>>, vector<16xi32>,
            %add3A_681 = arith.constant 1 : i32
            %add3A_682 = arith.addi %min3A_672, %add3A_681 : i32
            %swap3A_683 = arith.constant 0 : i32
            %swap3A_684 = arith.index_cast %swap3A_683 : i32 to index
            %swap3A_685 = memref.load %arg8[%swap3A_684] : memref<1xi32, #tpu.memory_space<smem>>
            memref.store %add3A_682, %arg8[%swap3A_684] : memref<1xi32, #tpu.memory_space<smem>>
            %eq3A = arith.cmpi eq, %iota3A, %min3A_660 : vector<16xi32>
            %jit3A_686 = arith.constant 0 : i32
            %broadcast_in_dim3A_687 = vector.broadcast %jit3A_686 : i32 to vector<16xi32>
            %select_n3A_688 = arith.select %eq3A, %broadcast_in_dim3A_687, %while3A_626 : vector<16xi1>, vector<16xi32>
            scf.yield %select_n3A_688 : vector<16xi32>
          }
          %while3A_247 = arith.constant 1 : i32
          %while3A_248 = scf.for %while3A_625 = %while3A_244 to %while3A_240 step %while3A_247 iter_args(%while3A_626 = %while3A_246) -> (vector<16xi32>)  : i32 {
            %gt3A_627 = arith.constant 0 : i32
            %gt3A_628 = vector.broadcast %gt3A_627 : i32 to vector<16xi32>
            %gt3A_629 = arith.cmpi sgt, %while3A_626, %gt3A_628 : vector<16xi32>
            %jit3A_630 = arith.constant 15 : i32
            %broadcast_in_dim3A_631 = vector.broadcast %jit3A_630 : i32 to vector<16xi32>
            %select_n3A_632 = arith.select %gt3A_629, %iota3A, %broadcast_in_dim3A_631 : vector<16xi1>, vector<16xi32>
            %xor3A_633 = arith.constant 1 : i32
            %xor3A_634 = vector.broadcast %xor3A_633 : i32 to vector<16xi32>
            %xor3A_635 = arith.xori %iota3A, %xor3A_634 : vector<16xi32>
            %broadcast_in_dim3A_636 = vector.shape_cast %xor3A_635 : vector<16xi32> to vector<16x1xi32>
            %gather3A_637 = vector.shape_cast %broadcast_in_dim3A_636 : vector<16x1xi32> to vector<16xi32>
            %gather3A_638 = tpu.dynamic_gather %select_n3A_632[%gather3A_637] in [0] : vector<16xi32>, vector<16xi32> -> vector<16xi32>
            %min3A_639 = arith.minsi %select_n3A_632, %gather3A_638 : vector<16xi32>
            %xor3A_640 = arith.constant 2 : i32
            %xor3A_641 = vector.broadcast %xor3A_640 : i32 to vector<16xi32>
            %xor3A_642 = arith.xori %iota3A, %xor3A_641 : vector<16xi32>
            %broadcast_in_dim3A_643 = vector.shape_cast %xor3A_642 : vector<16xi32> to vector<16x1xi32>
            %gather3A_644 = vector.shape_cast %broadcast_in_dim3A_643 : vector<16x1xi32> to vector<16xi32>
            %gather3A_645 = tpu.dynamic_gather %min3A_639[%gather3A_644] in [0] : vector<16xi32>, vector<16xi32> -> vector<16xi32>
            %min3A_646 = arith.minsi %min3A_639, %gather3A_645 : vector<16xi32>
            %xor3A_647 = arith.constant 4 : i32
            %xor3A_648 = vector.broadcast %xor3A_647 : i32 to vector<16xi32>
            %xor3A_649 = arith.xori %iota3A, %xor3A_648 : vector<16xi32>
            %broadcast_in_dim3A_650 = vector.shape_cast %xor3A_649 : vector<16xi32> to vector<16x1xi32>
            %gather3A_651 = vector.shape_cast %broadcast_in_dim3A_650 : vector<16x1xi32> to vector<16xi32>
            %gather3A_652 = tpu.dynamic_gather %min3A_646[%gather3A_651] in [0] : vector<16xi32>, vector<16xi32> -> vector<16xi32>
            %min3A_653 = arith.minsi %min3A_646, %gather3A_652 : vector<16xi32>
            %xor3A_654 = arith.constant 8 : i32
            %xor3A_655 = vector.broadcast %xor3A_654 : i32 to vector<16xi32>
            %xor3A_656 = arith.xori %iota3A, %xor3A_655 : vector<16xi32>
            %broadcast_in_dim3A_657 = vector.shape_cast %xor3A_656 : vector<16xi32> to vector<16x1xi32>
            %gather3A_658 = vector.shape_cast %broadcast_in_dim3A_657 : vector<16x1xi32> to vector<16xi32>
            %gather3A_659 = tpu.dynamic_gather %min3A_653[%gather3A_658] in [0] : vector<16xi32>, vector<16xi32> -> vector<16xi32>
            %min3A_660 = arith.minsi %min3A_653, %gather3A_659 : vector<16xi32>
            %broadcast_in_dim3A_661 = vector.shape_cast %min3A_660 : vector<16xi32> to vector<16x1xi32>
            %gather3A_662 = vector.shape_cast %broadcast_in_dim3A_661 : vector<16x1xi32> to vector<16xi32>
            %gather3A_663 = tpu.dynamic_gather %get3A_74[%gather3A_662] in [0] : vector<16xf32>, vector<16xi32> -> vector<16xf32>
            %add3A_664 = arith.constant 16 : i32
            %add3A_665 = arith.addi %mul3A_65, %add3A_664 : i32
            %add3A_666 = vector.broadcast %add3A_665 : i32 to vector<16xi32>
            %add3A_667 = arith.addi %add3A_666, %min3A_660 : vector<16xi32>
            %get3A_668 = arith.constant 0 : i32
            %get3A_669 = arith.index_cast %get3A_668 : i32 to index
            %get3A_670 = memref.load %arg8[%get3A_669] : memref<1xi32, #tpu.memory_space<smem>>
            %min3A_671 = arith.constant 1008 : i32
            %min3A_672 = arith.minsi %get3A_670, %min3A_671 : i32
            %swap3A_673 = arith.index_cast %min3A_672 : i32 to index
            %swap3A_674 = tpu.vector_load %arg6[%swap3A_673] {strides = array<i32>} : memref<1024xf32, #tpu.memory_space<vmem>>, vector<16xf32>,
            %swap3A_675 = vector.shape_cast %swap3A_674 : vector<16xf32> to vector<16xf32>
            %swap3A_676 = vector.shape_cast %gather3A_663 : vector<16xf32> to vector<16xf32>
            tpu.vector_store %arg6[%swap3A_673], %swap3A_676 {strides = array<i32>} : memref<1024xf32, #tpu.memory_space<vmem>>, vector<16xf32>,
            %swap3A_677 = arith.index_cast %min3A_672 : i32 to index
            %swap3A_678 = tpu.vector_load %arg7[%swap3A_677] {strides = array<i32>} : memref<1024xi32, #tpu.memory_space<vmem>>, vector<16xi32>,
            %swap3A_679 = vector.shape_cast %swap3A_678 : vector<16xi32> to vector<16xi32>
            %swap3A_680 = vector.shape_cast %add3A_667 : vector<16xi32> to vector<16xi32>
            tpu.vector_store %arg7[%swap3A_677], %swap3A_680 {strides = array<i32>} : memref<1024xi32, #tpu.memory_space<vmem>>, vector<16xi32>,
            %add3A_681 = arith.constant 1 : i32
            %add3A_682 = arith.addi %min3A_672, %add3A_681 : i32
            %swap3A_683 = arith.constant 0 : i32
            %swap3A_684 = arith.index_cast %swap3A_683 : i32 to index
            %swap3A_685 = memref.load %arg8[%swap3A_684] : memref<1xi32, #tpu.memory_space<smem>>
            memref.store %add3A_682, %arg8[%swap3A_684] : memref<1xi32, #tpu.memory_space<smem>>
            %eq3A = arith.cmpi eq, %iota3A, %min3A_660 : vector<16xi32>
            %jit3A_686 = arith.constant 0 : i32
            %broadcast_in_dim3A_687 = vector.broadcast %jit3A_686 : i32 to vector<16xi32>
            %select_n3A_688 = arith.select %eq3A, %broadcast_in_dim3A_687, %while3A_626 : vector<16xi1>, vector<16xi32>
            scf.yield %select_n3A_688 : vector<16xi32>
          }
          %ge3A_249 = arith.cmpf oge, %get3A_79, %min3A_50 : vector<16xf32>
          %jit3A_250 = arith.constant 1 : i32
          %jit3A_251 = arith.constant 0 : i32
          %broadcast_in_dim3A_252 = vector.broadcast %jit3A_250 : i32 to vector<16xi32>
          %broadcast_in_dim3A_253 = vector.broadcast %jit3A_251 : i32 to vector<16xi32>
          %select_n3A_254 = arith.select %ge3A_249, %broadcast_in_dim3A_252, %broadcast_in_dim3A_253 : vector<16xi1>, vector<16xi32>
          %xor3A_255 = arith.constant 1 : i32
          %xor3A_256 = vector.broadcast %xor3A_255 : i32 to vector<16xi32>
          %xor3A_257 = arith.xori %iota3A, %xor3A_256 : vector<16xi32>
          %broadcast_in_dim3A_258 = vector.shape_cast %xor3A_257 : vector<16xi32> to vector<16x1xi32>
          %gather3A_259 = vector.shape_cast %broadcast_in_dim3A_258 : vector<16x1xi32> to vector<16xi32>
          %gather3A_260 = tpu.dynamic_gather %select_n3A_254[%gather3A_259] in [0] : vector<16xi32>, vector<16xi32> -> vector<16xi32>
          %add3A_261 = arith.addi %select_n3A_254, %gather3A_260 : vector<16xi32>
          %xor3A_262 = arith.constant 2 : i32
          %xor3A_263 = vector.broadcast %xor3A_262 : i32 to vector<16xi32>
          %xor3A_264 = arith.xori %iota3A, %xor3A_263 : vector<16xi32>
          %broadcast_in_dim3A_265 = vector.shape_cast %xor3A_264 : vector<16xi32> to vector<16x1xi32>
          %gather3A_266 = vector.shape_cast %broadcast_in_dim3A_265 : vector<16x1xi32> to vector<16xi32>
          %gather3A_267 = tpu.dynamic_gather %add3A_261[%gather3A_266] in [0] : vector<16xi32>, vector<16xi32> -> vector<16xi32>
          %add3A_268 = arith.addi %add3A_261, %gather3A_267 : vector<16xi32>
          %xor3A_269 = arith.constant 4 : i32
          %xor3A_270 = vector.broadcast %xor3A_269 : i32 to vector<16xi32>
          %xor3A_271 = arith.xori %iota3A, %xor3A_270 : vector<16xi32>
          %broadcast_in_dim3A_272 = vector.shape_cast %xor3A_271 : vector<16xi32> to vector<16x1xi32>
          %gather3A_273 = vector.shape_cast %broadcast_in_dim3A_272 : vector<16x1xi32> to vector<16xi32>
          %gather3A_274 = tpu.dynamic_gather %add3A_268[%gather3A_273] in [0] : vector<16xi32>, vector<16xi32> -> vector<16xi32>
          %add3A_275 = arith.addi %add3A_268, %gather3A_274 : vector<16xi32>
          %xor3A_276 = arith.constant 8 : i32
          %xor3A_277 = vector.broadcast %xor3A_276 : i32 to vector<16xi32>
          %xor3A_278 = arith.xori %iota3A, %xor3A_277 : vector<16xi32>
          %broadcast_in_dim3A_279 = vector.shape_cast %xor3A_278 : vector<16xi32> to vector<16x1xi32>
          %gather3A_280 = vector.shape_cast %broadcast_in_dim3A_279 : vector<16x1xi32> to vector<16xi32>
          %gather3A_281 = tpu.dynamic_gather %add3A_275[%gather3A_280] in [0] : vector<16xi32>, vector<16xi32> -> vector<16xi32>
          %add3A_282 = arith.addi %add3A_275, %gather3A_281 : vector<16xi32>
          %slice3A_283 = vector.extract_strided_slice %add3A_282 {offsets = [0], sizes = [1], strides = [1]} : vector<16xi32> to vector<1xi32>
          %squeeze3A_284 = vector.extract %slice3A_283[0] : i32 from vector<1xi32>
          %while3A_285 = arith.constant 0 : i32
          %while3A_286 = arith.subi %squeeze3A_284, %while3A_285 : i32
          %while3A_287 = arith.addi %while3A_285, %while3A_286 : i32
          %while3A_288 = arith.constant 1 : i32
          %while3A_289 = arith.divsi %while3A_286, %while3A_288 : i32
          %while3A_290 = arith.muli %while3A_289, %while3A_288 : i32
          %while3A_291 = arith.addi %while3A_285, %while3A_290 : i32
          %while3A_292 = arith.constant 1 : i32
          %while3A_293 = scf.for %while3A_625 = %while3A_285 to %while3A_291 step %while3A_292 iter_args(%while3A_626 = %select_n3A_254) -> (vector<16xi32>)  : i32 {
            %gt3A_627 = arith.constant 0 : i32
            %gt3A_628 = vector.broadcast %gt3A_627 : i32 to vector<16xi32>
            %gt3A_629 = arith.cmpi sgt, %while3A_626, %gt3A_628 : vector<16xi32>
            %jit3A_630 = arith.constant 15 : i32
            %broadcast_in_dim3A_631 = vector.broadcast %jit3A_630 : i32 to vector<16xi32>
            %select_n3A_632 = arith.select %gt3A_629, %iota3A, %broadcast_in_dim3A_631 : vector<16xi1>, vector<16xi32>
            %xor3A_633 = arith.constant 1 : i32
            %xor3A_634 = vector.broadcast %xor3A_633 : i32 to vector<16xi32>
            %xor3A_635 = arith.xori %iota3A, %xor3A_634 : vector<16xi32>
            %broadcast_in_dim3A_636 = vector.shape_cast %xor3A_635 : vector<16xi32> to vector<16x1xi32>
            %gather3A_637 = vector.shape_cast %broadcast_in_dim3A_636 : vector<16x1xi32> to vector<16xi32>
            %gather3A_638 = tpu.dynamic_gather %select_n3A_632[%gather3A_637] in [0] : vector<16xi32>, vector<16xi32> -> vector<16xi32>
            %min3A_639 = arith.minsi %select_n3A_632, %gather3A_638 : vector<16xi32>
            %xor3A_640 = arith.constant 2 : i32
            %xor3A_641 = vector.broadcast %xor3A_640 : i32 to vector<16xi32>
            %xor3A_642 = arith.xori %iota3A, %xor3A_641 : vector<16xi32>
            %broadcast_in_dim3A_643 = vector.shape_cast %xor3A_642 : vector<16xi32> to vector<16x1xi32>
            %gather3A_644 = vector.shape_cast %broadcast_in_dim3A_643 : vector<16x1xi32> to vector<16xi32>
            %gather3A_645 = tpu.dynamic_gather %min3A_639[%gather3A_644] in [0] : vector<16xi32>, vector<16xi32> -> vector<16xi32>
            %min3A_646 = arith.minsi %min3A_639, %gather3A_645 : vector<16xi32>
            %xor3A_647 = arith.constant 4 : i32
            %xor3A_648 = vector.broadcast %xor3A_647 : i32 to vector<16xi32>
            %xor3A_649 = arith.xori %iota3A, %xor3A_648 : vector<16xi32>
            %broadcast_in_dim3A_650 = vector.shape_cast %xor3A_649 : vector<16xi32> to vector<16x1xi32>
            %gather3A_651 = vector.shape_cast %broadcast_in_dim3A_650 : vector<16x1xi32> to vector<16xi32>
            %gather3A_652 = tpu.dynamic_gather %min3A_646[%gather3A_651] in [0] : vector<16xi32>, vector<16xi32> -> vector<16xi32>
            %min3A_653 = arith.minsi %min3A_646, %gather3A_652 : vector<16xi32>
            %xor3A_654 = arith.constant 8 : i32
            %xor3A_655 = vector.broadcast %xor3A_654 : i32 to vector<16xi32>
            %xor3A_656 = arith.xori %iota3A, %xor3A_655 : vector<16xi32>
            %broadcast_in_dim3A_657 = vector.shape_cast %xor3A_656 : vector<16xi32> to vector<16x1xi32>
            %gather3A_658 = vector.shape_cast %broadcast_in_dim3A_657 : vector<16x1xi32> to vector<16xi32>
            %gather3A_659 = tpu.dynamic_gather %min3A_653[%gather3A_658] in [0] : vector<16xi32>, vector<16xi32> -> vector<16xi32>
            %min3A_660 = arith.minsi %min3A_653, %gather3A_659 : vector<16xi32>
            %broadcast_in_dim3A_661 = vector.shape_cast %min3A_660 : vector<16xi32> to vector<16x1xi32>
            %gather3A_662 = vector.shape_cast %broadcast_in_dim3A_661 : vector<16x1xi32> to vector<16xi32>
            %gather3A_663 = tpu.dynamic_gather %get3A_79[%gather3A_662] in [0] : vector<16xf32>, vector<16xi32> -> vector<16xf32>
            %add3A_664 = arith.constant 32 : i32
            %add3A_665 = arith.addi %mul3A_65, %add3A_664 : i32
            %add3A_666 = vector.broadcast %add3A_665 : i32 to vector<16xi32>
            %add3A_667 = arith.addi %add3A_666, %min3A_660 : vector<16xi32>
            %get3A_668 = arith.constant 0 : i32
            %get3A_669 = arith.index_cast %get3A_668 : i32 to index
            %get3A_670 = memref.load %arg8[%get3A_669] : memref<1xi32, #tpu.memory_space<smem>>
            %min3A_671 = arith.constant 1008 : i32
            %min3A_672 = arith.minsi %get3A_670, %min3A_671 : i32
            %swap3A_673 = arith.index_cast %min3A_672 : i32 to index
            %swap3A_674 = tpu.vector_load %arg6[%swap3A_673] {strides = array<i32>} : memref<1024xf32, #tpu.memory_space<vmem>>, vector<16xf32>,
            %swap3A_675 = vector.shape_cast %swap3A_674 : vector<16xf32> to vector<16xf32>
            %swap3A_676 = vector.shape_cast %gather3A_663 : vector<16xf32> to vector<16xf32>
            tpu.vector_store %arg6[%swap3A_673], %swap3A_676 {strides = array<i32>} : memref<1024xf32, #tpu.memory_space<vmem>>, vector<16xf32>,
            %swap3A_677 = arith.index_cast %min3A_672 : i32 to index
            %swap3A_678 = tpu.vector_load %arg7[%swap3A_677] {strides = array<i32>} : memref<1024xi32, #tpu.memory_space<vmem>>, vector<16xi32>,
            %swap3A_679 = vector.shape_cast %swap3A_678 : vector<16xi32> to vector<16xi32>
            %swap3A_680 = vector.shape_cast %add3A_667 : vector<16xi32> to vector<16xi32>
            tpu.vector_store %arg7[%swap3A_677], %swap3A_680 {strides = array<i32>} : memref<1024xi32, #tpu.memory_space<vmem>>, vector<16xi32>,
            %add3A_681 = arith.constant 1 : i32
            %add3A_682 = arith.addi %min3A_672, %add3A_681 : i32
            %swap3A_683 = arith.constant 0 : i32
            %swap3A_684 = arith.index_cast %swap3A_683 : i32 to index
            %swap3A_685 = memref.load %arg8[%swap3A_684] : memref<1xi32, #tpu.memory_space<smem>>
            memref.store %add3A_682, %arg8[%swap3A_684] : memref<1xi32, #tpu.memory_space<smem>>
            %eq3A = arith.cmpi eq, %iota3A, %min3A_660 : vector<16xi32>
            %jit3A_686 = arith.constant 0 : i32
            %broadcast_in_dim3A_687 = vector.broadcast %jit3A_686 : i32 to vector<16xi32>
            %select_n3A_688 = arith.select %eq3A, %broadcast_in_dim3A_687, %while3A_626 : vector<16xi1>, vector<16xi32>
            scf.yield %select_n3A_688 : vector<16xi32>
          }
          %while3A_294 = arith.constant 1 : i32
          %while3A_295 = scf.for %while3A_625 = %while3A_291 to %while3A_287 step %while3A_294 iter_args(%while3A_626 = %while3A_293) -> (vector<16xi32>)  : i32 {
            %gt3A_627 = arith.constant 0 : i32
            %gt3A_628 = vector.broadcast %gt3A_627 : i32 to vector<16xi32>
            %gt3A_629 = arith.cmpi sgt, %while3A_626, %gt3A_628 : vector<16xi32>
            %jit3A_630 = arith.constant 15 : i32
            %broadcast_in_dim3A_631 = vector.broadcast %jit3A_630 : i32 to vector<16xi32>
            %select_n3A_632 = arith.select %gt3A_629, %iota3A, %broadcast_in_dim3A_631 : vector<16xi1>, vector<16xi32>
            %xor3A_633 = arith.constant 1 : i32
            %xor3A_634 = vector.broadcast %xor3A_633 : i32 to vector<16xi32>
            %xor3A_635 = arith.xori %iota3A, %xor3A_634 : vector<16xi32>
            %broadcast_in_dim3A_636 = vector.shape_cast %xor3A_635 : vector<16xi32> to vector<16x1xi32>
            %gather3A_637 = vector.shape_cast %broadcast_in_dim3A_636 : vector<16x1xi32> to vector<16xi32>
            %gather3A_638 = tpu.dynamic_gather %select_n3A_632[%gather3A_637] in [0] : vector<16xi32>, vector<16xi32> -> vector<16xi32>
            %min3A_639 = arith.minsi %select_n3A_632, %gather3A_638 : vector<16xi32>
            %xor3A_640 = arith.constant 2 : i32
            %xor3A_641 = vector.broadcast %xor3A_640 : i32 to vector<16xi32>
            %xor3A_642 = arith.xori %iota3A, %xor3A_641 : vector<16xi32>
            %broadcast_in_dim3A_643 = vector.shape_cast %xor3A_642 : vector<16xi32> to vector<16x1xi32>
            %gather3A_644 = vector.shape_cast %broadcast_in_dim3A_643 : vector<16x1xi32> to vector<16xi32>
            %gather3A_645 = tpu.dynamic_gather %min3A_639[%gather3A_644] in [0] : vector<16xi32>, vector<16xi32> -> vector<16xi32>
            %min3A_646 = arith.minsi %min3A_639, %gather3A_645 : vector<16xi32>
            %xor3A_647 = arith.constant 4 : i32
            %xor3A_648 = vector.broadcast %xor3A_647 : i32 to vector<16xi32>
            %xor3A_649 = arith.xori %iota3A, %xor3A_648 : vector<16xi32>
            %broadcast_in_dim3A_650 = vector.shape_cast %xor3A_649 : vector<16xi32> to vector<16x1xi32>
            %gather3A_651 = vector.shape_cast %broadcast_in_dim3A_650 : vector<16x1xi32> to vector<16xi32>
            %gather3A_652 = tpu.dynamic_gather %min3A_646[%gather3A_651] in [0] : vector<16xi32>, vector<16xi32> -> vector<16xi32>
            %min3A_653 = arith.minsi %min3A_646, %gather3A_652 : vector<16xi32>
            %xor3A_654 = arith.constant 8 : i32
            %xor3A_655 = vector.broadcast %xor3A_654 : i32 to vector<16xi32>
            %xor3A_656 = arith.xori %iota3A, %xor3A_655 : vector<16xi32>
            %broadcast_in_dim3A_657 = vector.shape_cast %xor3A_656 : vector<16xi32> to vector<16x1xi32>
            %gather3A_658 = vector.shape_cast %broadcast_in_dim3A_657 : vector<16x1xi32> to vector<16xi32>
            %gather3A_659 = tpu.dynamic_gather %min3A_653[%gather3A_658] in [0] : vector<16xi32>, vector<16xi32> -> vector<16xi32>
            %min3A_660 = arith.minsi %min3A_653, %gather3A_659 : vector<16xi32>
            %broadcast_in_dim3A_661 = vector.shape_cast %min3A_660 : vector<16xi32> to vector<16x1xi32>
            %gather3A_662 = vector.shape_cast %broadcast_in_dim3A_661 : vector<16x1xi32> to vector<16xi32>
            %gather3A_663 = tpu.dynamic_gather %get3A_79[%gather3A_662] in [0] : vector<16xf32>, vector<16xi32> -> vector<16xf32>
            %add3A_664 = arith.constant 32 : i32
            %add3A_665 = arith.addi %mul3A_65, %add3A_664 : i32
            %add3A_666 = vector.broadcast %add3A_665 : i32 to vector<16xi32>
            %add3A_667 = arith.addi %add3A_666, %min3A_660 : vector<16xi32>
            %get3A_668 = arith.constant 0 : i32
            %get3A_669 = arith.index_cast %get3A_668 : i32 to index
            %get3A_670 = memref.load %arg8[%get3A_669] : memref<1xi32, #tpu.memory_space<smem>>
            %min3A_671 = arith.constant 1008 : i32
            %min3A_672 = arith.minsi %get3A_670, %min3A_671 : i32
            %swap3A_673 = arith.index_cast %min3A_672 : i32 to index
            %swap3A_674 = tpu.vector_load %arg6[%swap3A_673] {strides = array<i32>} : memref<1024xf32, #tpu.memory_space<vmem>>, vector<16xf32>,
            %swap3A_675 = vector.shape_cast %swap3A_674 : vector<16xf32> to vector<16xf32>
            %swap3A_676 = vector.shape_cast %gather3A_663 : vector<16xf32> to vector<16xf32>
            tpu.vector_store %arg6[%swap3A_673], %swap3A_676 {strides = array<i32>} : memref<1024xf32, #tpu.memory_space<vmem>>, vector<16xf32>,
            %swap3A_677 = arith.index_cast %min3A_672 : i32 to index
            %swap3A_678 = tpu.vector_load %arg7[%swap3A_677] {strides = array<i32>} : memref<1024xi32, #tpu.memory_space<vmem>>, vector<16xi32>,
            %swap3A_679 = vector.shape_cast %swap3A_678 : vector<16xi32> to vector<16xi32>
            %swap3A_680 = vector.shape_cast %add3A_667 : vector<16xi32> to vector<16xi32>
            tpu.vector_store %arg7[%swap3A_677], %swap3A_680 {strides = array<i32>} : memref<1024xi32, #tpu.memory_space<vmem>>, vector<16xi32>,
            %add3A_681 = arith.constant 1 : i32
            %add3A_682 = arith.addi %min3A_672, %add3A_681 : i32
            %swap3A_683 = arith.constant 0 : i32
            %swap3A_684 = arith.index_cast %swap3A_683 : i32 to index
            %swap3A_685 = memref.load %arg8[%swap3A_684] : memref<1xi32, #tpu.memory_space<smem>>
            memref.store %add3A_682, %arg8[%swap3A_684] : memref<1xi32, #tpu.memory_space<smem>>
            %eq3A = arith.cmpi eq, %iota3A, %min3A_660 : vector<16xi32>
            %jit3A_686 = arith.constant 0 : i32
            %broadcast_in_dim3A_687 = vector.broadcast %jit3A_686 : i32 to vector<16xi32>
            %select_n3A_688 = arith.select %eq3A, %broadcast_in_dim3A_687, %while3A_626 : vector<16xi1>, vector<16xi32>
            scf.yield %select_n3A_688 : vector<16xi32>
          }
          %ge3A_296 = arith.cmpf oge, %get3A_84, %min3A_50 : vector<16xf32>
          %jit3A_297 = arith.constant 1 : i32
          %jit3A_298 = arith.constant 0 : i32
          %broadcast_in_dim3A_299 = vector.broadcast %jit3A_297 : i32 to vector<16xi32>
          %broadcast_in_dim3A_300 = vector.broadcast %jit3A_298 : i32 to vector<16xi32>
          %select_n3A_301 = arith.select %ge3A_296, %broadcast_in_dim3A_299, %broadcast_in_dim3A_300 : vector<16xi1>, vector<16xi32>
          %xor3A_302 = arith.constant 1 : i32
          %xor3A_303 = vector.broadcast %xor3A_302 : i32 to vector<16xi32>
          %xor3A_304 = arith.xori %iota3A, %xor3A_303 : vector<16xi32>
          %broadcast_in_dim3A_305 = vector.shape_cast %xor3A_304 : vector<16xi32> to vector<16x1xi32>
          %gather3A_306 = vector.shape_cast %broadcast_in_dim3A_305 : vector<16x1xi32> to vector<16xi32>
          %gather3A_307 = tpu.dynamic_gather %select_n3A_301[%gather3A_306] in [0] : vector<16xi32>, vector<16xi32> -> vector<16xi32>
          %add3A_308 = arith.addi %select_n3A_301, %gather3A_307 : vector<16xi32>
          %xor3A_309 = arith.constant 2 : i32
          %xor3A_310 = vector.broadcast %xor3A_309 : i32 to vector<16xi32>
          %xor3A_311 = arith.xori %iota3A, %xor3A_310 : vector<16xi32>
          %broadcast_in_dim3A_312 = vector.shape_cast %xor3A_311 : vector<16xi32> to vector<16x1xi32>
          %gather3A_313 = vector.shape_cast %broadcast_in_dim3A_312 : vector<16x1xi32> to vector<16xi32>
          %gather3A_314 = tpu.dynamic_gather %add3A_308[%gather3A_313] in [0] : vector<16xi32>, vector<16xi32> -> vector<16xi32>
          %add3A_315 = arith.addi %add3A_308, %gather3A_314 : vector<16xi32>
          %xor3A_316 = arith.constant 4 : i32
          %xor3A_317 = vector.broadcast %xor3A_316 : i32 to vector<16xi32>
          %xor3A_318 = arith.xori %iota3A, %xor3A_317 : vector<16xi32>
          %broadcast_in_dim3A_319 = vector.shape_cast %xor3A_318 : vector<16xi32> to vector<16x1xi32>
          %gather3A_320 = vector.shape_cast %broadcast_in_dim3A_319 : vector<16x1xi32> to vector<16xi32>
          %gather3A_321 = tpu.dynamic_gather %add3A_315[%gather3A_320] in [0] : vector<16xi32>, vector<16xi32> -> vector<16xi32>
          %add3A_322 = arith.addi %add3A_315, %gather3A_321 : vector<16xi32>
          %xor3A_323 = arith.constant 8 : i32
          %xor3A_324 = vector.broadcast %xor3A_323 : i32 to vector<16xi32>
          %xor3A_325 = arith.xori %iota3A, %xor3A_324 : vector<16xi32>
          %broadcast_in_dim3A_326 = vector.shape_cast %xor3A_325 : vector<16xi32> to vector<16x1xi32>
          %gather3A_327 = vector.shape_cast %broadcast_in_dim3A_326 : vector<16x1xi32> to vector<16xi32>
          %gather3A_328 = tpu.dynamic_gather %add3A_322[%gather3A_327] in [0] : vector<16xi32>, vector<16xi32> -> vector<16xi32>
          %add3A_329 = arith.addi %add3A_322, %gather3A_328 : vector<16xi32>
          %slice3A_330 = vector.extract_strided_slice %add3A_329 {offsets = [0], sizes = [1], strides = [1]} : vector<16xi32> to vector<1xi32>
          %squeeze3A_331 = vector.extract %slice3A_330[0] : i32 from vector<1xi32>
          %while3A_332 = arith.constant 0 : i32
          %while3A_333 = arith.subi %squeeze3A_331, %while3A_332 : i32
          %while3A_334 = arith.addi %while3A_332, %while3A_333 : i32
          %while3A_335 = arith.constant 1 : i32
          %while3A_336 = arith.divsi %while3A_333, %while3A_335 : i32
          %while3A_337 = arith.muli %while3A_336, %while3A_335 : i32
          %while3A_338 = arith.addi %while3A_332, %while3A_337 : i32
          %while3A_339 = arith.constant 1 : i32
          %while3A_340 = scf.for %while3A_625 = %while3A_332 to %while3A_338 step %while3A_339 iter_args(%while3A_626 = %select_n3A_301) -> (vector<16xi32>)  : i32 {
            %gt3A_627 = arith.constant 0 : i32
            %gt3A_628 = vector.broadcast %gt3A_627 : i32 to vector<16xi32>
            %gt3A_629 = arith.cmpi sgt, %while3A_626, %gt3A_628 : vector<16xi32>
            %jit3A_630 = arith.constant 15 : i32
            %broadcast_in_dim3A_631 = vector.broadcast %jit3A_630 : i32 to vector<16xi32>
            %select_n3A_632 = arith.select %gt3A_629, %iota3A, %broadcast_in_dim3A_631 : vector<16xi1>, vector<16xi32>
            %xor3A_633 = arith.constant 1 : i32
            %xor3A_634 = vector.broadcast %xor3A_633 : i32 to vector<16xi32>
            %xor3A_635 = arith.xori %iota3A, %xor3A_634 : vector<16xi32>
            %broadcast_in_dim3A_636 = vector.shape_cast %xor3A_635 : vector<16xi32> to vector<16x1xi32>
            %gather3A_637 = vector.shape_cast %broadcast_in_dim3A_636 : vector<16x1xi32> to vector<16xi32>
            %gather3A_638 = tpu.dynamic_gather %select_n3A_632[%gather3A_637] in [0] : vector<16xi32>, vector<16xi32> -> vector<16xi32>
            %min3A_639 = arith.minsi %select_n3A_632, %gather3A_638 : vector<16xi32>
            %xor3A_640 = arith.constant 2 : i32
            %xor3A_641 = vector.broadcast %xor3A_640 : i32 to vector<16xi32>
            %xor3A_642 = arith.xori %iota3A, %xor3A_641 : vector<16xi32>
            %broadcast_in_dim3A_643 = vector.shape_cast %xor3A_642 : vector<16xi32> to vector<16x1xi32>
            %gather3A_644 = vector.shape_cast %broadcast_in_dim3A_643 : vector<16x1xi32> to vector<16xi32>
            %gather3A_645 = tpu.dynamic_gather %min3A_639[%gather3A_644] in [0] : vector<16xi32>, vector<16xi32> -> vector<16xi32>
            %min3A_646 = arith.minsi %min3A_639, %gather3A_645 : vector<16xi32>
            %xor3A_647 = arith.constant 4 : i32
            %xor3A_648 = vector.broadcast %xor3A_647 : i32 to vector<16xi32>
            %xor3A_649 = arith.xori %iota3A, %xor3A_648 : vector<16xi32>
            %broadcast_in_dim3A_650 = vector.shape_cast %xor3A_649 : vector<16xi32> to vector<16x1xi32>
            %gather3A_651 = vector.shape_cast %broadcast_in_dim3A_650 : vector<16x1xi32> to vector<16xi32>
            %gather3A_652 = tpu.dynamic_gather %min3A_646[%gather3A_651] in [0] : vector<16xi32>, vector<16xi32> -> vector<16xi32>
            %min3A_653 = arith.minsi %min3A_646, %gather3A_652 : vector<16xi32>
            %xor3A_654 = arith.constant 8 : i32
            %xor3A_655 = vector.broadcast %xor3A_654 : i32 to vector<16xi32>
            %xor3A_656 = arith.xori %iota3A, %xor3A_655 : vector<16xi32>
            %broadcast_in_dim3A_657 = vector.shape_cast %xor3A_656 : vector<16xi32> to vector<16x1xi32>
            %gather3A_658 = vector.shape_cast %broadcast_in_dim3A_657 : vector<16x1xi32> to vector<16xi32>
            %gather3A_659 = tpu.dynamic_gather %min3A_653[%gather3A_658] in [0] : vector<16xi32>, vector<16xi32> -> vector<16xi32>
            %min3A_660 = arith.minsi %min3A_653, %gather3A_659 : vector<16xi32>
            %broadcast_in_dim3A_661 = vector.shape_cast %min3A_660 : vector<16xi32> to vector<16x1xi32>
            %gather3A_662 = vector.shape_cast %broadcast_in_dim3A_661 : vector<16x1xi32> to vector<16xi32>
            %gather3A_663 = tpu.dynamic_gather %get3A_84[%gather3A_662] in [0] : vector<16xf32>, vector<16xi32> -> vector<16xf32>
            %add3A_664 = arith.constant 48 : i32
            %add3A_665 = arith.addi %mul3A_65, %add3A_664 : i32
            %add3A_666 = vector.broadcast %add3A_665 : i32 to vector<16xi32>
            %add3A_667 = arith.addi %add3A_666, %min3A_660 : vector<16xi32>
            %get3A_668 = arith.constant 0 : i32
            %get3A_669 = arith.index_cast %get3A_668 : i32 to index
            %get3A_670 = memref.load %arg8[%get3A_669] : memref<1xi32, #tpu.memory_space<smem>>
            %min3A_671 = arith.constant 1008 : i32
            %min3A_672 = arith.minsi %get3A_670, %min3A_671 : i32
            %swap3A_673 = arith.index_cast %min3A_672 : i32 to index
            %swap3A_674 = tpu.vector_load %arg6[%swap3A_673] {strides = array<i32>} : memref<1024xf32, #tpu.memory_space<vmem>>, vector<16xf32>,
            %swap3A_675 = vector.shape_cast %swap3A_674 : vector<16xf32> to vector<16xf32>
            %swap3A_676 = vector.shape_cast %gather3A_663 : vector<16xf32> to vector<16xf32>
            tpu.vector_store %arg6[%swap3A_673], %swap3A_676 {strides = array<i32>} : memref<1024xf32, #tpu.memory_space<vmem>>, vector<16xf32>,
            %swap3A_677 = arith.index_cast %min3A_672 : i32 to index
            %swap3A_678 = tpu.vector_load %arg7[%swap3A_677] {strides = array<i32>} : memref<1024xi32, #tpu.memory_space<vmem>>, vector<16xi32>,
            %swap3A_679 = vector.shape_cast %swap3A_678 : vector<16xi32> to vector<16xi32>
            %swap3A_680 = vector.shape_cast %add3A_667 : vector<16xi32> to vector<16xi32>
            tpu.vector_store %arg7[%swap3A_677], %swap3A_680 {strides = array<i32>} : memref<1024xi32, #tpu.memory_space<vmem>>, vector<16xi32>,
            %add3A_681 = arith.constant 1 : i32
            %add3A_682 = arith.addi %min3A_672, %add3A_681 : i32
            %swap3A_683 = arith.constant 0 : i32
            %swap3A_684 = arith.index_cast %swap3A_683 : i32 to index
            %swap3A_685 = memref.load %arg8[%swap3A_684] : memref<1xi32, #tpu.memory_space<smem>>
            memref.store %add3A_682, %arg8[%swap3A_684] : memref<1xi32, #tpu.memory_space<smem>>
            %eq3A = arith.cmpi eq, %iota3A, %min3A_660 : vector<16xi32>
            %jit3A_686 = arith.constant 0 : i32
            %broadcast_in_dim3A_687 = vector.broadcast %jit3A_686 : i32 to vector<16xi32>
            %select_n3A_688 = arith.select %eq3A, %broadcast_in_dim3A_687, %while3A_626 : vector<16xi1>, vector<16xi32>
            scf.yield %select_n3A_688 : vector<16xi32>
          }
          %while3A_341 = arith.constant 1 : i32
          %while3A_342 = scf.for %while3A_625 = %while3A_338 to %while3A_334 step %while3A_341 iter_args(%while3A_626 = %while3A_340) -> (vector<16xi32>)  : i32 {
            %gt3A_627 = arith.constant 0 : i32
            %gt3A_628 = vector.broadcast %gt3A_627 : i32 to vector<16xi32>
            %gt3A_629 = arith.cmpi sgt, %while3A_626, %gt3A_628 : vector<16xi32>
            %jit3A_630 = arith.constant 15 : i32
            %broadcast_in_dim3A_631 = vector.broadcast %jit3A_630 : i32 to vector<16xi32>
            %select_n3A_632 = arith.select %gt3A_629, %iota3A, %broadcast_in_dim3A_631 : vector<16xi1>, vector<16xi32>
            %xor3A_633 = arith.constant 1 : i32
            %xor3A_634 = vector.broadcast %xor3A_633 : i32 to vector<16xi32>
            %xor3A_635 = arith.xori %iota3A, %xor3A_634 : vector<16xi32>
            %broadcast_in_dim3A_636 = vector.shape_cast %xor3A_635 : vector<16xi32> to vector<16x1xi32>
            %gather3A_637 = vector.shape_cast %broadcast_in_dim3A_636 : vector<16x1xi32> to vector<16xi32>
            %gather3A_638 = tpu.dynamic_gather %select_n3A_632[%gather3A_637] in [0] : vector<16xi32>, vector<16xi32> -> vector<16xi32>
            %min3A_639 = arith.minsi %select_n3A_632, %gather3A_638 : vector<16xi32>
            %xor3A_640 = arith.constant 2 : i32
            %xor3A_641 = vector.broadcast %xor3A_640 : i32 to vector<16xi32>
            %xor3A_642 = arith.xori %iota3A, %xor3A_641 : vector<16xi32>
            %broadcast_in_dim3A_643 = vector.shape_cast %xor3A_642 : vector<16xi32> to vector<16x1xi32>
            %gather3A_644 = vector.shape_cast %broadcast_in_dim3A_643 : vector<16x1xi32> to vector<16xi32>
            %gather3A_645 = tpu.dynamic_gather %min3A_639[%gather3A_644] in [0] : vector<16xi32>, vector<16xi32> -> vector<16xi32>
            %min3A_646 = arith.minsi %min3A_639, %gather3A_645 : vector<16xi32>
            %xor3A_647 = arith.constant 4 : i32
            %xor3A_648 = vector.broadcast %xor3A_647 : i32 to vector<16xi32>
            %xor3A_649 = arith.xori %iota3A, %xor3A_648 : vector<16xi32>
            %broadcast_in_dim3A_650 = vector.shape_cast %xor3A_649 : vector<16xi32> to vector<16x1xi32>
            %gather3A_651 = vector.shape_cast %broadcast_in_dim3A_650 : vector<16x1xi32> to vector<16xi32>
            %gather3A_652 = tpu.dynamic_gather %min3A_646[%gather3A_651] in [0] : vector<16xi32>, vector<16xi32> -> vector<16xi32>
            %min3A_653 = arith.minsi %min3A_646, %gather3A_652 : vector<16xi32>
            %xor3A_654 = arith.constant 8 : i32
            %xor3A_655 = vector.broadcast %xor3A_654 : i32 to vector<16xi32>
            %xor3A_656 = arith.xori %iota3A, %xor3A_655 : vector<16xi32>
            %broadcast_in_dim3A_657 = vector.shape_cast %xor3A_656 : vector<16xi32> to vector<16x1xi32>
            %gather3A_658 = vector.shape_cast %broadcast_in_dim3A_657 : vector<16x1xi32> to vector<16xi32>
            %gather3A_659 = tpu.dynamic_gather %min3A_653[%gather3A_658] in [0] : vector<16xi32>, vector<16xi32> -> vector<16xi32>
            %min3A_660 = arith.minsi %min3A_653, %gather3A_659 : vector<16xi32>
            %broadcast_in_dim3A_661 = vector.shape_cast %min3A_660 : vector<16xi32> to vector<16x1xi32>
            %gather3A_662 = vector.shape_cast %broadcast_in_dim3A_661 : vector<16x1xi32> to vector<16xi32>
            %gather3A_663 = tpu.dynamic_gather %get3A_84[%gather3A_662] in [0] : vector<16xf32>, vector<16xi32> -> vector<16xf32>
            %add3A_664 = arith.constant 48 : i32
            %add3A_665 = arith.addi %mul3A_65, %add3A_664 : i32
            %add3A_666 = vector.broadcast %add3A_665 : i32 to vector<16xi32>
            %add3A_667 = arith.addi %add3A_666, %min3A_660 : vector<16xi32>
            %get3A_668 = arith.constant 0 : i32
            %get3A_669 = arith.index_cast %get3A_668 : i32 to index
            %get3A_670 = memref.load %arg8[%get3A_669] : memref<1xi32, #tpu.memory_space<smem>>
            %min3A_671 = arith.constant 1008 : i32
            %min3A_672 = arith.minsi %get3A_670, %min3A_671 : i32
            %swap3A_673 = arith.index_cast %min3A_672 : i32 to index
            %swap3A_674 = tpu.vector_load %arg6[%swap3A_673] {strides = array<i32>} : memref<1024xf32, #tpu.memory_space<vmem>>, vector<16xf32>,
            %swap3A_675 = vector.shape_cast %swap3A_674 : vector<16xf32> to vector<16xf32>
            %swap3A_676 = vector.shape_cast %gather3A_663 : vector<16xf32> to vector<16xf32>
            tpu.vector_store %arg6[%swap3A_673], %swap3A_676 {strides = array<i32>} : memref<1024xf32, #tpu.memory_space<vmem>>, vector<16xf32>,
            %swap3A_677 = arith.index_cast %min3A_672 : i32 to index
            %swap3A_678 = tpu.vector_load %arg7[%swap3A_677] {strides = array<i32>} : memref<1024xi32, #tpu.memory_space<vmem>>, vector<16xi32>,
            %swap3A_679 = vector.shape_cast %swap3A_678 : vector<16xi32> to vector<16xi32>
            %swap3A_680 = vector.shape_cast %add3A_667 : vector<16xi32> to vector<16xi32>
            tpu.vector_store %arg7[%swap3A_677], %swap3A_680 {strides = array<i32>} : memref<1024xi32, #tpu.memory_space<vmem>>, vector<16xi32>,
            %add3A_681 = arith.constant 1 : i32
            %add3A_682 = arith.addi %min3A_672, %add3A_681 : i32
            %swap3A_683 = arith.constant 0 : i32
            %swap3A_684 = arith.index_cast %swap3A_683 : i32 to index
            %swap3A_685 = memref.load %arg8[%swap3A_684] : memref<1xi32, #tpu.memory_space<smem>>
            memref.store %add3A_682, %arg8[%swap3A_684] : memref<1xi32, #tpu.memory_space<smem>>
            %eq3A = arith.cmpi eq, %iota3A, %min3A_660 : vector<16xi32>
            %jit3A_686 = arith.constant 0 : i32
            %broadcast_in_dim3A_687 = vector.broadcast %jit3A_686 : i32 to vector<16xi32>
            %select_n3A_688 = arith.select %eq3A, %broadcast_in_dim3A_687, %while3A_626 : vector<16xi1>, vector<16xi32>
            scf.yield %select_n3A_688 : vector<16xi32>
          }
          %ge3A_343 = arith.cmpf oge, %get3A_89, %min3A_50 : vector<16xf32>
          %jit3A_344 = arith.constant 1 : i32
          %jit3A_345 = arith.constant 0 : i32
          %broadcast_in_dim3A_346 = vector.broadcast %jit3A_344 : i32 to vector<16xi32>
          %broadcast_in_dim3A_347 = vector.broadcast %jit3A_345 : i32 to vector<16xi32>
          %select_n3A_348 = arith.select %ge3A_343, %broadcast_in_dim3A_346, %broadcast_in_dim3A_347 : vector<16xi1>, vector<16xi32>
          %xor3A_349 = arith.constant 1 : i32
          %xor3A_350 = vector.broadcast %xor3A_349 : i32 to vector<16xi32>
          %xor3A_351 = arith.xori %iota3A, %xor3A_350 : vector<16xi32>
          %broadcast_in_dim3A_352 = vector.shape_cast %xor3A_351 : vector<16xi32> to vector<16x1xi32>
          %gather3A_353 = vector.shape_cast %broadcast_in_dim3A_352 : vector<16x1xi32> to vector<16xi32>
          %gather3A_354 = tpu.dynamic_gather %select_n3A_348[%gather3A_353] in [0] : vector<16xi32>, vector<16xi32> -> vector<16xi32>
          %add3A_355 = arith.addi %select_n3A_348, %gather3A_354 : vector<16xi32>
          %xor3A_356 = arith.constant 2 : i32
          %xor3A_357 = vector.broadcast %xor3A_356 : i32 to vector<16xi32>
          %xor3A_358 = arith.xori %iota3A, %xor3A_357 : vector<16xi32>
          %broadcast_in_dim3A_359 = vector.shape_cast %xor3A_358 : vector<16xi32> to vector<16x1xi32>
          %gather3A_360 = vector.shape_cast %broadcast_in_dim3A_359 : vector<16x1xi32> to vector<16xi32>
          %gather3A_361 = tpu.dynamic_gather %add3A_355[%gather3A_360] in [0] : vector<16xi32>, vector<16xi32> -> vector<16xi32>
          %add3A_362 = arith.addi %add3A_355, %gather3A_361 : vector<16xi32>
          %xor3A_363 = arith.constant 4 : i32
          %xor3A_364 = vector.broadcast %xor3A_363 : i32 to vector<16xi32>
          %xor3A_365 = arith.xori %iota3A, %xor3A_364 : vector<16xi32>
          %broadcast_in_dim3A_366 = vector.shape_cast %xor3A_365 : vector<16xi32> to vector<16x1xi32>
          %gather3A_367 = vector.shape_cast %broadcast_in_dim3A_366 : vector<16x1xi32> to vector<16xi32>
          %gather3A_368 = tpu.dynamic_gather %add3A_362[%gather3A_367] in [0] : vector<16xi32>, vector<16xi32> -> vector<16xi32>
          %add3A_369 = arith.addi %add3A_362, %gather3A_368 : vector<16xi32>
          %xor3A_370 = arith.constant 8 : i32
          %xor3A_371 = vector.broadcast %xor3A_370 : i32 to vector<16xi32>
          %xor3A_372 = arith.xori %iota3A, %xor3A_371 : vector<16xi32>
          %broadcast_in_dim3A_373 = vector.shape_cast %xor3A_372 : vector<16xi32> to vector<16x1xi32>
          %gather3A_374 = vector.shape_cast %broadcast_in_dim3A_373 : vector<16x1xi32> to vector<16xi32>
          %gather3A_375 = tpu.dynamic_gather %add3A_369[%gather3A_374] in [0] : vector<16xi32>, vector<16xi32> -> vector<16xi32>
          %add3A_376 = arith.addi %add3A_369, %gather3A_375 : vector<16xi32>
          %slice3A_377 = vector.extract_strided_slice %add3A_376 {offsets = [0], sizes = [1], strides = [1]} : vector<16xi32> to vector<1xi32>
          %squeeze3A_378 = vector.extract %slice3A_377[0] : i32 from vector<1xi32>
          %while3A_379 = arith.constant 0 : i32
          %while3A_380 = arith.subi %squeeze3A_378, %while3A_379 : i32
          %while3A_381 = arith.addi %while3A_379, %while3A_380 : i32
          %while3A_382 = arith.constant 1 : i32
          %while3A_383 = arith.divsi %while3A_380, %while3A_382 : i32
          %while3A_384 = arith.muli %while3A_383, %while3A_382 : i32
          %while3A_385 = arith.addi %while3A_379, %while3A_384 : i32
          %while3A_386 = arith.constant 1 : i32
          %while3A_387 = scf.for %while3A_625 = %while3A_379 to %while3A_385 step %while3A_386 iter_args(%while3A_626 = %select_n3A_348) -> (vector<16xi32>)  : i32 {
            %gt3A_627 = arith.constant 0 : i32
            %gt3A_628 = vector.broadcast %gt3A_627 : i32 to vector<16xi32>
            %gt3A_629 = arith.cmpi sgt, %while3A_626, %gt3A_628 : vector<16xi32>
            %jit3A_630 = arith.constant 15 : i32
            %broadcast_in_dim3A_631 = vector.broadcast %jit3A_630 : i32 to vector<16xi32>
            %select_n3A_632 = arith.select %gt3A_629, %iota3A, %broadcast_in_dim3A_631 : vector<16xi1>, vector<16xi32>
            %xor3A_633 = arith.constant 1 : i32
            %xor3A_634 = vector.broadcast %xor3A_633 : i32 to vector<16xi32>
            %xor3A_635 = arith.xori %iota3A, %xor3A_634 : vector<16xi32>
            %broadcast_in_dim3A_636 = vector.shape_cast %xor3A_635 : vector<16xi32> to vector<16x1xi32>
            %gather3A_637 = vector.shape_cast %broadcast_in_dim3A_636 : vector<16x1xi32> to vector<16xi32>
            %gather3A_638 = tpu.dynamic_gather %select_n3A_632[%gather3A_637] in [0] : vector<16xi32>, vector<16xi32> -> vector<16xi32>
            %min3A_639 = arith.minsi %select_n3A_632, %gather3A_638 : vector<16xi32>
            %xor3A_640 = arith.constant 2 : i32
            %xor3A_641 = vector.broadcast %xor3A_640 : i32 to vector<16xi32>
            %xor3A_642 = arith.xori %iota3A, %xor3A_641 : vector<16xi32>
            %broadcast_in_dim3A_643 = vector.shape_cast %xor3A_642 : vector<16xi32> to vector<16x1xi32>
            %gather3A_644 = vector.shape_cast %broadcast_in_dim3A_643 : vector<16x1xi32> to vector<16xi32>
            %gather3A_645 = tpu.dynamic_gather %min3A_639[%gather3A_644] in [0] : vector<16xi32>, vector<16xi32> -> vector<16xi32>
            %min3A_646 = arith.minsi %min3A_639, %gather3A_645 : vector<16xi32>
            %xor3A_647 = arith.constant 4 : i32
            %xor3A_648 = vector.broadcast %xor3A_647 : i32 to vector<16xi32>
            %xor3A_649 = arith.xori %iota3A, %xor3A_648 : vector<16xi32>
            %broadcast_in_dim3A_650 = vector.shape_cast %xor3A_649 : vector<16xi32> to vector<16x1xi32>
            %gather3A_651 = vector.shape_cast %broadcast_in_dim3A_650 : vector<16x1xi32> to vector<16xi32>
            %gather3A_652 = tpu.dynamic_gather %min3A_646[%gather3A_651] in [0] : vector<16xi32>, vector<16xi32> -> vector<16xi32>
            %min3A_653 = arith.minsi %min3A_646, %gather3A_652 : vector<16xi32>
            %xor3A_654 = arith.constant 8 : i32
            %xor3A_655 = vector.broadcast %xor3A_654 : i32 to vector<16xi32>
            %xor3A_656 = arith.xori %iota3A, %xor3A_655 : vector<16xi32>
            %broadcast_in_dim3A_657 = vector.shape_cast %xor3A_656 : vector<16xi32> to vector<16x1xi32>
            %gather3A_658 = vector.shape_cast %broadcast_in_dim3A_657 : vector<16x1xi32> to vector<16xi32>
            %gather3A_659 = tpu.dynamic_gather %min3A_653[%gather3A_658] in [0] : vector<16xi32>, vector<16xi32> -> vector<16xi32>
            %min3A_660 = arith.minsi %min3A_653, %gather3A_659 : vector<16xi32>
            %broadcast_in_dim3A_661 = vector.shape_cast %min3A_660 : vector<16xi32> to vector<16x1xi32>
            %gather3A_662 = vector.shape_cast %broadcast_in_dim3A_661 : vector<16x1xi32> to vector<16xi32>
            %gather3A_663 = tpu.dynamic_gather %get3A_89[%gather3A_662] in [0] : vector<16xf32>, vector<16xi32> -> vector<16xf32>
            %add3A_664 = arith.constant 64 : i32
            %add3A_665 = arith.addi %mul3A_65, %add3A_664 : i32
            %add3A_666 = vector.broadcast %add3A_665 : i32 to vector<16xi32>
            %add3A_667 = arith.addi %add3A_666, %min3A_660 : vector<16xi32>
            %get3A_668 = arith.constant 0 : i32
            %get3A_669 = arith.index_cast %get3A_668 : i32 to index
            %get3A_670 = memref.load %arg8[%get3A_669] : memref<1xi32, #tpu.memory_space<smem>>
            %min3A_671 = arith.constant 1008 : i32
            %min3A_672 = arith.minsi %get3A_670, %min3A_671 : i32
            %swap3A_673 = arith.index_cast %min3A_672 : i32 to index
            %swap3A_674 = tpu.vector_load %arg6[%swap3A_673] {strides = array<i32>} : memref<1024xf32, #tpu.memory_space<vmem>>, vector<16xf32>,
            %swap3A_675 = vector.shape_cast %swap3A_674 : vector<16xf32> to vector<16xf32>
            %swap3A_676 = vector.shape_cast %gather3A_663 : vector<16xf32> to vector<16xf32>
            tpu.vector_store %arg6[%swap3A_673], %swap3A_676 {strides = array<i32>} : memref<1024xf32, #tpu.memory_space<vmem>>, vector<16xf32>,
            %swap3A_677 = arith.index_cast %min3A_672 : i32 to index
            %swap3A_678 = tpu.vector_load %arg7[%swap3A_677] {strides = array<i32>} : memref<1024xi32, #tpu.memory_space<vmem>>, vector<16xi32>,
            %swap3A_679 = vector.shape_cast %swap3A_678 : vector<16xi32> to vector<16xi32>
            %swap3A_680 = vector.shape_cast %add3A_667 : vector<16xi32> to vector<16xi32>
            tpu.vector_store %arg7[%swap3A_677], %swap3A_680 {strides = array<i32>} : memref<1024xi32, #tpu.memory_space<vmem>>, vector<16xi32>,
            %add3A_681 = arith.constant 1 : i32
            %add3A_682 = arith.addi %min3A_672, %add3A_681 : i32
            %swap3A_683 = arith.constant 0 : i32
            %swap3A_684 = arith.index_cast %swap3A_683 : i32 to index
            %swap3A_685 = memref.load %arg8[%swap3A_684] : memref<1xi32, #tpu.memory_space<smem>>
            memref.store %add3A_682, %arg8[%swap3A_684] : memref<1xi32, #tpu.memory_space<smem>>
            %eq3A = arith.cmpi eq, %iota3A, %min3A_660 : vector<16xi32>
            %jit3A_686 = arith.constant 0 : i32
            %broadcast_in_dim3A_687 = vector.broadcast %jit3A_686 : i32 to vector<16xi32>
            %select_n3A_688 = arith.select %eq3A, %broadcast_in_dim3A_687, %while3A_626 : vector<16xi1>, vector<16xi32>
            scf.yield %select_n3A_688 : vector<16xi32>
          }
          %while3A_388 = arith.constant 1 : i32
          %while3A_389 = scf.for %while3A_625 = %while3A_385 to %while3A_381 step %while3A_388 iter_args(%while3A_626 = %while3A_387) -> (vector<16xi32>)  : i32 {
            %gt3A_627 = arith.constant 0 : i32
            %gt3A_628 = vector.broadcast %gt3A_627 : i32 to vector<16xi32>
            %gt3A_629 = arith.cmpi sgt, %while3A_626, %gt3A_628 : vector<16xi32>
            %jit3A_630 = arith.constant 15 : i32
            %broadcast_in_dim3A_631 = vector.broadcast %jit3A_630 : i32 to vector<16xi32>
            %select_n3A_632 = arith.select %gt3A_629, %iota3A, %broadcast_in_dim3A_631 : vector<16xi1>, vector<16xi32>
            %xor3A_633 = arith.constant 1 : i32
            %xor3A_634 = vector.broadcast %xor3A_633 : i32 to vector<16xi32>
            %xor3A_635 = arith.xori %iota3A, %xor3A_634 : vector<16xi32>
            %broadcast_in_dim3A_636 = vector.shape_cast %xor3A_635 : vector<16xi32> to vector<16x1xi32>
            %gather3A_637 = vector.shape_cast %broadcast_in_dim3A_636 : vector<16x1xi32> to vector<16xi32>
            %gather3A_638 = tpu.dynamic_gather %select_n3A_632[%gather3A_637] in [0] : vector<16xi32>, vector<16xi32> -> vector<16xi32>
            %min3A_639 = arith.minsi %select_n3A_632, %gather3A_638 : vector<16xi32>
            %xor3A_640 = arith.constant 2 : i32
            %xor3A_641 = vector.broadcast %xor3A_640 : i32 to vector<16xi32>
            %xor3A_642 = arith.xori %iota3A, %xor3A_641 : vector<16xi32>
            %broadcast_in_dim3A_643 = vector.shape_cast %xor3A_642 : vector<16xi32> to vector<16x1xi32>
            %gather3A_644 = vector.shape_cast %broadcast_in_dim3A_643 : vector<16x1xi32> to vector<16xi32>
            %gather3A_645 = tpu.dynamic_gather %min3A_639[%gather3A_644] in [0] : vector<16xi32>, vector<16xi32> -> vector<16xi32>
            %min3A_646 = arith.minsi %min3A_639, %gather3A_645 : vector<16xi32>
            %xor3A_647 = arith.constant 4 : i32
            %xor3A_648 = vector.broadcast %xor3A_647 : i32 to vector<16xi32>
            %xor3A_649 = arith.xori %iota3A, %xor3A_648 : vector<16xi32>
            %broadcast_in_dim3A_650 = vector.shape_cast %xor3A_649 : vector<16xi32> to vector<16x1xi32>
            %gather3A_651 = vector.shape_cast %broadcast_in_dim3A_650 : vector<16x1xi32> to vector<16xi32>
            %gather3A_652 = tpu.dynamic_gather %min3A_646[%gather3A_651] in [0] : vector<16xi32>, vector<16xi32> -> vector<16xi32>
            %min3A_653 = arith.minsi %min3A_646, %gather3A_652 : vector<16xi32>
            %xor3A_654 = arith.constant 8 : i32
            %xor3A_655 = vector.broadcast %xor3A_654 : i32 to vector<16xi32>
            %xor3A_656 = arith.xori %iota3A, %xor3A_655 : vector<16xi32>
            %broadcast_in_dim3A_657 = vector.shape_cast %xor3A_656 : vector<16xi32> to vector<16x1xi32>
            %gather3A_658 = vector.shape_cast %broadcast_in_dim3A_657 : vector<16x1xi32> to vector<16xi32>
            %gather3A_659 = tpu.dynamic_gather %min3A_653[%gather3A_658] in [0] : vector<16xi32>, vector<16xi32> -> vector<16xi32>
            %min3A_660 = arith.minsi %min3A_653, %gather3A_659 : vector<16xi32>
            %broadcast_in_dim3A_661 = vector.shape_cast %min3A_660 : vector<16xi32> to vector<16x1xi32>
            %gather3A_662 = vector.shape_cast %broadcast_in_dim3A_661 : vector<16x1xi32> to vector<16xi32>
            %gather3A_663 = tpu.dynamic_gather %get3A_89[%gather3A_662] in [0] : vector<16xf32>, vector<16xi32> -> vector<16xf32>
            %add3A_664 = arith.constant 64 : i32
            %add3A_665 = arith.addi %mul3A_65, %add3A_664 : i32
            %add3A_666 = vector.broadcast %add3A_665 : i32 to vector<16xi32>
            %add3A_667 = arith.addi %add3A_666, %min3A_660 : vector<16xi32>
            %get3A_668 = arith.constant 0 : i32
            %get3A_669 = arith.index_cast %get3A_668 : i32 to index
            %get3A_670 = memref.load %arg8[%get3A_669] : memref<1xi32, #tpu.memory_space<smem>>
            %min3A_671 = arith.constant 1008 : i32
            %min3A_672 = arith.minsi %get3A_670, %min3A_671 : i32
            %swap3A_673 = arith.index_cast %min3A_672 : i32 to index
            %swap3A_674 = tpu.vector_load %arg6[%swap3A_673] {strides = array<i32>} : memref<1024xf32, #tpu.memory_space<vmem>>, vector<16xf32>,
            %swap3A_675 = vector.shape_cast %swap3A_674 : vector<16xf32> to vector<16xf32>
            %swap3A_676 = vector.shape_cast %gather3A_663 : vector<16xf32> to vector<16xf32>
            tpu.vector_store %arg6[%swap3A_673], %swap3A_676 {strides = array<i32>} : memref<1024xf32, #tpu.memory_space<vmem>>, vector<16xf32>,
            %swap3A_677 = arith.index_cast %min3A_672 : i32 to index
            %swap3A_678 = tpu.vector_load %arg7[%swap3A_677] {strides = array<i32>} : memref<1024xi32, #tpu.memory_space<vmem>>, vector<16xi32>,
            %swap3A_679 = vector.shape_cast %swap3A_678 : vector<16xi32> to vector<16xi32>
            %swap3A_680 = vector.shape_cast %add3A_667 : vector<16xi32> to vector<16xi32>
            tpu.vector_store %arg7[%swap3A_677], %swap3A_680 {strides = array<i32>} : memref<1024xi32, #tpu.memory_space<vmem>>, vector<16xi32>,
            %add3A_681 = arith.constant 1 : i32
            %add3A_682 = arith.addi %min3A_672, %add3A_681 : i32
            %swap3A_683 = arith.constant 0 : i32
            %swap3A_684 = arith.index_cast %swap3A_683 : i32 to index
            %swap3A_685 = memref.load %arg8[%swap3A_684] : memref<1xi32, #tpu.memory_space<smem>>
            memref.store %add3A_682, %arg8[%swap3A_684] : memref<1xi32, #tpu.memory_space<smem>>
            %eq3A = arith.cmpi eq, %iota3A, %min3A_660 : vector<16xi32>
            %jit3A_686 = arith.constant 0 : i32
            %broadcast_in_dim3A_687 = vector.broadcast %jit3A_686 : i32 to vector<16xi32>
            %select_n3A_688 = arith.select %eq3A, %broadcast_in_dim3A_687, %while3A_626 : vector<16xi1>, vector<16xi32>
            scf.yield %select_n3A_688 : vector<16xi32>
          }
          %ge3A_390 = arith.cmpf oge, %get3A_94, %min3A_50 : vector<16xf32>
          %jit3A_391 = arith.constant 1 : i32
          %jit3A_392 = arith.constant 0 : i32
          %broadcast_in_dim3A_393 = vector.broadcast %jit3A_391 : i32 to vector<16xi32>
          %broadcast_in_dim3A_394 = vector.broadcast %jit3A_392 : i32 to vector<16xi32>
          %select_n3A_395 = arith.select %ge3A_390, %broadcast_in_dim3A_393, %broadcast_in_dim3A_394 : vector<16xi1>, vector<16xi32>
          %xor3A_396 = arith.constant 1 : i32
          %xor3A_397 = vector.broadcast %xor3A_396 : i32 to vector<16xi32>
          %xor3A_398 = arith.xori %iota3A, %xor3A_397 : vector<16xi32>
          %broadcast_in_dim3A_399 = vector.shape_cast %xor3A_398 : vector<16xi32> to vector<16x1xi32>
          %gather3A_400 = vector.shape_cast %broadcast_in_dim3A_399 : vector<16x1xi32> to vector<16xi32>
          %gather3A_401 = tpu.dynamic_gather %select_n3A_395[%gather3A_400] in [0] : vector<16xi32>, vector<16xi32> -> vector<16xi32>
          %add3A_402 = arith.addi %select_n3A_395, %gather3A_401 : vector<16xi32>
          %xor3A_403 = arith.constant 2 : i32
          %xor3A_404 = vector.broadcast %xor3A_403 : i32 to vector<16xi32>
          %xor3A_405 = arith.xori %iota3A, %xor3A_404 : vector<16xi32>
          %broadcast_in_dim3A_406 = vector.shape_cast %xor3A_405 : vector<16xi32> to vector<16x1xi32>
          %gather3A_407 = vector.shape_cast %broadcast_in_dim3A_406 : vector<16x1xi32> to vector<16xi32>
          %gather3A_408 = tpu.dynamic_gather %add3A_402[%gather3A_407] in [0] : vector<16xi32>, vector<16xi32> -> vector<16xi32>
          %add3A_409 = arith.addi %add3A_402, %gather3A_408 : vector<16xi32>
          %xor3A_410 = arith.constant 4 : i32
          %xor3A_411 = vector.broadcast %xor3A_410 : i32 to vector<16xi32>
          %xor3A_412 = arith.xori %iota3A, %xor3A_411 : vector<16xi32>
          %broadcast_in_dim3A_413 = vector.shape_cast %xor3A_412 : vector<16xi32> to vector<16x1xi32>
          %gather3A_414 = vector.shape_cast %broadcast_in_dim3A_413 : vector<16x1xi32> to vector<16xi32>
          %gather3A_415 = tpu.dynamic_gather %add3A_409[%gather3A_414] in [0] : vector<16xi32>, vector<16xi32> -> vector<16xi32>
          %add3A_416 = arith.addi %add3A_409, %gather3A_415 : vector<16xi32>
          %xor3A_417 = arith.constant 8 : i32
          %xor3A_418 = vector.broadcast %xor3A_417 : i32 to vector<16xi32>
          %xor3A_419 = arith.xori %iota3A, %xor3A_418 : vector<16xi32>
          %broadcast_in_dim3A_420 = vector.shape_cast %xor3A_419 : vector<16xi32> to vector<16x1xi32>
          %gather3A_421 = vector.shape_cast %broadcast_in_dim3A_420 : vector<16x1xi32> to vector<16xi32>
          %gather3A_422 = tpu.dynamic_gather %add3A_416[%gather3A_421] in [0] : vector<16xi32>, vector<16xi32> -> vector<16xi32>
          %add3A_423 = arith.addi %add3A_416, %gather3A_422 : vector<16xi32>
          %slice3A_424 = vector.extract_strided_slice %add3A_423 {offsets = [0], sizes = [1], strides = [1]} : vector<16xi32> to vector<1xi32>
          %squeeze3A_425 = vector.extract %slice3A_424[0] : i32 from vector<1xi32>
          %while3A_426 = arith.constant 0 : i32
          %while3A_427 = arith.subi %squeeze3A_425, %while3A_426 : i32
          %while3A_428 = arith.addi %while3A_426, %while3A_427 : i32
          %while3A_429 = arith.constant 1 : i32
          %while3A_430 = arith.divsi %while3A_427, %while3A_429 : i32
          %while3A_431 = arith.muli %while3A_430, %while3A_429 : i32
          %while3A_432 = arith.addi %while3A_426, %while3A_431 : i32
          %while3A_433 = arith.constant 1 : i32
          %while3A_434 = scf.for %while3A_625 = %while3A_426 to %while3A_432 step %while3A_433 iter_args(%while3A_626 = %select_n3A_395) -> (vector<16xi32>)  : i32 {
            %gt3A_627 = arith.constant 0 : i32
            %gt3A_628 = vector.broadcast %gt3A_627 : i32 to vector<16xi32>
            %gt3A_629 = arith.cmpi sgt, %while3A_626, %gt3A_628 : vector<16xi32>
            %jit3A_630 = arith.constant 15 : i32
            %broadcast_in_dim3A_631 = vector.broadcast %jit3A_630 : i32 to vector<16xi32>
            %select_n3A_632 = arith.select %gt3A_629, %iota3A, %broadcast_in_dim3A_631 : vector<16xi1>, vector<16xi32>
            %xor3A_633 = arith.constant 1 : i32
            %xor3A_634 = vector.broadcast %xor3A_633 : i32 to vector<16xi32>
            %xor3A_635 = arith.xori %iota3A, %xor3A_634 : vector<16xi32>
            %broadcast_in_dim3A_636 = vector.shape_cast %xor3A_635 : vector<16xi32> to vector<16x1xi32>
            %gather3A_637 = vector.shape_cast %broadcast_in_dim3A_636 : vector<16x1xi32> to vector<16xi32>
            %gather3A_638 = tpu.dynamic_gather %select_n3A_632[%gather3A_637] in [0] : vector<16xi32>, vector<16xi32> -> vector<16xi32>
            %min3A_639 = arith.minsi %select_n3A_632, %gather3A_638 : vector<16xi32>
            %xor3A_640 = arith.constant 2 : i32
            %xor3A_641 = vector.broadcast %xor3A_640 : i32 to vector<16xi32>
            %xor3A_642 = arith.xori %iota3A, %xor3A_641 : vector<16xi32>
            %broadcast_in_dim3A_643 = vector.shape_cast %xor3A_642 : vector<16xi32> to vector<16x1xi32>
            %gather3A_644 = vector.shape_cast %broadcast_in_dim3A_643 : vector<16x1xi32> to vector<16xi32>
            %gather3A_645 = tpu.dynamic_gather %min3A_639[%gather3A_644] in [0] : vector<16xi32>, vector<16xi32> -> vector<16xi32>
            %min3A_646 = arith.minsi %min3A_639, %gather3A_645 : vector<16xi32>
            %xor3A_647 = arith.constant 4 : i32
            %xor3A_648 = vector.broadcast %xor3A_647 : i32 to vector<16xi32>
            %xor3A_649 = arith.xori %iota3A, %xor3A_648 : vector<16xi32>
            %broadcast_in_dim3A_650 = vector.shape_cast %xor3A_649 : vector<16xi32> to vector<16x1xi32>
            %gather3A_651 = vector.shape_cast %broadcast_in_dim3A_650 : vector<16x1xi32> to vector<16xi32>
            %gather3A_652 = tpu.dynamic_gather %min3A_646[%gather3A_651] in [0] : vector<16xi32>, vector<16xi32> -> vector<16xi32>
            %min3A_653 = arith.minsi %min3A_646, %gather3A_652 : vector<16xi32>
            %xor3A_654 = arith.constant 8 : i32
            %xor3A_655 = vector.broadcast %xor3A_654 : i32 to vector<16xi32>
            %xor3A_656 = arith.xori %iota3A, %xor3A_655 : vector<16xi32>
            %broadcast_in_dim3A_657 = vector.shape_cast %xor3A_656 : vector<16xi32> to vector<16x1xi32>
            %gather3A_658 = vector.shape_cast %broadcast_in_dim3A_657 : vector<16x1xi32> to vector<16xi32>
            %gather3A_659 = tpu.dynamic_gather %min3A_653[%gather3A_658] in [0] : vector<16xi32>, vector<16xi32> -> vector<16xi32>
            %min3A_660 = arith.minsi %min3A_653, %gather3A_659 : vector<16xi32>
            %broadcast_in_dim3A_661 = vector.shape_cast %min3A_660 : vector<16xi32> to vector<16x1xi32>
            %gather3A_662 = vector.shape_cast %broadcast_in_dim3A_661 : vector<16x1xi32> to vector<16xi32>
            %gather3A_663 = tpu.dynamic_gather %get3A_94[%gather3A_662] in [0] : vector<16xf32>, vector<16xi32> -> vector<16xf32>
            %add3A_664 = arith.constant 80 : i32
            %add3A_665 = arith.addi %mul3A_65, %add3A_664 : i32
            %add3A_666 = vector.broadcast %add3A_665 : i32 to vector<16xi32>
            %add3A_667 = arith.addi %add3A_666, %min3A_660 : vector<16xi32>
            %get3A_668 = arith.constant 0 : i32
            %get3A_669 = arith.index_cast %get3A_668 : i32 to index
            %get3A_670 = memref.load %arg8[%get3A_669] : memref<1xi32, #tpu.memory_space<smem>>
            %min3A_671 = arith.constant 1008 : i32
            %min3A_672 = arith.minsi %get3A_670, %min3A_671 : i32
            %swap3A_673 = arith.index_cast %min3A_672 : i32 to index
            %swap3A_674 = tpu.vector_load %arg6[%swap3A_673] {strides = array<i32>} : memref<1024xf32, #tpu.memory_space<vmem>>, vector<16xf32>,
            %swap3A_675 = vector.shape_cast %swap3A_674 : vector<16xf32> to vector<16xf32>
            %swap3A_676 = vector.shape_cast %gather3A_663 : vector<16xf32> to vector<16xf32>
            tpu.vector_store %arg6[%swap3A_673], %swap3A_676 {strides = array<i32>} : memref<1024xf32, #tpu.memory_space<vmem>>, vector<16xf32>,
            %swap3A_677 = arith.index_cast %min3A_672 : i32 to index
            %swap3A_678 = tpu.vector_load %arg7[%swap3A_677] {strides = array<i32>} : memref<1024xi32, #tpu.memory_space<vmem>>, vector<16xi32>,
            %swap3A_679 = vector.shape_cast %swap3A_678 : vector<16xi32> to vector<16xi32>
            %swap3A_680 = vector.shape_cast %add3A_667 : vector<16xi32> to vector<16xi32>
            tpu.vector_store %arg7[%swap3A_677], %swap3A_680 {strides = array<i32>} : memref<1024xi32, #tpu.memory_space<vmem>>, vector<16xi32>,
            %add3A_681 = arith.constant 1 : i32
            %add3A_682 = arith.addi %min3A_672, %add3A_681 : i32
            %swap3A_683 = arith.constant 0 : i32
            %swap3A_684 = arith.index_cast %swap3A_683 : i32 to index
            %swap3A_685 = memref.load %arg8[%swap3A_684] : memref<1xi32, #tpu.memory_space<smem>>
            memref.store %add3A_682, %arg8[%swap3A_684] : memref<1xi32, #tpu.memory_space<smem>>
            %eq3A = arith.cmpi eq, %iota3A, %min3A_660 : vector<16xi32>
            %jit3A_686 = arith.constant 0 : i32
            %broadcast_in_dim3A_687 = vector.broadcast %jit3A_686 : i32 to vector<16xi32>
            %select_n3A_688 = arith.select %eq3A, %broadcast_in_dim3A_687, %while3A_626 : vector<16xi1>, vector<16xi32>
            scf.yield %select_n3A_688 : vector<16xi32>
          }
          %while3A_435 = arith.constant 1 : i32
          %while3A_436 = scf.for %while3A_625 = %while3A_432 to %while3A_428 step %while3A_435 iter_args(%while3A_626 = %while3A_434) -> (vector<16xi32>)  : i32 {
            %gt3A_627 = arith.constant 0 : i32
            %gt3A_628 = vector.broadcast %gt3A_627 : i32 to vector<16xi32>
            %gt3A_629 = arith.cmpi sgt, %while3A_626, %gt3A_628 : vector<16xi32>
            %jit3A_630 = arith.constant 15 : i32
            %broadcast_in_dim3A_631 = vector.broadcast %jit3A_630 : i32 to vector<16xi32>
            %select_n3A_632 = arith.select %gt3A_629, %iota3A, %broadcast_in_dim3A_631 : vector<16xi1>, vector<16xi32>
            %xor3A_633 = arith.constant 1 : i32
            %xor3A_634 = vector.broadcast %xor3A_633 : i32 to vector<16xi32>
            %xor3A_635 = arith.xori %iota3A, %xor3A_634 : vector<16xi32>
            %broadcast_in_dim3A_636 = vector.shape_cast %xor3A_635 : vector<16xi32> to vector<16x1xi32>
            %gather3A_637 = vector.shape_cast %broadcast_in_dim3A_636 : vector<16x1xi32> to vector<16xi32>
            %gather3A_638 = tpu.dynamic_gather %select_n3A_632[%gather3A_637] in [0] : vector<16xi32>, vector<16xi32> -> vector<16xi32>
            %min3A_639 = arith.minsi %select_n3A_632, %gather3A_638 : vector<16xi32>
            %xor3A_640 = arith.constant 2 : i32
            %xor3A_641 = vector.broadcast %xor3A_640 : i32 to vector<16xi32>
            %xor3A_642 = arith.xori %iota3A, %xor3A_641 : vector<16xi32>
            %broadcast_in_dim3A_643 = vector.shape_cast %xor3A_642 : vector<16xi32> to vector<16x1xi32>
            %gather3A_644 = vector.shape_cast %broadcast_in_dim3A_643 : vector<16x1xi32> to vector<16xi32>
            %gather3A_645 = tpu.dynamic_gather %min3A_639[%gather3A_644] in [0] : vector<16xi32>, vector<16xi32> -> vector<16xi32>
            %min3A_646 = arith.minsi %min3A_639, %gather3A_645 : vector<16xi32>
            %xor3A_647 = arith.constant 4 : i32
            %xor3A_648 = vector.broadcast %xor3A_647 : i32 to vector<16xi32>
            %xor3A_649 = arith.xori %iota3A, %xor3A_648 : vector<16xi32>
            %broadcast_in_dim3A_650 = vector.shape_cast %xor3A_649 : vector<16xi32> to vector<16x1xi32>
            %gather3A_651 = vector.shape_cast %broadcast_in_dim3A_650 : vector<16x1xi32> to vector<16xi32>
            %gather3A_652 = tpu.dynamic_gather %min3A_646[%gather3A_651] in [0] : vector<16xi32>, vector<16xi32> -> vector<16xi32>
            %min3A_653 = arith.minsi %min3A_646, %gather3A_652 : vector<16xi32>
            %xor3A_654 = arith.constant 8 : i32
            %xor3A_655 = vector.broadcast %xor3A_654 : i32 to vector<16xi32>
            %xor3A_656 = arith.xori %iota3A, %xor3A_655 : vector<16xi32>
            %broadcast_in_dim3A_657 = vector.shape_cast %xor3A_656 : vector<16xi32> to vector<16x1xi32>
            %gather3A_658 = vector.shape_cast %broadcast_in_dim3A_657 : vector<16x1xi32> to vector<16xi32>
            %gather3A_659 = tpu.dynamic_gather %min3A_653[%gather3A_658] in [0] : vector<16xi32>, vector<16xi32> -> vector<16xi32>
            %min3A_660 = arith.minsi %min3A_653, %gather3A_659 : vector<16xi32>
            %broadcast_in_dim3A_661 = vector.shape_cast %min3A_660 : vector<16xi32> to vector<16x1xi32>
            %gather3A_662 = vector.shape_cast %broadcast_in_dim3A_661 : vector<16x1xi32> to vector<16xi32>
            %gather3A_663 = tpu.dynamic_gather %get3A_94[%gather3A_662] in [0] : vector<16xf32>, vector<16xi32> -> vector<16xf32>
            %add3A_664 = arith.constant 80 : i32
            %add3A_665 = arith.addi %mul3A_65, %add3A_664 : i32
            %add3A_666 = vector.broadcast %add3A_665 : i32 to vector<16xi32>
            %add3A_667 = arith.addi %add3A_666, %min3A_660 : vector<16xi32>
            %get3A_668 = arith.constant 0 : i32
            %get3A_669 = arith.index_cast %get3A_668 : i32 to index
            %get3A_670 = memref.load %arg8[%get3A_669] : memref<1xi32, #tpu.memory_space<smem>>
            %min3A_671 = arith.constant 1008 : i32
            %min3A_672 = arith.minsi %get3A_670, %min3A_671 : i32
            %swap3A_673 = arith.index_cast %min3A_672 : i32 to index
            %swap3A_674 = tpu.vector_load %arg6[%swap3A_673] {strides = array<i32>} : memref<1024xf32, #tpu.memory_space<vmem>>, vector<16xf32>,
            %swap3A_675 = vector.shape_cast %swap3A_674 : vector<16xf32> to vector<16xf32>
            %swap3A_676 = vector.shape_cast %gather3A_663 : vector<16xf32> to vector<16xf32>
            tpu.vector_store %arg6[%swap3A_673], %swap3A_676 {strides = array<i32>} : memref<1024xf32, #tpu.memory_space<vmem>>, vector<16xf32>,
            %swap3A_677 = arith.index_cast %min3A_672 : i32 to index
            %swap3A_678 = tpu.vector_load %arg7[%swap3A_677] {strides = array<i32>} : memref<1024xi32, #tpu.memory_space<vmem>>, vector<16xi32>,
            %swap3A_679 = vector.shape_cast %swap3A_678 : vector<16xi32> to vector<16xi32>
            %swap3A_680 = vector.shape_cast %add3A_667 : vector<16xi32> to vector<16xi32>
            tpu.vector_store %arg7[%swap3A_677], %swap3A_680 {strides = array<i32>} : memref<1024xi32, #tpu.memory_space<vmem>>, vector<16xi32>,
            %add3A_681 = arith.constant 1 : i32
            %add3A_682 = arith.addi %min3A_672, %add3A_681 : i32
            %swap3A_683 = arith.constant 0 : i32
            %swap3A_684 = arith.index_cast %swap3A_683 : i32 to index
            %swap3A_685 = memref.load %arg8[%swap3A_684] : memref<1xi32, #tpu.memory_space<smem>>
            memref.store %add3A_682, %arg8[%swap3A_684] : memref<1xi32, #tpu.memory_space<smem>>
            %eq3A = arith.cmpi eq, %iota3A, %min3A_660 : vector<16xi32>
            %jit3A_686 = arith.constant 0 : i32
            %broadcast_in_dim3A_687 = vector.broadcast %jit3A_686 : i32 to vector<16xi32>
            %select_n3A_688 = arith.select %eq3A, %broadcast_in_dim3A_687, %while3A_626 : vector<16xi1>, vector<16xi32>
            scf.yield %select_n3A_688 : vector<16xi32>
          }
          %ge3A_437 = arith.cmpf oge, %get3A_99, %min3A_50 : vector<16xf32>
          %jit3A_438 = arith.constant 1 : i32
          %jit3A_439 = arith.constant 0 : i32
          %broadcast_in_dim3A_440 = vector.broadcast %jit3A_438 : i32 to vector<16xi32>
          %broadcast_in_dim3A_441 = vector.broadcast %jit3A_439 : i32 to vector<16xi32>
          %select_n3A_442 = arith.select %ge3A_437, %broadcast_in_dim3A_440, %broadcast_in_dim3A_441 : vector<16xi1>, vector<16xi32>
          %xor3A_443 = arith.constant 1 : i32
          %xor3A_444 = vector.broadcast %xor3A_443 : i32 to vector<16xi32>
          %xor3A_445 = arith.xori %iota3A, %xor3A_444 : vector<16xi32>
          %broadcast_in_dim3A_446 = vector.shape_cast %xor3A_445 : vector<16xi32> to vector<16x1xi32>
          %gather3A_447 = vector.shape_cast %broadcast_in_dim3A_446 : vector<16x1xi32> to vector<16xi32>
          %gather3A_448 = tpu.dynamic_gather %select_n3A_442[%gather3A_447] in [0] : vector<16xi32>, vector<16xi32> -> vector<16xi32>
          %add3A_449 = arith.addi %select_n3A_442, %gather3A_448 : vector<16xi32>
          %xor3A_450 = arith.constant 2 : i32
          %xor3A_451 = vector.broadcast %xor3A_450 : i32 to vector<16xi32>
          %xor3A_452 = arith.xori %iota3A, %xor3A_451 : vector<16xi32>
          %broadcast_in_dim3A_453 = vector.shape_cast %xor3A_452 : vector<16xi32> to vector<16x1xi32>
          %gather3A_454 = vector.shape_cast %broadcast_in_dim3A_453 : vector<16x1xi32> to vector<16xi32>
          %gather3A_455 = tpu.dynamic_gather %add3A_449[%gather3A_454] in [0] : vector<16xi32>, vector<16xi32> -> vector<16xi32>
          %add3A_456 = arith.addi %add3A_449, %gather3A_455 : vector<16xi32>
          %xor3A_457 = arith.constant 4 : i32
          %xor3A_458 = vector.broadcast %xor3A_457 : i32 to vector<16xi32>
          %xor3A_459 = arith.xori %iota3A, %xor3A_458 : vector<16xi32>
          %broadcast_in_dim3A_460 = vector.shape_cast %xor3A_459 : vector<16xi32> to vector<16x1xi32>
          %gather3A_461 = vector.shape_cast %broadcast_in_dim3A_460 : vector<16x1xi32> to vector<16xi32>
          %gather3A_462 = tpu.dynamic_gather %add3A_456[%gather3A_461] in [0] : vector<16xi32>, vector<16xi32> -> vector<16xi32>
          %add3A_463 = arith.addi %add3A_456, %gather3A_462 : vector<16xi32>
          %xor3A_464 = arith.constant 8 : i32
          %xor3A_465 = vector.broadcast %xor3A_464 : i32 to vector<16xi32>
          %xor3A_466 = arith.xori %iota3A, %xor3A_465 : vector<16xi32>
          %broadcast_in_dim3A_467 = vector.shape_cast %xor3A_466 : vector<16xi32> to vector<16x1xi32>
          %gather3A_468 = vector.shape_cast %broadcast_in_dim3A_467 : vector<16x1xi32> to vector<16xi32>
          %gather3A_469 = tpu.dynamic_gather %add3A_463[%gather3A_468] in [0] : vector<16xi32>, vector<16xi32> -> vector<16xi32>
          %add3A_470 = arith.addi %add3A_463, %gather3A_469 : vector<16xi32>
          %slice3A_471 = vector.extract_strided_slice %add3A_470 {offsets = [0], sizes = [1], strides = [1]} : vector<16xi32> to vector<1xi32>
          %squeeze3A_472 = vector.extract %slice3A_471[0] : i32 from vector<1xi32>
          %while3A_473 = arith.constant 0 : i32
          %while3A_474 = arith.subi %squeeze3A_472, %while3A_473 : i32
          %while3A_475 = arith.addi %while3A_473, %while3A_474 : i32
          %while3A_476 = arith.constant 1 : i32
          %while3A_477 = arith.divsi %while3A_474, %while3A_476 : i32
          %while3A_478 = arith.muli %while3A_477, %while3A_476 : i32
          %while3A_479 = arith.addi %while3A_473, %while3A_478 : i32
          %while3A_480 = arith.constant 1 : i32
          %while3A_481 = scf.for %while3A_625 = %while3A_473 to %while3A_479 step %while3A_480 iter_args(%while3A_626 = %select_n3A_442) -> (vector<16xi32>)  : i32 {
            %gt3A_627 = arith.constant 0 : i32
            %gt3A_628 = vector.broadcast %gt3A_627 : i32 to vector<16xi32>
            %gt3A_629 = arith.cmpi sgt, %while3A_626, %gt3A_628 : vector<16xi32>
            %jit3A_630 = arith.constant 15 : i32
            %broadcast_in_dim3A_631 = vector.broadcast %jit3A_630 : i32 to vector<16xi32>
            %select_n3A_632 = arith.select %gt3A_629, %iota3A, %broadcast_in_dim3A_631 : vector<16xi1>, vector<16xi32>
            %xor3A_633 = arith.constant 1 : i32
            %xor3A_634 = vector.broadcast %xor3A_633 : i32 to vector<16xi32>
            %xor3A_635 = arith.xori %iota3A, %xor3A_634 : vector<16xi32>
            %broadcast_in_dim3A_636 = vector.shape_cast %xor3A_635 : vector<16xi32> to vector<16x1xi32>
            %gather3A_637 = vector.shape_cast %broadcast_in_dim3A_636 : vector<16x1xi32> to vector<16xi32>
            %gather3A_638 = tpu.dynamic_gather %select_n3A_632[%gather3A_637] in [0] : vector<16xi32>, vector<16xi32> -> vector<16xi32>
            %min3A_639 = arith.minsi %select_n3A_632, %gather3A_638 : vector<16xi32>
            %xor3A_640 = arith.constant 2 : i32
            %xor3A_641 = vector.broadcast %xor3A_640 : i32 to vector<16xi32>
            %xor3A_642 = arith.xori %iota3A, %xor3A_641 : vector<16xi32>
            %broadcast_in_dim3A_643 = vector.shape_cast %xor3A_642 : vector<16xi32> to vector<16x1xi32>
            %gather3A_644 = vector.shape_cast %broadcast_in_dim3A_643 : vector<16x1xi32> to vector<16xi32>
            %gather3A_645 = tpu.dynamic_gather %min3A_639[%gather3A_644] in [0] : vector<16xi32>, vector<16xi32> -> vector<16xi32>
            %min3A_646 = arith.minsi %min3A_639, %gather3A_645 : vector<16xi32>
            %xor3A_647 = arith.constant 4 : i32
            %xor3A_648 = vector.broadcast %xor3A_647 : i32 to vector<16xi32>
            %xor3A_649 = arith.xori %iota3A, %xor3A_648 : vector<16xi32>
            %broadcast_in_dim3A_650 = vector.shape_cast %xor3A_649 : vector<16xi32> to vector<16x1xi32>
            %gather3A_651 = vector.shape_cast %broadcast_in_dim3A_650 : vector<16x1xi32> to vector<16xi32>
            %gather3A_652 = tpu.dynamic_gather %min3A_646[%gather3A_651] in [0] : vector<16xi32>, vector<16xi32> -> vector<16xi32>
            %min3A_653 = arith.minsi %min3A_646, %gather3A_652 : vector<16xi32>
            %xor3A_654 = arith.constant 8 : i32
            %xor3A_655 = vector.broadcast %xor3A_654 : i32 to vector<16xi32>
            %xor3A_656 = arith.xori %iota3A, %xor3A_655 : vector<16xi32>
            %broadcast_in_dim3A_657 = vector.shape_cast %xor3A_656 : vector<16xi32> to vector<16x1xi32>
            %gather3A_658 = vector.shape_cast %broadcast_in_dim3A_657 : vector<16x1xi32> to vector<16xi32>
            %gather3A_659 = tpu.dynamic_gather %min3A_653[%gather3A_658] in [0] : vector<16xi32>, vector<16xi32> -> vector<16xi32>
            %min3A_660 = arith.minsi %min3A_653, %gather3A_659 : vector<16xi32>
            %broadcast_in_dim3A_661 = vector.shape_cast %min3A_660 : vector<16xi32> to vector<16x1xi32>
            %gather3A_662 = vector.shape_cast %broadcast_in_dim3A_661 : vector<16x1xi32> to vector<16xi32>
            %gather3A_663 = tpu.dynamic_gather %get3A_99[%gather3A_662] in [0] : vector<16xf32>, vector<16xi32> -> vector<16xf32>
            %add3A_664 = arith.constant 96 : i32
            %add3A_665 = arith.addi %mul3A_65, %add3A_664 : i32
            %add3A_666 = vector.broadcast %add3A_665 : i32 to vector<16xi32>
            %add3A_667 = arith.addi %add3A_666, %min3A_660 : vector<16xi32>
            %get3A_668 = arith.constant 0 : i32
            %get3A_669 = arith.index_cast %get3A_668 : i32 to index
            %get3A_670 = memref.load %arg8[%get3A_669] : memref<1xi32, #tpu.memory_space<smem>>
            %min3A_671 = arith.constant 1008 : i32
            %min3A_672 = arith.minsi %get3A_670, %min3A_671 : i32
            %swap3A_673 = arith.index_cast %min3A_672 : i32 to index
            %swap3A_674 = tpu.vector_load %arg6[%swap3A_673] {strides = array<i32>} : memref<1024xf32, #tpu.memory_space<vmem>>, vector<16xf32>,
            %swap3A_675 = vector.shape_cast %swap3A_674 : vector<16xf32> to vector<16xf32>
            %swap3A_676 = vector.shape_cast %gather3A_663 : vector<16xf32> to vector<16xf32>
            tpu.vector_store %arg6[%swap3A_673], %swap3A_676 {strides = array<i32>} : memref<1024xf32, #tpu.memory_space<vmem>>, vector<16xf32>,
            %swap3A_677 = arith.index_cast %min3A_672 : i32 to index
            %swap3A_678 = tpu.vector_load %arg7[%swap3A_677] {strides = array<i32>} : memref<1024xi32, #tpu.memory_space<vmem>>, vector<16xi32>,
            %swap3A_679 = vector.shape_cast %swap3A_678 : vector<16xi32> to vector<16xi32>
            %swap3A_680 = vector.shape_cast %add3A_667 : vector<16xi32> to vector<16xi32>
            tpu.vector_store %arg7[%swap3A_677], %swap3A_680 {strides = array<i32>} : memref<1024xi32, #tpu.memory_space<vmem>>, vector<16xi32>,
            %add3A_681 = arith.constant 1 : i32
            %add3A_682 = arith.addi %min3A_672, %add3A_681 : i32
            %swap3A_683 = arith.constant 0 : i32
            %swap3A_684 = arith.index_cast %swap3A_683 : i32 to index
            %swap3A_685 = memref.load %arg8[%swap3A_684] : memref<1xi32, #tpu.memory_space<smem>>
            memref.store %add3A_682, %arg8[%swap3A_684] : memref<1xi32, #tpu.memory_space<smem>>
            %eq3A = arith.cmpi eq, %iota3A, %min3A_660 : vector<16xi32>
            %jit3A_686 = arith.constant 0 : i32
            %broadcast_in_dim3A_687 = vector.broadcast %jit3A_686 : i32 to vector<16xi32>
            %select_n3A_688 = arith.select %eq3A, %broadcast_in_dim3A_687, %while3A_626 : vector<16xi1>, vector<16xi32>
            scf.yield %select_n3A_688 : vector<16xi32>
          }
          %while3A_482 = arith.constant 1 : i32
          %while3A_483 = scf.for %while3A_625 = %while3A_479 to %while3A_475 step %while3A_482 iter_args(%while3A_626 = %while3A_481) -> (vector<16xi32>)  : i32 {
            %gt3A_627 = arith.constant 0 : i32
            %gt3A_628 = vector.broadcast %gt3A_627 : i32 to vector<16xi32>
            %gt3A_629 = arith.cmpi sgt, %while3A_626, %gt3A_628 : vector<16xi32>
            %jit3A_630 = arith.constant 15 : i32
            %broadcast_in_dim3A_631 = vector.broadcast %jit3A_630 : i32 to vector<16xi32>
            %select_n3A_632 = arith.select %gt3A_629, %iota3A, %broadcast_in_dim3A_631 : vector<16xi1>, vector<16xi32>
            %xor3A_633 = arith.constant 1 : i32
            %xor3A_634 = vector.broadcast %xor3A_633 : i32 to vector<16xi32>
            %xor3A_635 = arith.xori %iota3A, %xor3A_634 : vector<16xi32>
            %broadcast_in_dim3A_636 = vector.shape_cast %xor3A_635 : vector<16xi32> to vector<16x1xi32>
            %gather3A_637 = vector.shape_cast %broadcast_in_dim3A_636 : vector<16x1xi32> to vector<16xi32>
            %gather3A_638 = tpu.dynamic_gather %select_n3A_632[%gather3A_637] in [0] : vector<16xi32>, vector<16xi32> -> vector<16xi32>
            %min3A_639 = arith.minsi %select_n3A_632, %gather3A_638 : vector<16xi32>
            %xor3A_640 = arith.constant 2 : i32
            %xor3A_641 = vector.broadcast %xor3A_640 : i32 to vector<16xi32>
            %xor3A_642 = arith.xori %iota3A, %xor3A_641 : vector<16xi32>
            %broadcast_in_dim3A_643 = vector.shape_cast %xor3A_642 : vector<16xi32> to vector<16x1xi32>
            %gather3A_644 = vector.shape_cast %broadcast_in_dim3A_643 : vector<16x1xi32> to vector<16xi32>
            %gather3A_645 = tpu.dynamic_gather %min3A_639[%gather3A_644] in [0] : vector<16xi32>, vector<16xi32> -> vector<16xi32>
            %min3A_646 = arith.minsi %min3A_639, %gather3A_645 : vector<16xi32>
            %xor3A_647 = arith.constant 4 : i32
            %xor3A_648 = vector.broadcast %xor3A_647 : i32 to vector<16xi32>
            %xor3A_649 = arith.xori %iota3A, %xor3A_648 : vector<16xi32>
            %broadcast_in_dim3A_650 = vector.shape_cast %xor3A_649 : vector<16xi32> to vector<16x1xi32>
            %gather3A_651 = vector.shape_cast %broadcast_in_dim3A_650 : vector<16x1xi32> to vector<16xi32>
            %gather3A_652 = tpu.dynamic_gather %min3A_646[%gather3A_651] in [0] : vector<16xi32>, vector<16xi32> -> vector<16xi32>
            %min3A_653 = arith.minsi %min3A_646, %gather3A_652 : vector<16xi32>
            %xor3A_654 = arith.constant 8 : i32
            %xor3A_655 = vector.broadcast %xor3A_654 : i32 to vector<16xi32>
            %xor3A_656 = arith.xori %iota3A, %xor3A_655 : vector<16xi32>
            %broadcast_in_dim3A_657 = vector.shape_cast %xor3A_656 : vector<16xi32> to vector<16x1xi32>
            %gather3A_658 = vector.shape_cast %broadcast_in_dim3A_657 : vector<16x1xi32> to vector<16xi32>
            %gather3A_659 = tpu.dynamic_gather %min3A_653[%gather3A_658] in [0] : vector<16xi32>, vector<16xi32> -> vector<16xi32>
            %min3A_660 = arith.minsi %min3A_653, %gather3A_659 : vector<16xi32>
            %broadcast_in_dim3A_661 = vector.shape_cast %min3A_660 : vector<16xi32> to vector<16x1xi32>
            %gather3A_662 = vector.shape_cast %broadcast_in_dim3A_661 : vector<16x1xi32> to vector<16xi32>
            %gather3A_663 = tpu.dynamic_gather %get3A_99[%gather3A_662] in [0] : vector<16xf32>, vector<16xi32> -> vector<16xf32>
            %add3A_664 = arith.constant 96 : i32
            %add3A_665 = arith.addi %mul3A_65, %add3A_664 : i32
            %add3A_666 = vector.broadcast %add3A_665 : i32 to vector<16xi32>
            %add3A_667 = arith.addi %add3A_666, %min3A_660 : vector<16xi32>
            %get3A_668 = arith.constant 0 : i32
            %get3A_669 = arith.index_cast %get3A_668 : i32 to index
            %get3A_670 = memref.load %arg8[%get3A_669] : memref<1xi32, #tpu.memory_space<smem>>
            %min3A_671 = arith.constant 1008 : i32
            %min3A_672 = arith.minsi %get3A_670, %min3A_671 : i32
            %swap3A_673 = arith.index_cast %min3A_672 : i32 to index
            %swap3A_674 = tpu.vector_load %arg6[%swap3A_673] {strides = array<i32>} : memref<1024xf32, #tpu.memory_space<vmem>>, vector<16xf32>,
            %swap3A_675 = vector.shape_cast %swap3A_674 : vector<16xf32> to vector<16xf32>
            %swap3A_676 = vector.shape_cast %gather3A_663 : vector<16xf32> to vector<16xf32>
            tpu.vector_store %arg6[%swap3A_673], %swap3A_676 {strides = array<i32>} : memref<1024xf32, #tpu.memory_space<vmem>>, vector<16xf32>,
            %swap3A_677 = arith.index_cast %min3A_672 : i32 to index
            %swap3A_678 = tpu.vector_load %arg7[%swap3A_677] {strides = array<i32>} : memref<1024xi32, #tpu.memory_space<vmem>>, vector<16xi32>,
            %swap3A_679 = vector.shape_cast %swap3A_678 : vector<16xi32> to vector<16xi32>
            %swap3A_680 = vector.shape_cast %add3A_667 : vector<16xi32> to vector<16xi32>
            tpu.vector_store %arg7[%swap3A_677], %swap3A_680 {strides = array<i32>} : memref<1024xi32, #tpu.memory_space<vmem>>, vector<16xi32>,
            %add3A_681 = arith.constant 1 : i32
            %add3A_682 = arith.addi %min3A_672, %add3A_681 : i32
            %swap3A_683 = arith.constant 0 : i32
            %swap3A_684 = arith.index_cast %swap3A_683 : i32 to index
            %swap3A_685 = memref.load %arg8[%swap3A_684] : memref<1xi32, #tpu.memory_space<smem>>
            memref.store %add3A_682, %arg8[%swap3A_684] : memref<1xi32, #tpu.memory_space<smem>>
            %eq3A = arith.cmpi eq, %iota3A, %min3A_660 : vector<16xi32>
            %jit3A_686 = arith.constant 0 : i32
            %broadcast_in_dim3A_687 = vector.broadcast %jit3A_686 : i32 to vector<16xi32>
            %select_n3A_688 = arith.select %eq3A, %broadcast_in_dim3A_687, %while3A_626 : vector<16xi1>, vector<16xi32>
            scf.yield %select_n3A_688 : vector<16xi32>
          }
          %ge3A_484 = arith.cmpf oge, %get3A_104, %min3A_50 : vector<16xf32>
          %jit3A_485 = arith.constant 1 : i32
          %jit3A_486 = arith.constant 0 : i32
          %broadcast_in_dim3A_487 = vector.broadcast %jit3A_485 : i32 to vector<16xi32>
          %broadcast_in_dim3A_488 = vector.broadcast %jit3A_486 : i32 to vector<16xi32>
          %select_n3A_489 = arith.select %ge3A_484, %broadcast_in_dim3A_487, %broadcast_in_dim3A_488 : vector<16xi1>, vector<16xi32>
          %xor3A_490 = arith.constant 1 : i32
          %xor3A_491 = vector.broadcast %xor3A_490 : i32 to vector<16xi32>
          %xor3A_492 = arith.xori %iota3A, %xor3A_491 : vector<16xi32>
          %broadcast_in_dim3A_493 = vector.shape_cast %xor3A_492 : vector<16xi32> to vector<16x1xi32>
          %gather3A_494 = vector.shape_cast %broadcast_in_dim3A_493 : vector<16x1xi32> to vector<16xi32>
          %gather3A_495 = tpu.dynamic_gather %select_n3A_489[%gather3A_494] in [0] : vector<16xi32>, vector<16xi32> -> vector<16xi32>
          %add3A_496 = arith.addi %select_n3A_489, %gather3A_495 : vector<16xi32>
          %xor3A_497 = arith.constant 2 : i32
          %xor3A_498 = vector.broadcast %xor3A_497 : i32 to vector<16xi32>
          %xor3A_499 = arith.xori %iota3A, %xor3A_498 : vector<16xi32>
          %broadcast_in_dim3A_500 = vector.shape_cast %xor3A_499 : vector<16xi32> to vector<16x1xi32>
          %gather3A_501 = vector.shape_cast %broadcast_in_dim3A_500 : vector<16x1xi32> to vector<16xi32>
          %gather3A_502 = tpu.dynamic_gather %add3A_496[%gather3A_501] in [0] : vector<16xi32>, vector<16xi32> -> vector<16xi32>
          %add3A_503 = arith.addi %add3A_496, %gather3A_502 : vector<16xi32>
          %xor3A_504 = arith.constant 4 : i32
          %xor3A_505 = vector.broadcast %xor3A_504 : i32 to vector<16xi32>
          %xor3A_506 = arith.xori %iota3A, %xor3A_505 : vector<16xi32>
          %broadcast_in_dim3A_507 = vector.shape_cast %xor3A_506 : vector<16xi32> to vector<16x1xi32>
          %gather3A_508 = vector.shape_cast %broadcast_in_dim3A_507 : vector<16x1xi32> to vector<16xi32>
          %gather3A_509 = tpu.dynamic_gather %add3A_503[%gather3A_508] in [0] : vector<16xi32>, vector<16xi32> -> vector<16xi32>
          %add3A_510 = arith.addi %add3A_503, %gather3A_509 : vector<16xi32>
          %xor3A_511 = arith.constant 8 : i32
          %xor3A_512 = vector.broadcast %xor3A_511 : i32 to vector<16xi32>
          %xor3A_513 = arith.xori %iota3A, %xor3A_512 : vector<16xi32>
          %broadcast_in_dim3A_514 = vector.shape_cast %xor3A_513 : vector<16xi32> to vector<16x1xi32>
          %gather3A_515 = vector.shape_cast %broadcast_in_dim3A_514 : vector<16x1xi32> to vector<16xi32>
          %gather3A_516 = tpu.dynamic_gather %add3A_510[%gather3A_515] in [0] : vector<16xi32>, vector<16xi32> -> vector<16xi32>
          %add3A_517 = arith.addi %add3A_510, %gather3A_516 : vector<16xi32>
          %slice3A_518 = vector.extract_strided_slice %add3A_517 {offsets = [0], sizes = [1], strides = [1]} : vector<16xi32> to vector<1xi32>
          %squeeze3A_519 = vector.extract %slice3A_518[0] : i32 from vector<1xi32>
          %while3A_520 = arith.constant 0 : i32
          %while3A_521 = arith.subi %squeeze3A_519, %while3A_520 : i32
          %while3A_522 = arith.addi %while3A_520, %while3A_521 : i32
          %while3A_523 = arith.constant 1 : i32
          %while3A_524 = arith.divsi %while3A_521, %while3A_523 : i32
          %while3A_525 = arith.muli %while3A_524, %while3A_523 : i32
          %while3A_526 = arith.addi %while3A_520, %while3A_525 : i32
          %while3A_527 = arith.constant 1 : i32
          %while3A_528 = scf.for %while3A_625 = %while3A_520 to %while3A_526 step %while3A_527 iter_args(%while3A_626 = %select_n3A_489) -> (vector<16xi32>)  : i32 {
            %gt3A_627 = arith.constant 0 : i32
            %gt3A_628 = vector.broadcast %gt3A_627 : i32 to vector<16xi32>
            %gt3A_629 = arith.cmpi sgt, %while3A_626, %gt3A_628 : vector<16xi32>
            %jit3A_630 = arith.constant 15 : i32
            %broadcast_in_dim3A_631 = vector.broadcast %jit3A_630 : i32 to vector<16xi32>
            %select_n3A_632 = arith.select %gt3A_629, %iota3A, %broadcast_in_dim3A_631 : vector<16xi1>, vector<16xi32>
            %xor3A_633 = arith.constant 1 : i32
            %xor3A_634 = vector.broadcast %xor3A_633 : i32 to vector<16xi32>
            %xor3A_635 = arith.xori %iota3A, %xor3A_634 : vector<16xi32>
            %broadcast_in_dim3A_636 = vector.shape_cast %xor3A_635 : vector<16xi32> to vector<16x1xi32>
            %gather3A_637 = vector.shape_cast %broadcast_in_dim3A_636 : vector<16x1xi32> to vector<16xi32>
            %gather3A_638 = tpu.dynamic_gather %select_n3A_632[%gather3A_637] in [0] : vector<16xi32>, vector<16xi32> -> vector<16xi32>
            %min3A_639 = arith.minsi %select_n3A_632, %gather3A_638 : vector<16xi32>
            %xor3A_640 = arith.constant 2 : i32
            %xor3A_641 = vector.broadcast %xor3A_640 : i32 to vector<16xi32>
            %xor3A_642 = arith.xori %iota3A, %xor3A_641 : vector<16xi32>
            %broadcast_in_dim3A_643 = vector.shape_cast %xor3A_642 : vector<16xi32> to vector<16x1xi32>
            %gather3A_644 = vector.shape_cast %broadcast_in_dim3A_643 : vector<16x1xi32> to vector<16xi32>
            %gather3A_645 = tpu.dynamic_gather %min3A_639[%gather3A_644] in [0] : vector<16xi32>, vector<16xi32> -> vector<16xi32>
            %min3A_646 = arith.minsi %min3A_639, %gather3A_645 : vector<16xi32>
            %xor3A_647 = arith.constant 4 : i32
            %xor3A_648 = vector.broadcast %xor3A_647 : i32 to vector<16xi32>
            %xor3A_649 = arith.xori %iota3A, %xor3A_648 : vector<16xi32>
            %broadcast_in_dim3A_650 = vector.shape_cast %xor3A_649 : vector<16xi32> to vector<16x1xi32>
            %gather3A_651 = vector.shape_cast %broadcast_in_dim3A_650 : vector<16x1xi32> to vector<16xi32>
            %gather3A_652 = tpu.dynamic_gather %min3A_646[%gather3A_651] in [0] : vector<16xi32>, vector<16xi32> -> vector<16xi32>
            %min3A_653 = arith.minsi %min3A_646, %gather3A_652 : vector<16xi32>
            %xor3A_654 = arith.constant 8 : i32
            %xor3A_655 = vector.broadcast %xor3A_654 : i32 to vector<16xi32>
            %xor3A_656 = arith.xori %iota3A, %xor3A_655 : vector<16xi32>
            %broadcast_in_dim3A_657 = vector.shape_cast %xor3A_656 : vector<16xi32> to vector<16x1xi32>
            %gather3A_658 = vector.shape_cast %broadcast_in_dim3A_657 : vector<16x1xi32> to vector<16xi32>
            %gather3A_659 = tpu.dynamic_gather %min3A_653[%gather3A_658] in [0] : vector<16xi32>, vector<16xi32> -> vector<16xi32>
            %min3A_660 = arith.minsi %min3A_653, %gather3A_659 : vector<16xi32>
            %broadcast_in_dim3A_661 = vector.shape_cast %min3A_660 : vector<16xi32> to vector<16x1xi32>
            %gather3A_662 = vector.shape_cast %broadcast_in_dim3A_661 : vector<16x1xi32> to vector<16xi32>
            %gather3A_663 = tpu.dynamic_gather %get3A_104[%gather3A_662] in [0] : vector<16xf32>, vector<16xi32> -> vector<16xf32>
            %add3A_664 = arith.constant 112 : i32
            %add3A_665 = arith.addi %mul3A_65, %add3A_664 : i32
            %add3A_666 = vector.broadcast %add3A_665 : i32 to vector<16xi32>
            %add3A_667 = arith.addi %add3A_666, %min3A_660 : vector<16xi32>
            %get3A_668 = arith.constant 0 : i32
            %get3A_669 = arith.index_cast %get3A_668 : i32 to index
            %get3A_670 = memref.load %arg8[%get3A_669] : memref<1xi32, #tpu.memory_space<smem>>
            %min3A_671 = arith.constant 1008 : i32
            %min3A_672 = arith.minsi %get3A_670, %min3A_671 : i32
            %swap3A_673 = arith.index_cast %min3A_672 : i32 to index
            %swap3A_674 = tpu.vector_load %arg6[%swap3A_673] {strides = array<i32>} : memref<1024xf32, #tpu.memory_space<vmem>>, vector<16xf32>,
            %swap3A_675 = vector.shape_cast %swap3A_674 : vector<16xf32> to vector<16xf32>
            %swap3A_676 = vector.shape_cast %gather3A_663 : vector<16xf32> to vector<16xf32>
            tpu.vector_store %arg6[%swap3A_673], %swap3A_676 {strides = array<i32>} : memref<1024xf32, #tpu.memory_space<vmem>>, vector<16xf32>,
            %swap3A_677 = arith.index_cast %min3A_672 : i32 to index
            %swap3A_678 = tpu.vector_load %arg7[%swap3A_677] {strides = array<i32>} : memref<1024xi32, #tpu.memory_space<vmem>>, vector<16xi32>,
            %swap3A_679 = vector.shape_cast %swap3A_678 : vector<16xi32> to vector<16xi32>
            %swap3A_680 = vector.shape_cast %add3A_667 : vector<16xi32> to vector<16xi32>
            tpu.vector_store %arg7[%swap3A_677], %swap3A_680 {strides = array<i32>} : memref<1024xi32, #tpu.memory_space<vmem>>, vector<16xi32>,
            %add3A_681 = arith.constant 1 : i32
            %add3A_682 = arith.addi %min3A_672, %add3A_681 : i32
            %swap3A_683 = arith.constant 0 : i32
            %swap3A_684 = arith.index_cast %swap3A_683 : i32 to index
            %swap3A_685 = memref.load %arg8[%swap3A_684] : memref<1xi32, #tpu.memory_space<smem>>
            memref.store %add3A_682, %arg8[%swap3A_684] : memref<1xi32, #tpu.memory_space<smem>>
            %eq3A = arith.cmpi eq, %iota3A, %min3A_660 : vector<16xi32>
            %jit3A_686 = arith.constant 0 : i32
            %broadcast_in_dim3A_687 = vector.broadcast %jit3A_686 : i32 to vector<16xi32>
            %select_n3A_688 = arith.select %eq3A, %broadcast_in_dim3A_687, %while3A_626 : vector<16xi1>, vector<16xi32>
            scf.yield %select_n3A_688 : vector<16xi32>
          }
          %while3A_529 = arith.constant 1 : i32
          %while3A_530 = scf.for %while3A_625 = %while3A_526 to %while3A_522 step %while3A_529 iter_args(%while3A_626 = %while3A_528) -> (vector<16xi32>)  : i32 {
            %gt3A_627 = arith.constant 0 : i32
            %gt3A_628 = vector.broadcast %gt3A_627 : i32 to vector<16xi32>
            %gt3A_629 = arith.cmpi sgt, %while3A_626, %gt3A_628 : vector<16xi32>
            %jit3A_630 = arith.constant 15 : i32
            %broadcast_in_dim3A_631 = vector.broadcast %jit3A_630 : i32 to vector<16xi32>
            %select_n3A_632 = arith.select %gt3A_629, %iota3A, %broadcast_in_dim3A_631 : vector<16xi1>, vector<16xi32>
            %xor3A_633 = arith.constant 1 : i32
            %xor3A_634 = vector.broadcast %xor3A_633 : i32 to vector<16xi32>
            %xor3A_635 = arith.xori %iota3A, %xor3A_634 : vector<16xi32>
            %broadcast_in_dim3A_636 = vector.shape_cast %xor3A_635 : vector<16xi32> to vector<16x1xi32>
            %gather3A_637 = vector.shape_cast %broadcast_in_dim3A_636 : vector<16x1xi32> to vector<16xi32>
            %gather3A_638 = tpu.dynamic_gather %select_n3A_632[%gather3A_637] in [0] : vector<16xi32>, vector<16xi32> -> vector<16xi32>
            %min3A_639 = arith.minsi %select_n3A_632, %gather3A_638 : vector<16xi32>
            %xor3A_640 = arith.constant 2 : i32
            %xor3A_641 = vector.broadcast %xor3A_640 : i32 to vector<16xi32>
            %xor3A_642 = arith.xori %iota3A, %xor3A_641 : vector<16xi32>
            %broadcast_in_dim3A_643 = vector.shape_cast %xor3A_642 : vector<16xi32> to vector<16x1xi32>
            %gather3A_644 = vector.shape_cast %broadcast_in_dim3A_643 : vector<16x1xi32> to vector<16xi32>
            %gather3A_645 = tpu.dynamic_gather %min3A_639[%gather3A_644] in [0] : vector<16xi32>, vector<16xi32> -> vector<16xi32>
            %min3A_646 = arith.minsi %min3A_639, %gather3A_645 : vector<16xi32>
            %xor3A_647 = arith.constant 4 : i32
            %xor3A_648 = vector.broadcast %xor3A_647 : i32 to vector<16xi32>
            %xor3A_649 = arith.xori %iota3A, %xor3A_648 : vector<16xi32>
            %broadcast_in_dim3A_650 = vector.shape_cast %xor3A_649 : vector<16xi32> to vector<16x1xi32>
            %gather3A_651 = vector.shape_cast %broadcast_in_dim3A_650 : vector<16x1xi32> to vector<16xi32>
            %gather3A_652 = tpu.dynamic_gather %min3A_646[%gather3A_651] in [0] : vector<16xi32>, vector<16xi32> -> vector<16xi32>
            %min3A_653 = arith.minsi %min3A_646, %gather3A_652 : vector<16xi32>
            %xor3A_654 = arith.constant 8 : i32
            %xor3A_655 = vector.broadcast %xor3A_654 : i32 to vector<16xi32>
            %xor3A_656 = arith.xori %iota3A, %xor3A_655 : vector<16xi32>
            %broadcast_in_dim3A_657 = vector.shape_cast %xor3A_656 : vector<16xi32> to vector<16x1xi32>
            %gather3A_658 = vector.shape_cast %broadcast_in_dim3A_657 : vector<16x1xi32> to vector<16xi32>
            %gather3A_659 = tpu.dynamic_gather %min3A_653[%gather3A_658] in [0] : vector<16xi32>, vector<16xi32> -> vector<16xi32>
            %min3A_660 = arith.minsi %min3A_653, %gather3A_659 : vector<16xi32>
            %broadcast_in_dim3A_661 = vector.shape_cast %min3A_660 : vector<16xi32> to vector<16x1xi32>
            %gather3A_662 = vector.shape_cast %broadcast_in_dim3A_661 : vector<16x1xi32> to vector<16xi32>
            %gather3A_663 = tpu.dynamic_gather %get3A_104[%gather3A_662] in [0] : vector<16xf32>, vector<16xi32> -> vector<16xf32>
            %add3A_664 = arith.constant 112 : i32
            %add3A_665 = arith.addi %mul3A_65, %add3A_664 : i32
            %add3A_666 = vector.broadcast %add3A_665 : i32 to vector<16xi32>
            %add3A_667 = arith.addi %add3A_666, %min3A_660 : vector<16xi32>
            %get3A_668 = arith.constant 0 : i32
            %get3A_669 = arith.index_cast %get3A_668 : i32 to index
            %get3A_670 = memref.load %arg8[%get3A_669] : memref<1xi32, #tpu.memory_space<smem>>
            %min3A_671 = arith.constant 1008 : i32
            %min3A_672 = arith.minsi %get3A_670, %min3A_671 : i32
            %swap3A_673 = arith.index_cast %min3A_672 : i32 to index
            %swap3A_674 = tpu.vector_load %arg6[%swap3A_673] {strides = array<i32>} : memref<1024xf32, #tpu.memory_space<vmem>>, vector<16xf32>,
            %swap3A_675 = vector.shape_cast %swap3A_674 : vector<16xf32> to vector<16xf32>
            %swap3A_676 = vector.shape_cast %gather3A_663 : vector<16xf32> to vector<16xf32>
            tpu.vector_store %arg6[%swap3A_673], %swap3A_676 {strides = array<i32>} : memref<1024xf32, #tpu.memory_space<vmem>>, vector<16xf32>,
            %swap3A_677 = arith.index_cast %min3A_672 : i32 to index
            %swap3A_678 = tpu.vector_load %arg7[%swap3A_677] {strides = array<i32>} : memref<1024xi32, #tpu.memory_space<vmem>>, vector<16xi32>,
            %swap3A_679 = vector.shape_cast %swap3A_678 : vector<16xi32> to vector<16xi32>
            %swap3A_680 = vector.shape_cast %add3A_667 : vector<16xi32> to vector<16xi32>
            tpu.vector_store %arg7[%swap3A_677], %swap3A_680 {strides = array<i32>} : memref<1024xi32, #tpu.memory_space<vmem>>, vector<16xi32>,
            %add3A_681 = arith.constant 1 : i32
            %add3A_682 = arith.addi %min3A_672, %add3A_681 : i32
            %swap3A_683 = arith.constant 0 : i32
            %swap3A_684 = arith.index_cast %swap3A_683 : i32 to index
            %swap3A_685 = memref.load %arg8[%swap3A_684] : memref<1xi32, #tpu.memory_space<smem>>
            memref.store %add3A_682, %arg8[%swap3A_684] : memref<1xi32, #tpu.memory_space<smem>>
            %eq3A = arith.cmpi eq, %iota3A, %min3A_660 : vector<16xi32>
            %jit3A_686 = arith.constant 0 : i32
            %broadcast_in_dim3A_687 = vector.broadcast %jit3A_686 : i32 to vector<16xi32>
            %select_n3A_688 = arith.select %eq3A, %broadcast_in_dim3A_687, %while3A_626 : vector<16xi1>, vector<16xi32>
            scf.yield %select_n3A_688 : vector<16xi32>
          }
          %ge3A_531 = arith.cmpf oge, %get3A_109, %min3A_50 : vector<16xf32>
          %jit3A_532 = arith.constant 1 : i32
          %jit3A_533 = arith.constant 0 : i32
          %broadcast_in_dim3A_534 = vector.broadcast %jit3A_532 : i32 to vector<16xi32>
          %broadcast_in_dim3A_535 = vector.broadcast %jit3A_533 : i32 to vector<16xi32>
          %select_n3A_536 = arith.select %ge3A_531, %broadcast_in_dim3A_534, %broadcast_in_dim3A_535 : vector<16xi1>, vector<16xi32>
          %xor3A_537 = arith.constant 1 : i32
          %xor3A_538 = vector.broadcast %xor3A_537 : i32 to vector<16xi32>
          %xor3A_539 = arith.xori %iota3A, %xor3A_538 : vector<16xi32>
          %broadcast_in_dim3A_540 = vector.shape_cast %xor3A_539 : vector<16xi32> to vector<16x1xi32>
          %gather3A_541 = vector.shape_cast %broadcast_in_dim3A_540 : vector<16x1xi32> to vector<16xi32>
          %gather3A_542 = tpu.dynamic_gather %select_n3A_536[%gather3A_541] in [0] : vector<16xi32>, vector<16xi32> -> vector<16xi32>
          %add3A_543 = arith.addi %select_n3A_536, %gather3A_542 : vector<16xi32>
          %xor3A_544 = arith.constant 2 : i32
          %xor3A_545 = vector.broadcast %xor3A_544 : i32 to vector<16xi32>
          %xor3A_546 = arith.xori %iota3A, %xor3A_545 : vector<16xi32>
          %broadcast_in_dim3A_547 = vector.shape_cast %xor3A_546 : vector<16xi32> to vector<16x1xi32>
          %gather3A_548 = vector.shape_cast %broadcast_in_dim3A_547 : vector<16x1xi32> to vector<16xi32>
          %gather3A_549 = tpu.dynamic_gather %add3A_543[%gather3A_548] in [0] : vector<16xi32>, vector<16xi32> -> vector<16xi32>
          %add3A_550 = arith.addi %add3A_543, %gather3A_549 : vector<16xi32>
          %xor3A_551 = arith.constant 4 : i32
          %xor3A_552 = vector.broadcast %xor3A_551 : i32 to vector<16xi32>
          %xor3A_553 = arith.xori %iota3A, %xor3A_552 : vector<16xi32>
          %broadcast_in_dim3A_554 = vector.shape_cast %xor3A_553 : vector<16xi32> to vector<16x1xi32>
          %gather3A_555 = vector.shape_cast %broadcast_in_dim3A_554 : vector<16x1xi32> to vector<16xi32>
          %gather3A_556 = tpu.dynamic_gather %add3A_550[%gather3A_555] in [0] : vector<16xi32>, vector<16xi32> -> vector<16xi32>
          %add3A_557 = arith.addi %add3A_550, %gather3A_556 : vector<16xi32>
          %xor3A_558 = arith.constant 8 : i32
          %xor3A_559 = vector.broadcast %xor3A_558 : i32 to vector<16xi32>
          %xor3A_560 = arith.xori %iota3A, %xor3A_559 : vector<16xi32>
          %broadcast_in_dim3A_561 = vector.shape_cast %xor3A_560 : vector<16xi32> to vector<16x1xi32>
          %gather3A_562 = vector.shape_cast %broadcast_in_dim3A_561 : vector<16x1xi32> to vector<16xi32>
          %gather3A_563 = tpu.dynamic_gather %add3A_557[%gather3A_562] in [0] : vector<16xi32>, vector<16xi32> -> vector<16xi32>
          %add3A_564 = arith.addi %add3A_557, %gather3A_563 : vector<16xi32>
          %slice3A_565 = vector.extract_strided_slice %add3A_564 {offsets = [0], sizes = [1], strides = [1]} : vector<16xi32> to vector<1xi32>
          %squeeze3A_566 = vector.extract %slice3A_565[0] : i32 from vector<1xi32>
          %while3A_567 = arith.constant 0 : i32
          %while3A_568 = arith.subi %squeeze3A_566, %while3A_567 : i32
          %while3A_569 = arith.addi %while3A_567, %while3A_568 : i32
          %while3A_570 = arith.constant 1 : i32
          %while3A_571 = arith.divsi %while3A_568, %while3A_570 : i32
          %while3A_572 = arith.muli %while3A_571, %while3A_570 : i32
          %while3A_573 = arith.addi %while3A_567, %while3A_572 : i32
          %while3A_574 = arith.constant 1 : i32
          %while3A_575 = scf.for %while3A_625 = %while3A_567 to %while3A_573 step %while3A_574 iter_args(%while3A_626 = %select_n3A_536) -> (vector<16xi32>)  : i32 {
            %gt3A_627 = arith.constant 0 : i32
            %gt3A_628 = vector.broadcast %gt3A_627 : i32 to vector<16xi32>
            %gt3A_629 = arith.cmpi sgt, %while3A_626, %gt3A_628 : vector<16xi32>
            %jit3A_630 = arith.constant 15 : i32
            %broadcast_in_dim3A_631 = vector.broadcast %jit3A_630 : i32 to vector<16xi32>
            %select_n3A_632 = arith.select %gt3A_629, %iota3A, %broadcast_in_dim3A_631 : vector<16xi1>, vector<16xi32>
            %xor3A_633 = arith.constant 1 : i32
            %xor3A_634 = vector.broadcast %xor3A_633 : i32 to vector<16xi32>
            %xor3A_635 = arith.xori %iota3A, %xor3A_634 : vector<16xi32>
            %broadcast_in_dim3A_636 = vector.shape_cast %xor3A_635 : vector<16xi32> to vector<16x1xi32>
            %gather3A_637 = vector.shape_cast %broadcast_in_dim3A_636 : vector<16x1xi32> to vector<16xi32>
            %gather3A_638 = tpu.dynamic_gather %select_n3A_632[%gather3A_637] in [0] : vector<16xi32>, vector<16xi32> -> vector<16xi32>
            %min3A_639 = arith.minsi %select_n3A_632, %gather3A_638 : vector<16xi32>
            %xor3A_640 = arith.constant 2 : i32
            %xor3A_641 = vector.broadcast %xor3A_640 : i32 to vector<16xi32>
            %xor3A_642 = arith.xori %iota3A, %xor3A_641 : vector<16xi32>
            %broadcast_in_dim3A_643 = vector.shape_cast %xor3A_642 : vector<16xi32> to vector<16x1xi32>
            %gather3A_644 = vector.shape_cast %broadcast_in_dim3A_643 : vector<16x1xi32> to vector<16xi32>
            %gather3A_645 = tpu.dynamic_gather %min3A_639[%gather3A_644] in [0] : vector<16xi32>, vector<16xi32> -> vector<16xi32>
            %min3A_646 = arith.minsi %min3A_639, %gather3A_645 : vector<16xi32>
            %xor3A_647 = arith.constant 4 : i32
            %xor3A_648 = vector.broadcast %xor3A_647 : i32 to vector<16xi32>
            %xor3A_649 = arith.xori %iota3A, %xor3A_648 : vector<16xi32>
            %broadcast_in_dim3A_650 = vector.shape_cast %xor3A_649 : vector<16xi32> to vector<16x1xi32>
            %gather3A_651 = vector.shape_cast %broadcast_in_dim3A_650 : vector<16x1xi32> to vector<16xi32>
            %gather3A_652 = tpu.dynamic_gather %min3A_646[%gather3A_651] in [0] : vector<16xi32>, vector<16xi32> -> vector<16xi32>
            %min3A_653 = arith.minsi %min3A_646, %gather3A_652 : vector<16xi32>
            %xor3A_654 = arith.constant 8 : i32
            %xor3A_655 = vector.broadcast %xor3A_654 : i32 to vector<16xi32>
            %xor3A_656 = arith.xori %iota3A, %xor3A_655 : vector<16xi32>
            %broadcast_in_dim3A_657 = vector.shape_cast %xor3A_656 : vector<16xi32> to vector<16x1xi32>
            %gather3A_658 = vector.shape_cast %broadcast_in_dim3A_657 : vector<16x1xi32> to vector<16xi32>
            %gather3A_659 = tpu.dynamic_gather %min3A_653[%gather3A_658] in [0] : vector<16xi32>, vector<16xi32> -> vector<16xi32>
            %min3A_660 = arith.minsi %min3A_653, %gather3A_659 : vector<16xi32>
            %broadcast_in_dim3A_661 = vector.shape_cast %min3A_660 : vector<16xi32> to vector<16x1xi32>
            %gather3A_662 = vector.shape_cast %broadcast_in_dim3A_661 : vector<16x1xi32> to vector<16xi32>
            %gather3A_663 = tpu.dynamic_gather %get3A_109[%gather3A_662] in [0] : vector<16xf32>, vector<16xi32> -> vector<16xf32>
            %add3A_664 = arith.constant 128 : i32
            %add3A_665 = arith.addi %mul3A_65, %add3A_664 : i32
            %add3A_666 = vector.broadcast %add3A_665 : i32 to vector<16xi32>
            %add3A_667 = arith.addi %add3A_666, %min3A_660 : vector<16xi32>
            %get3A_668 = arith.constant 0 : i32
            %get3A_669 = arith.index_cast %get3A_668 : i32 to index
            %get3A_670 = memref.load %arg8[%get3A_669] : memref<1xi32, #tpu.memory_space<smem>>
            %min3A_671 = arith.constant 1008 : i32
            %min3A_672 = arith.minsi %get3A_670, %min3A_671 : i32
            %swap3A_673 = arith.index_cast %min3A_672 : i32 to index
            %swap3A_674 = tpu.vector_load %arg6[%swap3A_673] {strides = array<i32>} : memref<1024xf32, #tpu.memory_space<vmem>>, vector<16xf32>,
            %swap3A_675 = vector.shape_cast %swap3A_674 : vector<16xf32> to vector<16xf32>
            %swap3A_676 = vector.shape_cast %gather3A_663 : vector<16xf32> to vector<16xf32>
            tpu.vector_store %arg6[%swap3A_673], %swap3A_676 {strides = array<i32>} : memref<1024xf32, #tpu.memory_space<vmem>>, vector<16xf32>,
            %swap3A_677 = arith.index_cast %min3A_672 : i32 to index
            %swap3A_678 = tpu.vector_load %arg7[%swap3A_677] {strides = array<i32>} : memref<1024xi32, #tpu.memory_space<vmem>>, vector<16xi32>,
            %swap3A_679 = vector.shape_cast %swap3A_678 : vector<16xi32> to vector<16xi32>
            %swap3A_680 = vector.shape_cast %add3A_667 : vector<16xi32> to vector<16xi32>
            tpu.vector_store %arg7[%swap3A_677], %swap3A_680 {strides = array<i32>} : memref<1024xi32, #tpu.memory_space<vmem>>, vector<16xi32>,
            %add3A_681 = arith.constant 1 : i32
            %add3A_682 = arith.addi %min3A_672, %add3A_681 : i32
            %swap3A_683 = arith.constant 0 : i32
            %swap3A_684 = arith.index_cast %swap3A_683 : i32 to index
            %swap3A_685 = memref.load %arg8[%swap3A_684] : memref<1xi32, #tpu.memory_space<smem>>
            memref.store %add3A_682, %arg8[%swap3A_684] : memref<1xi32, #tpu.memory_space<smem>>
            %eq3A = arith.cmpi eq, %iota3A, %min3A_660 : vector<16xi32>
            %jit3A_686 = arith.constant 0 : i32
            %broadcast_in_dim3A_687 = vector.broadcast %jit3A_686 : i32 to vector<16xi32>
            %select_n3A_688 = arith.select %eq3A, %broadcast_in_dim3A_687, %while3A_626 : vector<16xi1>, vector<16xi32>
            scf.yield %select_n3A_688 : vector<16xi32>
          }
          %while3A_576 = arith.constant 1 : i32
          %while3A_577 = scf.for %while3A_625 = %while3A_573 to %while3A_569 step %while3A_576 iter_args(%while3A_626 = %while3A_575) -> (vector<16xi32>)  : i32 {
            %gt3A_627 = arith.constant 0 : i32
            %gt3A_628 = vector.broadcast %gt3A_627 : i32 to vector<16xi32>
            %gt3A_629 = arith.cmpi sgt, %while3A_626, %gt3A_628 : vector<16xi32>
            %jit3A_630 = arith.constant 15 : i32
            %broadcast_in_dim3A_631 = vector.broadcast %jit3A_630 : i32 to vector<16xi32>
            %select_n3A_632 = arith.select %gt3A_629, %iota3A, %broadcast_in_dim3A_631 : vector<16xi1>, vector<16xi32>
            %xor3A_633 = arith.constant 1 : i32
            %xor3A_634 = vector.broadcast %xor3A_633 : i32 to vector<16xi32>
            %xor3A_635 = arith.xori %iota3A, %xor3A_634 : vector<16xi32>
            %broadcast_in_dim3A_636 = vector.shape_cast %xor3A_635 : vector<16xi32> to vector<16x1xi32>
            %gather3A_637 = vector.shape_cast %broadcast_in_dim3A_636 : vector<16x1xi32> to vector<16xi32>
            %gather3A_638 = tpu.dynamic_gather %select_n3A_632[%gather3A_637] in [0] : vector<16xi32>, vector<16xi32> -> vector<16xi32>
            %min3A_639 = arith.minsi %select_n3A_632, %gather3A_638 : vector<16xi32>
            %xor3A_640 = arith.constant 2 : i32
            %xor3A_641 = vector.broadcast %xor3A_640 : i32 to vector<16xi32>
            %xor3A_642 = arith.xori %iota3A, %xor3A_641 : vector<16xi32>
            %broadcast_in_dim3A_643 = vector.shape_cast %xor3A_642 : vector<16xi32> to vector<16x1xi32>
            %gather3A_644 = vector.shape_cast %broadcast_in_dim3A_643 : vector<16x1xi32> to vector<16xi32>
            %gather3A_645 = tpu.dynamic_gather %min3A_639[%gather3A_644] in [0] : vector<16xi32>, vector<16xi32> -> vector<16xi32>
            %min3A_646 = arith.minsi %min3A_639, %gather3A_645 : vector<16xi32>
            %xor3A_647 = arith.constant 4 : i32
            %xor3A_648 = vector.broadcast %xor3A_647 : i32 to vector<16xi32>
            %xor3A_649 = arith.xori %iota3A, %xor3A_648 : vector<16xi32>
            %broadcast_in_dim3A_650 = vector.shape_cast %xor3A_649 : vector<16xi32> to vector<16x1xi32>
            %gather3A_651 = vector.shape_cast %broadcast_in_dim3A_650 : vector<16x1xi32> to vector<16xi32>
            %gather3A_652 = tpu.dynamic_gather %min3A_646[%gather3A_651] in [0] : vector<16xi32>, vector<16xi32> -> vector<16xi32>
            %min3A_653 = arith.minsi %min3A_646, %gather3A_652 : vector<16xi32>
            %xor3A_654 = arith.constant 8 : i32
            %xor3A_655 = vector.broadcast %xor3A_654 : i32 to vector<16xi32>
            %xor3A_656 = arith.xori %iota3A, %xor3A_655 : vector<16xi32>
            %broadcast_in_dim3A_657 = vector.shape_cast %xor3A_656 : vector<16xi32> to vector<16x1xi32>
            %gather3A_658 = vector.shape_cast %broadcast_in_dim3A_657 : vector<16x1xi32> to vector<16xi32>
            %gather3A_659 = tpu.dynamic_gather %min3A_653[%gather3A_658] in [0] : vector<16xi32>, vector<16xi32> -> vector<16xi32>
            %min3A_660 = arith.minsi %min3A_653, %gather3A_659 : vector<16xi32>
            %broadcast_in_dim3A_661 = vector.shape_cast %min3A_660 : vector<16xi32> to vector<16x1xi32>
            %gather3A_662 = vector.shape_cast %broadcast_in_dim3A_661 : vector<16x1xi32> to vector<16xi32>
            %gather3A_663 = tpu.dynamic_gather %get3A_109[%gather3A_662] in [0] : vector<16xf32>, vector<16xi32> -> vector<16xf32>
            %add3A_664 = arith.constant 128 : i32
            %add3A_665 = arith.addi %mul3A_65, %add3A_664 : i32
            %add3A_666 = vector.broadcast %add3A_665 : i32 to vector<16xi32>
            %add3A_667 = arith.addi %add3A_666, %min3A_660 : vector<16xi32>
            %get3A_668 = arith.constant 0 : i32
            %get3A_669 = arith.index_cast %get3A_668 : i32 to index
            %get3A_670 = memref.load %arg8[%get3A_669] : memref<1xi32, #tpu.memory_space<smem>>
            %min3A_671 = arith.constant 1008 : i32
            %min3A_672 = arith.minsi %get3A_670, %min3A_671 : i32
            %swap3A_673 = arith.index_cast %min3A_672 : i32 to index
            %swap3A_674 = tpu.vector_load %arg6[%swap3A_673] {strides = array<i32>} : memref<1024xf32, #tpu.memory_space<vmem>>, vector<16xf32>,
            %swap3A_675 = vector.shape_cast %swap3A_674 : vector<16xf32> to vector<16xf32>
            %swap3A_676 = vector.shape_cast %gather3A_663 : vector<16xf32> to vector<16xf32>
            tpu.vector_store %arg6[%swap3A_673], %swap3A_676 {strides = array<i32>} : memref<1024xf32, #tpu.memory_space<vmem>>, vector<16xf32>,
            %swap3A_677 = arith.index_cast %min3A_672 : i32 to index
            %swap3A_678 = tpu.vector_load %arg7[%swap3A_677] {strides = array<i32>} : memref<1024xi32, #tpu.memory_space<vmem>>, vector<16xi32>,
            %swap3A_679 = vector.shape_cast %swap3A_678 : vector<16xi32> to vector<16xi32>
            %swap3A_680 = vector.shape_cast %add3A_667 : vector<16xi32> to vector<16xi32>
            tpu.vector_store %arg7[%swap3A_677], %swap3A_680 {strides = array<i32>} : memref<1024xi32, #tpu.memory_space<vmem>>, vector<16xi32>,
            %add3A_681 = arith.constant 1 : i32
            %add3A_682 = arith.addi %min3A_672, %add3A_681 : i32
            %swap3A_683 = arith.constant 0 : i32
            %swap3A_684 = arith.index_cast %swap3A_683 : i32 to index
            %swap3A_685 = memref.load %arg8[%swap3A_684] : memref<1xi32, #tpu.memory_space<smem>>
            memref.store %add3A_682, %arg8[%swap3A_684] : memref<1xi32, #tpu.memory_space<smem>>
            %eq3A = arith.cmpi eq, %iota3A, %min3A_660 : vector<16xi32>
            %jit3A_686 = arith.constant 0 : i32
            %broadcast_in_dim3A_687 = vector.broadcast %jit3A_686 : i32 to vector<16xi32>
            %select_n3A_688 = arith.select %eq3A, %broadcast_in_dim3A_687, %while3A_626 : vector<16xi1>, vector<16xi32>
            scf.yield %select_n3A_688 : vector<16xi32>
          }
          %ge3A_578 = arith.cmpf oge, %get3A_114, %min3A_50 : vector<16xf32>
          %jit3A_579 = arith.constant 1 : i32
          %jit3A_580 = arith.constant 0 : i32
          %broadcast_in_dim3A_581 = vector.broadcast %jit3A_579 : i32 to vector<16xi32>
          %broadcast_in_dim3A_582 = vector.broadcast %jit3A_580 : i32 to vector<16xi32>
          %select_n3A_583 = arith.select %ge3A_578, %broadcast_in_dim3A_581, %broadcast_in_dim3A_582 : vector<16xi1>, vector<16xi32>
          %xor3A_584 = arith.constant 1 : i32
          %xor3A_585 = vector.broadcast %xor3A_584 : i32 to vector<16xi32>
          %xor3A_586 = arith.xori %iota3A, %xor3A_585 : vector<16xi32>
          %broadcast_in_dim3A_587 = vector.shape_cast %xor3A_586 : vector<16xi32> to vector<16x1xi32>
          %gather3A_588 = vector.shape_cast %broadcast_in_dim3A_587 : vector<16x1xi32> to vector<16xi32>
          %gather3A_589 = tpu.dynamic_gather %select_n3A_583[%gather3A_588] in [0] : vector<16xi32>, vector<16xi32> -> vector<16xi32>
          %add3A_590 = arith.addi %select_n3A_583, %gather3A_589 : vector<16xi32>
          %xor3A_591 = arith.constant 2 : i32
          %xor3A_592 = vector.broadcast %xor3A_591 : i32 to vector<16xi32>
          %xor3A_593 = arith.xori %iota3A, %xor3A_592 : vector<16xi32>
          %broadcast_in_dim3A_594 = vector.shape_cast %xor3A_593 : vector<16xi32> to vector<16x1xi32>
          %gather3A_595 = vector.shape_cast %broadcast_in_dim3A_594 : vector<16x1xi32> to vector<16xi32>
          %gather3A_596 = tpu.dynamic_gather %add3A_590[%gather3A_595] in [0] : vector<16xi32>, vector<16xi32> -> vector<16xi32>
          %add3A_597 = arith.addi %add3A_590, %gather3A_596 : vector<16xi32>
          %xor3A_598 = arith.constant 4 : i32
          %xor3A_599 = vector.broadcast %xor3A_598 : i32 to vector<16xi32>
          %xor3A_600 = arith.xori %iota3A, %xor3A_599 : vector<16xi32>
          %broadcast_in_dim3A_601 = vector.shape_cast %xor3A_600 : vector<16xi32> to vector<16x1xi32>
          %gather3A_602 = vector.shape_cast %broadcast_in_dim3A_601 : vector<16x1xi32> to vector<16xi32>
          %gather3A_603 = tpu.dynamic_gather %add3A_597[%gather3A_602] in [0] : vector<16xi32>, vector<16xi32> -> vector<16xi32>
          %add3A_604 = arith.addi %add3A_597, %gather3A_603 : vector<16xi32>
          %xor3A_605 = arith.constant 8 : i32
          %xor3A_606 = vector.broadcast %xor3A_605 : i32 to vector<16xi32>
          %xor3A_607 = arith.xori %iota3A, %xor3A_606 : vector<16xi32>
          %broadcast_in_dim3A_608 = vector.shape_cast %xor3A_607 : vector<16xi32> to vector<16x1xi32>
          %gather3A_609 = vector.shape_cast %broadcast_in_dim3A_608 : vector<16x1xi32> to vector<16xi32>
          %gather3A_610 = tpu.dynamic_gather %add3A_604[%gather3A_609] in [0] : vector<16xi32>, vector<16xi32> -> vector<16xi32>
          %add3A_611 = arith.addi %add3A_604, %gather3A_610 : vector<16xi32>
          %slice3A_612 = vector.extract_strided_slice %add3A_611 {offsets = [0], sizes = [1], strides = [1]} : vector<16xi32> to vector<1xi32>
          %squeeze3A_613 = vector.extract %slice3A_612[0] : i32 from vector<1xi32>
          %while3A_614 = arith.constant 0 : i32
          %while3A_615 = arith.subi %squeeze3A_613, %while3A_614 : i32
          %while3A_616 = arith.addi %while3A_614, %while3A_615 : i32
          %while3A_617 = arith.constant 1 : i32
          %while3A_618 = arith.divsi %while3A_615, %while3A_617 : i32
          %while3A_619 = arith.muli %while3A_618, %while3A_617 : i32
          %while3A_620 = arith.addi %while3A_614, %while3A_619 : i32
          %while3A_621 = arith.constant 1 : i32
          %while3A_622 = scf.for %while3A_625 = %while3A_614 to %while3A_620 step %while3A_621 iter_args(%while3A_626 = %select_n3A_583) -> (vector<16xi32>)  : i32 {
            %gt3A_627 = arith.constant 0 : i32
            %gt3A_628 = vector.broadcast %gt3A_627 : i32 to vector<16xi32>
            %gt3A_629 = arith.cmpi sgt, %while3A_626, %gt3A_628 : vector<16xi32>
            %jit3A_630 = arith.constant 15 : i32
            %broadcast_in_dim3A_631 = vector.broadcast %jit3A_630 : i32 to vector<16xi32>
            %select_n3A_632 = arith.select %gt3A_629, %iota3A, %broadcast_in_dim3A_631 : vector<16xi1>, vector<16xi32>
            %xor3A_633 = arith.constant 1 : i32
            %xor3A_634 = vector.broadcast %xor3A_633 : i32 to vector<16xi32>
            %xor3A_635 = arith.xori %iota3A, %xor3A_634 : vector<16xi32>
            %broadcast_in_dim3A_636 = vector.shape_cast %xor3A_635 : vector<16xi32> to vector<16x1xi32>
            %gather3A_637 = vector.shape_cast %broadcast_in_dim3A_636 : vector<16x1xi32> to vector<16xi32>
            %gather3A_638 = tpu.dynamic_gather %select_n3A_632[%gather3A_637] in [0] : vector<16xi32>, vector<16xi32> -> vector<16xi32>
            %min3A_639 = arith.minsi %select_n3A_632, %gather3A_638 : vector<16xi32>
            %xor3A_640 = arith.constant 2 : i32
            %xor3A_641 = vector.broadcast %xor3A_640 : i32 to vector<16xi32>
            %xor3A_642 = arith.xori %iota3A, %xor3A_641 : vector<16xi32>
            %broadcast_in_dim3A_643 = vector.shape_cast %xor3A_642 : vector<16xi32> to vector<16x1xi32>
            %gather3A_644 = vector.shape_cast %broadcast_in_dim3A_643 : vector<16x1xi32> to vector<16xi32>
            %gather3A_645 = tpu.dynamic_gather %min3A_639[%gather3A_644] in [0] : vector<16xi32>, vector<16xi32> -> vector<16xi32>
            %min3A_646 = arith.minsi %min3A_639, %gather3A_645 : vector<16xi32>
            %xor3A_647 = arith.constant 4 : i32
            %xor3A_648 = vector.broadcast %xor3A_647 : i32 to vector<16xi32>
            %xor3A_649 = arith.xori %iota3A, %xor3A_648 : vector<16xi32>
            %broadcast_in_dim3A_650 = vector.shape_cast %xor3A_649 : vector<16xi32> to vector<16x1xi32>
            %gather3A_651 = vector.shape_cast %broadcast_in_dim3A_650 : vector<16x1xi32> to vector<16xi32>
            %gather3A_652 = tpu.dynamic_gather %min3A_646[%gather3A_651] in [0] : vector<16xi32>, vector<16xi32> -> vector<16xi32>
            %min3A_653 = arith.minsi %min3A_646, %gather3A_652 : vector<16xi32>
            %xor3A_654 = arith.constant 8 : i32
            %xor3A_655 = vector.broadcast %xor3A_654 : i32 to vector<16xi32>
            %xor3A_656 = arith.xori %iota3A, %xor3A_655 : vector<16xi32>
            %broadcast_in_dim3A_657 = vector.shape_cast %xor3A_656 : vector<16xi32> to vector<16x1xi32>
            %gather3A_658 = vector.shape_cast %broadcast_in_dim3A_657 : vector<16x1xi32> to vector<16xi32>
            %gather3A_659 = tpu.dynamic_gather %min3A_653[%gather3A_658] in [0] : vector<16xi32>, vector<16xi32> -> vector<16xi32>
            %min3A_660 = arith.minsi %min3A_653, %gather3A_659 : vector<16xi32>
            %broadcast_in_dim3A_661 = vector.shape_cast %min3A_660 : vector<16xi32> to vector<16x1xi32>
            %gather3A_662 = vector.shape_cast %broadcast_in_dim3A_661 : vector<16x1xi32> to vector<16xi32>
            %gather3A_663 = tpu.dynamic_gather %get3A_114[%gather3A_662] in [0] : vector<16xf32>, vector<16xi32> -> vector<16xf32>
            %add3A_664 = arith.constant 144 : i32
            %add3A_665 = arith.addi %mul3A_65, %add3A_664 : i32
            %add3A_666 = vector.broadcast %add3A_665 : i32 to vector<16xi32>
            %add3A_667 = arith.addi %add3A_666, %min3A_660 : vector<16xi32>
            %get3A_668 = arith.constant 0 : i32
            %get3A_669 = arith.index_cast %get3A_668 : i32 to index
            %get3A_670 = memref.load %arg8[%get3A_669] : memref<1xi32, #tpu.memory_space<smem>>
            %min3A_671 = arith.constant 1008 : i32
            %min3A_672 = arith.minsi %get3A_670, %min3A_671 : i32
            %swap3A_673 = arith.index_cast %min3A_672 : i32 to index
            %swap3A_674 = tpu.vector_load %arg6[%swap3A_673] {strides = array<i32>} : memref<1024xf32, #tpu.memory_space<vmem>>, vector<16xf32>,
            %swap3A_675 = vector.shape_cast %swap3A_674 : vector<16xf32> to vector<16xf32>
            %swap3A_676 = vector.shape_cast %gather3A_663 : vector<16xf32> to vector<16xf32>
            tpu.vector_store %arg6[%swap3A_673], %swap3A_676 {strides = array<i32>} : memref<1024xf32, #tpu.memory_space<vmem>>, vector<16xf32>,
            %swap3A_677 = arith.index_cast %min3A_672 : i32 to index
            %swap3A_678 = tpu.vector_load %arg7[%swap3A_677] {strides = array<i32>} : memref<1024xi32, #tpu.memory_space<vmem>>, vector<16xi32>,
            %swap3A_679 = vector.shape_cast %swap3A_678 : vector<16xi32> to vector<16xi32>
            %swap3A_680 = vector.shape_cast %add3A_667 : vector<16xi32> to vector<16xi32>
            tpu.vector_store %arg7[%swap3A_677], %swap3A_680 {strides = array<i32>} : memref<1024xi32, #tpu.memory_space<vmem>>, vector<16xi32>,
            %add3A_681 = arith.constant 1 : i32
            %add3A_682 = arith.addi %min3A_672, %add3A_681 : i32
            %swap3A_683 = arith.constant 0 : i32
            %swap3A_684 = arith.index_cast %swap3A_683 : i32 to index
            %swap3A_685 = memref.load %arg8[%swap3A_684] : memref<1xi32, #tpu.memory_space<smem>>
            memref.store %add3A_682, %arg8[%swap3A_684] : memref<1xi32, #tpu.memory_space<smem>>
            %eq3A = arith.cmpi eq, %iota3A, %min3A_660 : vector<16xi32>
            %jit3A_686 = arith.constant 0 : i32
            %broadcast_in_dim3A_687 = vector.broadcast %jit3A_686 : i32 to vector<16xi32>
            %select_n3A_688 = arith.select %eq3A, %broadcast_in_dim3A_687, %while3A_626 : vector<16xi1>, vector<16xi32>
            scf.yield %select_n3A_688 : vector<16xi32>
          }
          %while3A_623 = arith.constant 1 : i32
          %while3A_624 = scf.for %while3A_625 = %while3A_620 to %while3A_616 step %while3A_623 iter_args(%while3A_626 = %while3A_622) -> (vector<16xi32>)  : i32 {
            %gt3A_627 = arith.constant 0 : i32
            %gt3A_628 = vector.broadcast %gt3A_627 : i32 to vector<16xi32>
            %gt3A_629 = arith.cmpi sgt, %while3A_626, %gt3A_628 : vector<16xi32>
            %jit3A_630 = arith.constant 15 : i32
            %broadcast_in_dim3A_631 = vector.broadcast %jit3A_630 : i32 to vector<16xi32>
            %select_n3A_632 = arith.select %gt3A_629, %iota3A, %broadcast_in_dim3A_631 : vector<16xi1>, vector<16xi32>
            %xor3A_633 = arith.constant 1 : i32
            %xor3A_634 = vector.broadcast %xor3A_633 : i32 to vector<16xi32>
            %xor3A_635 = arith.xori %iota3A, %xor3A_634 : vector<16xi32>
            %broadcast_in_dim3A_636 = vector.shape_cast %xor3A_635 : vector<16xi32> to vector<16x1xi32>
            %gather3A_637 = vector.shape_cast %broadcast_in_dim3A_636 : vector<16x1xi32> to vector<16xi32>
            %gather3A_638 = tpu.dynamic_gather %select_n3A_632[%gather3A_637] in [0] : vector<16xi32>, vector<16xi32> -> vector<16xi32>
            %min3A_639 = arith.minsi %select_n3A_632, %gather3A_638 : vector<16xi32>
            %xor3A_640 = arith.constant 2 : i32
            %xor3A_641 = vector.broadcast %xor3A_640 : i32 to vector<16xi32>
            %xor3A_642 = arith.xori %iota3A, %xor3A_641 : vector<16xi32>
            %broadcast_in_dim3A_643 = vector.shape_cast %xor3A_642 : vector<16xi32> to vector<16x1xi32>
            %gather3A_644 = vector.shape_cast %broadcast_in_dim3A_643 : vector<16x1xi32> to vector<16xi32>
            %gather3A_645 = tpu.dynamic_gather %min3A_639[%gather3A_644] in [0] : vector<16xi32>, vector<16xi32> -> vector<16xi32>
            %min3A_646 = arith.minsi %min3A_639, %gather3A_645 : vector<16xi32>
            %xor3A_647 = arith.constant 4 : i32
            %xor3A_648 = vector.broadcast %xor3A_647 : i32 to vector<16xi32>
            %xor3A_649 = arith.xori %iota3A, %xor3A_648 : vector<16xi32>
            %broadcast_in_dim3A_650 = vector.shape_cast %xor3A_649 : vector<16xi32> to vector<16x1xi32>
            %gather3A_651 = vector.shape_cast %broadcast_in_dim3A_650 : vector<16x1xi32> to vector<16xi32>
            %gather3A_652 = tpu.dynamic_gather %min3A_646[%gather3A_651] in [0] : vector<16xi32>, vector<16xi32> -> vector<16xi32>
            %min3A_653 = arith.minsi %min3A_646, %gather3A_652 : vector<16xi32>
            %xor3A_654 = arith.constant 8 : i32
            %xor3A_655 = vector.broadcast %xor3A_654 : i32 to vector<16xi32>
            %xor3A_656 = arith.xori %iota3A, %xor3A_655 : vector<16xi32>
            %broadcast_in_dim3A_657 = vector.shape_cast %xor3A_656 : vector<16xi32> to vector<16x1xi32>
            %gather3A_658 = vector.shape_cast %broadcast_in_dim3A_657 : vector<16x1xi32> to vector<16xi32>
            %gather3A_659 = tpu.dynamic_gather %min3A_653[%gather3A_658] in [0] : vector<16xi32>, vector<16xi32> -> vector<16xi32>
            %min3A_660 = arith.minsi %min3A_653, %gather3A_659 : vector<16xi32>
            %broadcast_in_dim3A_661 = vector.shape_cast %min3A_660 : vector<16xi32> to vector<16x1xi32>
            %gather3A_662 = vector.shape_cast %broadcast_in_dim3A_661 : vector<16x1xi32> to vector<16xi32>
            %gather3A_663 = tpu.dynamic_gather %get3A_114[%gather3A_662] in [0] : vector<16xf32>, vector<16xi32> -> vector<16xf32>
            %add3A_664 = arith.constant 144 : i32
            %add3A_665 = arith.addi %mul3A_65, %add3A_664 : i32
            %add3A_666 = vector.broadcast %add3A_665 : i32 to vector<16xi32>
            %add3A_667 = arith.addi %add3A_666, %min3A_660 : vector<16xi32>
            %get3A_668 = arith.constant 0 : i32
            %get3A_669 = arith.index_cast %get3A_668 : i32 to index
            %get3A_670 = memref.load %arg8[%get3A_669] : memref<1xi32, #tpu.memory_space<smem>>
            %min3A_671 = arith.constant 1008 : i32
            %min3A_672 = arith.minsi %get3A_670, %min3A_671 : i32
            %swap3A_673 = arith.index_cast %min3A_672 : i32 to index
            %swap3A_674 = tpu.vector_load %arg6[%swap3A_673] {strides = array<i32>} : memref<1024xf32, #tpu.memory_space<vmem>>, vector<16xf32>,
            %swap3A_675 = vector.shape_cast %swap3A_674 : vector<16xf32> to vector<16xf32>
            %swap3A_676 = vector.shape_cast %gather3A_663 : vector<16xf32> to vector<16xf32>
            tpu.vector_store %arg6[%swap3A_673], %swap3A_676 {strides = array<i32>} : memref<1024xf32, #tpu.memory_space<vmem>>, vector<16xf32>,
            %swap3A_677 = arith.index_cast %min3A_672 : i32 to index
            %swap3A_678 = tpu.vector_load %arg7[%swap3A_677] {strides = array<i32>} : memref<1024xi32, #tpu.memory_space<vmem>>, vector<16xi32>,
            %swap3A_679 = vector.shape_cast %swap3A_678 : vector<16xi32> to vector<16xi32>
            %swap3A_680 = vector.shape_cast %add3A_667 : vector<16xi32> to vector<16xi32>
            tpu.vector_store %arg7[%swap3A_677], %swap3A_680 {strides = array<i32>} : memref<1024xi32, #tpu.memory_space<vmem>>, vector<16xi32>,
            %add3A_681 = arith.constant 1 : i32
            %add3A_682 = arith.addi %min3A_672, %add3A_681 : i32
            %swap3A_683 = arith.constant 0 : i32
            %swap3A_684 = arith.index_cast %swap3A_683 : i32 to index
            %swap3A_685 = memref.load %arg8[%swap3A_684] : memref<1xi32, #tpu.memory_space<smem>>
            memref.store %add3A_682, %arg8[%swap3A_684] : memref<1xi32, #tpu.memory_space<smem>>
            %eq3A = arith.cmpi eq, %iota3A, %min3A_660 : vector<16xi32>
            %jit3A_686 = arith.constant 0 : i32
            %broadcast_in_dim3A_687 = vector.broadcast %jit3A_686 : i32 to vector<16xi32>
            %select_n3A_688 = arith.select %eq3A, %broadcast_in_dim3A_687, %while3A_626 : vector<16xi1>, vector<16xi32>
            scf.yield %select_n3A_688 : vector<16xi32>
          }
        } else {
        }
        %scan3A_155 = arith.constant 0 : i32
        scf.yield %scan3A_155 : i32
      }
      %scan3A_60 = arith.constant 625 : i32
      "tpu.region"() ({
        %run_scoped3A = tpu.sem_alloc : memref<!tpu.dma_semaphore, #tpu.memory_space<semaphore_mem>>
        %dma_start3A = arith.constant 0 : i32
        %dma_start3A_62 = tpu.memref_slice %arg3[%add3A_11, %dma_start3A] : memref<128x1024xf32, #tpu.memory_space<hbm>> -> memref<1x1024xf32, #tpu.memory_space<hbm>>
        %dma_start3A_63 = tpu.memref_squeeze %dma_start3A_62 : memref<1x1024xf32, #tpu.memory_space<hbm>> -> memref<1024xf32, #tpu.memory_space<hbm>>
        %dma_start3A_64 = arith.constant 0 : i32
        %dma_start3A_65 = tpu.memref_slice %arg3[%add3A_11, %dma_start3A_64] : memref<128x1024xf32, #tpu.memory_space<hbm>> -> memref<1x1024xf32, #tpu.memory_space<hbm>>
        %dma_start3A_66 = tpu.memref_squeeze %dma_start3A_65 : memref<1x1024xf32, #tpu.memory_space<hbm>> -> memref<1024xf32, #tpu.memory_space<hbm>>
        tpu.enqueue_dma source(%arg6 : memref<1024xf32, #tpu.memory_space<vmem>>) target(%dma_start3A_66 : memref<1024xf32, #tpu.memory_space<hbm>>) target_semaphore(%run_scoped3A : memref<!tpu.dma_semaphore, #tpu.memory_space<semaphore_mem>>)
        %dma_wait3A = arith.constant 0 : i32
        %dma_wait3A_67 = tpu.memref_slice %arg3[%add3A_11, %dma_wait3A] : memref<128x1024xf32, #tpu.memory_space<hbm>> -> memref<1x1024xf32, #tpu.memory_space<hbm>>
        %dma_wait3A_68 = tpu.memref_squeeze %dma_wait3A_67 : memref<1x1024xf32, #tpu.memory_space<hbm>> -> memref<1024xf32, #tpu.memory_space<hbm>>
        %dma_wait3A_69 = arith.constant 0 : i32
        %dma_wait3A_70 = tpu.memref_slice %arg3[%add3A_11, %dma_wait3A_69] : memref<128x1024xf32, #tpu.memory_space<hbm>> -> memref<1x1024xf32, #tpu.memory_space<hbm>>
        %dma_wait3A_71 = tpu.memref_squeeze %dma_wait3A_70 : memref<1x1024xf32, #tpu.memory_space<hbm>> -> memref<1024xf32, #tpu.memory_space<hbm>>
        tpu.wait_dma2 semaphore(%run_scoped3A : memref<!tpu.dma_semaphore, #tpu.memory_space<semaphore_mem>>) src(%arg6 : memref<1024xf32, #tpu.memory_space<vmem>>) dst(%dma_wait3A_71 : memref<1024xf32, #tpu.memory_space<hbm>>)
        tpu.yield
      }) : () -> ()
      "tpu.region"() ({
        %run_scoped3A = tpu.sem_alloc : memref<!tpu.dma_semaphore, #tpu.memory_space<semaphore_mem>>
        %dma_start3A = arith.constant 0 : i32
        %dma_start3A_62 = tpu.memref_slice %arg4[%add3A_11, %dma_start3A] : memref<128x1024xi32, #tpu.memory_space<hbm>> -> memref<1x1024xi32, #tpu.memory_space<hbm>>
        %dma_start3A_63 = tpu.memref_squeeze %dma_start3A_62 : memref<1x1024xi32, #tpu.memory_space<hbm>> -> memref<1024xi32, #tpu.memory_space<hbm>>
        %dma_start3A_64 = arith.constant 0 : i32
        %dma_start3A_65 = tpu.memref_slice %arg4[%add3A_11, %dma_start3A_64] : memref<128x1024xi32, #tpu.memory_space<hbm>> -> memref<1x1024xi32, #tpu.memory_space<hbm>>
        %dma_start3A_66 = tpu.memref_squeeze %dma_start3A_65 : memref<1x1024xi32, #tpu.memory_space<hbm>> -> memref<1024xi32, #tpu.memory_space<hbm>>
        tpu.enqueue_dma source(%arg7 : memref<1024xi32, #tpu.memory_space<vmem>>) target(%dma_start3A_66 : memref<1024xi32, #tpu.memory_space<hbm>>) target_semaphore(%run_scoped3A : memref<!tpu.dma_semaphore, #tpu.memory_space<semaphore_mem>>)
        %dma_wait3A = arith.constant 0 : i32
        %dma_wait3A_67 = tpu.memref_slice %arg4[%add3A_11, %dma_wait3A] : memref<128x1024xi32, #tpu.memory_space<hbm>> -> memref<1x1024xi32, #tpu.memory_space<hbm>>
        %dma_wait3A_68 = tpu.memref_squeeze %dma_wait3A_67 : memref<1x1024xi32, #tpu.memory_space<hbm>> -> memref<1024xi32, #tpu.memory_space<hbm>>
        %dma_wait3A_69 = arith.constant 0 : i32
        %dma_wait3A_70 = tpu.memref_slice %arg4[%add3A_11, %dma_wait3A_69] : memref<128x1024xi32, #tpu.memory_space<hbm>> -> memref<1x1024xi32, #tpu.memory_space<hbm>>
        %dma_wait3A_71 = tpu.memref_squeeze %dma_wait3A_70 : memref<1x1024xi32, #tpu.memory_space<hbm>> -> memref<1024xi32, #tpu.memory_space<hbm>>
        tpu.wait_dma2 semaphore(%run_scoped3A : memref<!tpu.dma_semaphore, #tpu.memory_space<semaphore_mem>>) src(%arg7 : memref<1024xi32, #tpu.memory_space<vmem>>) dst(%dma_wait3A_71 : memref<1024xi32, #tpu.memory_space<hbm>>)
        tpu.yield
      }) : () -> ()
      %scan3A_61 = arith.constant 0 : i32
      scf.yield %scan3A_61 : i32
    }
    %scan3A_6 = arith.constant 4 : i32
    return
  }
}

module attributes {stable_mosaic.version = 14 : i64} {
  func.func @_tc_stats_kernel(%arg0: i32, %arg1: memref<8x100000xf32, #tpu.memory_space<vmem>>, %arg2: memref<8x1xf32, #tpu.memory_space<vmem>>, %arg3: memref<8x1xf32, #tpu.memory_space<vmem>>, %arg4: memref<8x1xf32, #tpu.memory_space<vmem>>) attributes {dimension_semantics = [#tpu.dimension_semantics<arbitrary>], iteration_bounds = array<i64: 16>, scalar_prefetch = 0 : i64, scratch_operands = 0 : i64, tpu.core_type = #tpu.core_type<tc>, window_params = [{transform_indices = @transform_0, window_bounds = array<i64: 8, 100000>}, {transform_indices = @transform_1, window_bounds = array<i64: 8, 1>}, {transform_indices = @transform_2, window_bounds = array<i64: 8, 1>}, {transform_indices = @transform_3, window_bounds = array<i64: 8, 1>}]} {
    %get3A = arith.constant 0 : index
    %get3A_0 = arith.constant 0 : index
    %get3A_1 = vector.load %arg1[%get3A, %get3A_0] : memref<8x100000xf32, #tpu.memory_space<vmem>>, vector<8x100000xf32>
    %get3A_2 = arith.constant 0 : index
    %get3A_3 = arith.constant 0 : index
    %get3A_4 = vector.load %arg2[%get3A_2, %get3A_3] : memref<8x1xf32, #tpu.memory_space<vmem>>, vector<8x1xf32>
    %div3A = arith.constant 1.000000e+00 : f32
    %div3A_5 = vector.broadcast %div3A : f32 to vector<8x1xf32>
    %div3A_6 = arith.divf %div3A_5, %get3A_4 : vector<8x1xf32>
    %mul3A = vector.broadcast %div3A_6 : vector<8x1xf32> to vector<8x100000xf32>
    %mul3A_7 = arith.mulf %get3A_1, %mul3A : vector<8x100000xf32>
    %reduce_max3A = arith.constant dense<0xFF800000> : vector<8xf32>
    %reduce_max3A_8 = vector.multi_reduction <maximumf>, %mul3A_7, %reduce_max3A [1] : vector<8x100000xf32> to vector<8xf32>
    %broadcast_in_dim3A = vector.shape_cast %reduce_max3A_8 : vector<8xf32> to vector<8x1xf32>
    %swap3A = arith.constant 0 : index
    %swap3A_9 = arith.constant 0 : index
    %swap3A_10 = vector.load %arg3[%swap3A, %swap3A_9] : memref<8x1xf32, #tpu.memory_space<vmem>>, vector<8x1xf32>
    tpu.vector_store %arg3[%swap3A, %swap3A_9], %broadcast_in_dim3A {strides = array<i32>} : memref<8x1xf32, #tpu.memory_space<vmem>>, vector<8x1xf32>,
    %sub3A = vector.broadcast %broadcast_in_dim3A : vector<8x1xf32> to vector<8x100000xf32>
    %sub3A_11 = arith.subf %mul3A_7, %sub3A : vector<8x100000xf32>
    %exp3A = math.exp %sub3A_11 : vector<8x100000xf32>
    %reduce_sum3A = arith.constant dense<0.000000e+00> : vector<8xf32>
    %reduce_sum3A_12 = vector.multi_reduction <add>, %exp3A, %reduce_sum3A [1] : vector<8x100000xf32> to vector<8xf32>
    %broadcast_in_dim3A_13 = vector.shape_cast %reduce_sum3A_12 : vector<8xf32> to vector<8x1xf32>
    %swap3A_14 = arith.constant 0 : index
    %swap3A_15 = arith.constant 0 : index
    %swap3A_16 = vector.load %arg4[%swap3A_14, %swap3A_15] : memref<8x1xf32, #tpu.memory_space<vmem>>, vector<8x1xf32>
    tpu.vector_store %arg4[%swap3A_14, %swap3A_15], %broadcast_in_dim3A_13 {strides = array<i32>} : memref<8x1xf32, #tpu.memory_space<vmem>>, vector<8x1xf32>,
    return
  }
  func.func @transform_0(%arg0: i32) -> (i32, i32) {
    %c0_i32 = arith.constant 0 : i32
    %c0_i32_0 = arith.constant 0 : i32
    return %arg0, %c0_i32 : i32, i32
  }
  func.func @transform_1(%arg0: i32) -> (i32, i32) {
    %c0_i32 = arith.constant 0 : i32
    %c0_i32_0 = arith.constant 0 : i32
    return %arg0, %c0_i32 : i32, i32
  }
  func.func @transform_2(%arg0: i32) -> (i32, i32) {
    %c0_i32 = arith.constant 0 : i32
    %c0_i32_0 = arith.constant 0 : i32
    return %arg0, %c0_i32 : i32, i32
  }
  func.func @transform_3(%arg0: i32) -> (i32, i32) {
    %c0_i32 = arith.constant 0 : i32
    %c0_i32_0 = arith.constant 0 : i32
    return %arg0, %c0_i32 : i32, i32
  }
}

module attributes {stable_mosaic.version = 14 : i64} {
  func.func @_tc_sample_kernel(%arg0: i32, %arg1: memref<8x1024xf32, #tpu.memory_space<vmem>>, %arg2: memref<8x1024xi32, #tpu.memory_space<vmem>>, %arg3: memref<8x1xf32, #tpu.memory_space<vmem>>, %arg4: memref<8x1xf32, #tpu.memory_space<vmem>>, %arg5: memref<8x1xf32, #tpu.memory_space<vmem>>, %arg6: memref<8x1xi32, #tpu.memory_space<vmem>>, %arg7: memref<8x1xf32, #tpu.memory_space<vmem>>, %arg8: memref<8x1xf32, #tpu.memory_space<vmem>>, %arg9: memref<8x1xi32, #tpu.memory_space<vmem>>, %arg10: memref<8x1xf32, #tpu.memory_space<vmem>>) attributes {dimension_semantics = [#tpu.dimension_semantics<arbitrary>], iteration_bounds = array<i64: 16>, scalar_prefetch = 0 : i64, scratch_operands = 0 : i64, tpu.core_type = #tpu.core_type<tc>, window_params = [{transform_indices = @transform_0, window_bounds = array<i64: 8, 1024>}, {transform_indices = @transform_1, window_bounds = array<i64: 8, 1024>}, {transform_indices = @transform_2, window_bounds = array<i64: 8, 1>}, {transform_indices = @transform_3, window_bounds = array<i64: 8, 1>}, {transform_indices = @transform_4, window_bounds = array<i64: 8, 1>}, {transform_indices = @transform_5, window_bounds = array<i64: 8, 1>}, {transform_indices = @transform_6, window_bounds = array<i64: 8, 1>}, {transform_indices = @transform_7, window_bounds = array<i64: 8, 1>}, {transform_indices = @transform_8, window_bounds = array<i64: 8, 1>}, {transform_indices = @transform_9, window_bounds = array<i64: 8, 1>}]} {
    %get3A = arith.constant 0 : index
    %get3A_0 = arith.constant 0 : index
    %get3A_1 = vector.load %arg5[%get3A, %get3A_0] : memref<8x1xf32, #tpu.memory_space<vmem>>, vector<8x1xf32>
    %div3A = arith.constant 1.000000e+00 : f32
    %div3A_2 = vector.broadcast %div3A : f32 to vector<8x1xf32>
    %div3A_3 = arith.divf %div3A_2, %get3A_1 : vector<8x1xf32>
    %get3A_4 = arith.constant 0 : index
    %get3A_5 = arith.constant 0 : index
    %get3A_6 = vector.load %arg1[%get3A_4, %get3A_5] : memref<8x1024xf32, #tpu.memory_space<vmem>>, vector<8x1024xf32>
    %mul3A = vector.broadcast %div3A_3 : vector<8x1xf32> to vector<8x1024xf32>
    %mul3A_7 = arith.mulf %get3A_6, %mul3A : vector<8x1024xf32>
    %get3A_8 = arith.constant 0 : index
    %get3A_9 = arith.constant 0 : index
    %get3A_10 = vector.load %arg2[%get3A_8, %get3A_9] : memref<8x1024xi32, #tpu.memory_space<vmem>>, vector<8x1024xi32>
    %get3A_11 = arith.constant 0 : index
    %get3A_12 = arith.constant 0 : index
    %get3A_13 = vector.load %arg3[%get3A_11, %get3A_12] : memref<8x1xf32, #tpu.memory_space<vmem>>, vector<8x1xf32>
    %get3A_14 = arith.constant 0 : index
    %get3A_15 = arith.constant 0 : index
    %get3A_16 = vector.load %arg4[%get3A_14, %get3A_15] : memref<8x1xf32, #tpu.memory_space<vmem>>, vector<8x1xf32>
    %sub3A = vector.broadcast %get3A_13 : vector<8x1xf32> to vector<8x1024xf32>
    %sub3A_17 = arith.subf %mul3A_7, %sub3A : vector<8x1024xf32>
    %exp3A = math.exp %sub3A_17 : vector<8x1024xf32>
    %div3A_18 = vector.broadcast %get3A_16 : vector<8x1xf32> to vector<8x1024xf32>
    %div3A_19 = arith.divf %exp3A, %div3A_18 : vector<8x1024xf32>
    %broadcast_in_dim3A = arith.constant 0.000000e+00 : f32
    %broadcast_in_dim3A_20 = vector.broadcast %broadcast_in_dim3A : f32 to vector<8x64xf32>
    %broadcast_in_dim3A_21 = arith.constant 0 : i32
    %broadcast_in_dim3A_22 = vector.broadcast %broadcast_in_dim3A_21 : i32 to vector<8x64xi32>
    %scan3A = arith.constant 0 : i32
    %scan3A_23 = arith.constant 64 : i32
    %scan3A_24 = arith.addi %scan3A, %scan3A_23 : i32
    %scan3A_25 = arith.constant 1 : i32
    %scan3A_26:3 = scf.for %scan3A_378 = %scan3A to %scan3A_24 step %scan3A_25 iter_args(%scan3A_379 = %broadcast_in_dim3A_20, %scan3A_380 = %broadcast_in_dim3A_22, %scan3A_381 = %div3A_19) -> (vector<8x64xf32>, vector<8x64xi32>, vector<8x1024xf32>)  : i32 {
      %reduce_max3A_382 = arith.constant dense<0xFF800000> : vector<8xf32>
      %reduce_max3A_383 = vector.multi_reduction <maximumf>, %scan3A_381, %reduce_max3A_382 [1] : vector<8x1024xf32> to vector<8xf32>
      %broadcast_in_dim3A_384 = vector.shape_cast %reduce_max3A_383 : vector<8xf32> to vector<8x1xf32>
      %eq3A_385 = vector.broadcast %broadcast_in_dim3A_384 : vector<8x1xf32> to vector<8x1024xf32>
      %eq3A_386 = arith.cmpf oeq, %scan3A_381, %eq3A_385 : vector<8x1024xf32>
      %jit3A_387 = arith.constant -1 : i32
      %broadcast_in_dim3A_388 = vector.broadcast %jit3A_387 : i32 to vector<8x1024xi32>
      %select_n3A_389 = arith.select %eq3A_386, %get3A_10, %broadcast_in_dim3A_388 : vector<8x1024xi1>, vector<8x1024xi32>
      %reduce_max3A_390 = arith.constant dense<-2147483648> : vector<8xi32>
      %reduce_max3A_391 = vector.multi_reduction <maxsi>, %select_n3A_389, %reduce_max3A_390 [1] : vector<8x1024xi32> to vector<8xi32>
      %broadcast_in_dim3A_392 = vector.shape_cast %reduce_max3A_391 : vector<8xi32> to vector<8x1xi32>
      %eq3A_393 = vector.broadcast %broadcast_in_dim3A_384 : vector<8x1xf32> to vector<8x1024xf32>
      %eq3A_394 = arith.cmpf oeq, %scan3A_381, %eq3A_393 : vector<8x1024xf32>
      %eq3A_395 = vector.broadcast %broadcast_in_dim3A_392 : vector<8x1xi32> to vector<8x1024xi32>
      %eq3A_396 = arith.cmpi eq, %get3A_10, %eq3A_395 : vector<8x1024xi32>
      %and3A = arith.andi %eq3A_394, %eq3A_396 : vector<8x1024xi1>
      %jit3A_397 = arith.constant -1.000000e+00 : f32
      %broadcast_in_dim3A_398 = vector.broadcast %jit3A_397 : f32 to vector<8x1024xf32>
      %select_n3A_399 = arith.select %and3A, %broadcast_in_dim3A_398, %scan3A_381 : vector<8x1024xi1>, vector<8x1024xf32>
      %iota3A_400 = tpu.iota {dimensions = array<i32: 1>} : vector<8x64xi32>
      %eq3A_401 = vector.broadcast %scan3A_378 : i32 to vector<8x64xi32>
      %eq3A_402 = arith.cmpi eq, %iota3A_400, %eq3A_401 : vector<8x64xi32>
      %broadcast_in_dim3A_403 = vector.shape_cast %broadcast_in_dim3A_384 : vector<8x1xf32> to vector<8x1xf32>
      %broadcast_in_dim3A_404 = vector.broadcast %broadcast_in_dim3A_403 : vector<8x1xf32> to vector<8x64xf32>
      %select_n3A_405 = arith.select %eq3A_402, %broadcast_in_dim3A_404, %scan3A_379 : vector<8x64xi1>, vector<8x64xf32>
      %eq3A_406 = vector.broadcast %scan3A_378 : i32 to vector<8x64xi32>
      %eq3A_407 = arith.cmpi eq, %iota3A_400, %eq3A_406 : vector<8x64xi32>
      %broadcast_in_dim3A_408 = vector.shape_cast %broadcast_in_dim3A_392 : vector<8x1xi32> to vector<8x1xi32>
      %broadcast_in_dim3A_409 = vector.broadcast %broadcast_in_dim3A_408 : vector<8x1xi32> to vector<8x64xi32>
      %select_n3A_410 = arith.select %eq3A_407, %broadcast_in_dim3A_409, %scan3A_380 : vector<8x64xi1>, vector<8x64xi32>
      scf.yield %select_n3A_405, %select_n3A_410, %select_n3A_399 : vector<8x64xf32>, vector<8x64xi32>, vector<8x1024xf32>
    }
    %scan3A_27 = arith.constant 64 : i32
    %broadcast_in_dim3A_28 = arith.constant 0.000000e+00 : f32
    %broadcast_in_dim3A_29 = vector.broadcast %broadcast_in_dim3A_28 : f32 to vector<8x1xf32>
    %slice3A = vector.extract_strided_slice %scan3A_26#0 {offsets = [0, 0], sizes = [8, 63], strides = [1, 1]} : vector<8x64xf32> to vector<8x63xf32>
    %concatenate3A = tpu.concatenate %broadcast_in_dim3A_29, %slice3A in 1 : vector<8x1xf32>, vector<8x63xf32> -> vector<8x64xf32>
    %add3A = arith.addf %scan3A_26#0, %concatenate3A : vector<8x64xf32>
    %broadcast_in_dim3A_30 = arith.constant 0.000000e+00 : f32
    %broadcast_in_dim3A_31 = vector.broadcast %broadcast_in_dim3A_30 : f32 to vector<8x2xf32>
    %slice3A_32 = vector.extract_strided_slice %add3A {offsets = [0, 0], sizes = [8, 62], strides = [1, 1]} : vector<8x64xf32> to vector<8x62xf32>
    %concatenate3A_33 = tpu.concatenate %broadcast_in_dim3A_31, %slice3A_32 in 1 : vector<8x2xf32>, vector<8x62xf32> -> vector<8x64xf32>
    %add3A_34 = arith.addf %add3A, %concatenate3A_33 : vector<8x64xf32>
    %broadcast_in_dim3A_35 = arith.constant 0.000000e+00 : f32
    %broadcast_in_dim3A_36 = vector.broadcast %broadcast_in_dim3A_35 : f32 to vector<8x4xf32>
    %slice3A_37 = vector.extract_strided_slice %add3A_34 {offsets = [0, 0], sizes = [8, 60], strides = [1, 1]} : vector<8x64xf32> to vector<8x60xf32>
    %concatenate3A_38 = tpu.concatenate %broadcast_in_dim3A_36, %slice3A_37 in 1 : vector<8x4xf32>, vector<8x60xf32> -> vector<8x64xf32>
    %add3A_39 = arith.addf %add3A_34, %concatenate3A_38 : vector<8x64xf32>
    %broadcast_in_dim3A_40 = arith.constant 0.000000e+00 : f32
    %broadcast_in_dim3A_41 = vector.broadcast %broadcast_in_dim3A_40 : f32 to vector<8x8xf32>
    %slice3A_42 = vector.extract_strided_slice %add3A_39 {offsets = [0, 0], sizes = [8, 56], strides = [1, 1]} : vector<8x64xf32> to vector<8x56xf32>
    %concatenate3A_43 = tpu.concatenate %broadcast_in_dim3A_41, %slice3A_42 in 1 : vector<8x8xf32>, vector<8x56xf32> -> vector<8x64xf32>
    %add3A_44 = arith.addf %add3A_39, %concatenate3A_43 : vector<8x64xf32>
    %broadcast_in_dim3A_45 = arith.constant 0.000000e+00 : f32
    %broadcast_in_dim3A_46 = vector.broadcast %broadcast_in_dim3A_45 : f32 to vector<8x16xf32>
    %slice3A_47 = vector.extract_strided_slice %add3A_44 {offsets = [0, 0], sizes = [8, 48], strides = [1, 1]} : vector<8x64xf32> to vector<8x48xf32>
    %concatenate3A_48 = tpu.concatenate %broadcast_in_dim3A_46, %slice3A_47 in 1 : vector<8x16xf32>, vector<8x48xf32> -> vector<8x64xf32>
    %add3A_49 = arith.addf %add3A_44, %concatenate3A_48 : vector<8x64xf32>
    %broadcast_in_dim3A_50 = arith.constant 0.000000e+00 : f32
    %broadcast_in_dim3A_51 = vector.broadcast %broadcast_in_dim3A_50 : f32 to vector<8x32xf32>
    %slice3A_52 = vector.extract_strided_slice %add3A_49 {offsets = [0, 0], sizes = [8, 32], strides = [1, 1]} : vector<8x64xf32> to vector<8x32xf32>
    %concatenate3A_53 = tpu.concatenate %broadcast_in_dim3A_51, %slice3A_52 in 1 : vector<8x32xf32>, vector<8x32xf32> -> vector<8x64xf32>
    %add3A_54 = arith.addf %add3A_49, %concatenate3A_53 : vector<8x64xf32>
    %iota3A = tpu.iota {dimensions = array<i32: 1>} : vector<8x64xi32>
    %get3A_55 = arith.constant 0 : index
    %get3A_56 = arith.constant 0 : index
    %get3A_57 = vector.load %arg6[%get3A_55, %get3A_56] : memref<8x1xi32, #tpu.memory_space<vmem>>, vector<8x1xi32>
    %ge3A = vector.broadcast %get3A_57 : vector<8x1xi32> to vector<8x64xi32>
    %ge3A_58 = arith.cmpi sge, %iota3A, %ge3A : vector<8x64xi32>
    %jit3A = arith.constant 0.000000e+00 : f32
    %broadcast_in_dim3A_59 = vector.broadcast %jit3A : f32 to vector<8x64xf32>
    %select_n3A = arith.select %ge3A_58, %broadcast_in_dim3A_59, %scan3A_26#0 : vector<8x64xi1>, vector<8x64xf32>
    %sub3A_60 = arith.subf %add3A_54, %select_n3A : vector<8x64xf32>
    %get3A_61 = arith.constant 0 : index
    %get3A_62 = arith.constant 0 : index
    %get3A_63 = vector.load %arg7[%get3A_61, %get3A_62] : memref<8x1xf32, #tpu.memory_space<vmem>>, vector<8x1xf32>
    %gt3A = vector.broadcast %get3A_63 : vector<8x1xf32> to vector<8x64xf32>
    %gt3A_64 = arith.cmpf ogt, %sub3A_60, %gt3A : vector<8x64xf32>
    %jit3A_65 = arith.constant 0.000000e+00 : f32
    %broadcast_in_dim3A_66 = vector.broadcast %jit3A_65 : f32 to vector<8x64xf32>
    %select_n3A_67 = arith.select %gt3A_64, %broadcast_in_dim3A_66, %select_n3A : vector<8x64xi1>, vector<8x64xf32>
    %slice3A_68 = vector.extract_strided_slice %select_n3A_67 {offsets = [0, 0], sizes = [8, 1], strides = [1, 1]} : vector<8x64xf32> to vector<8x1xf32>
    %get3A_69 = arith.constant 0 : index
    %get3A_70 = arith.constant 0 : index
    %get3A_71 = vector.load %arg8[%get3A_69, %get3A_70] : memref<8x1xf32, #tpu.memory_space<vmem>>, vector<8x1xf32>
    %mul3A_72 = arith.mulf %slice3A_68, %get3A_71 : vector<8x1xf32>
    %lt3A = vector.broadcast %mul3A_72 : vector<8x1xf32> to vector<8x64xf32>
    %lt3A_73 = arith.cmpf olt, %select_n3A_67, %lt3A : vector<8x64xf32>
    %jit3A_74 = arith.constant 0.000000e+00 : f32
    %broadcast_in_dim3A_75 = vector.broadcast %jit3A_74 : f32 to vector<8x64xf32>
    %select_n3A_76 = arith.select %lt3A_73, %broadcast_in_dim3A_75, %select_n3A_67 : vector<8x64xi1>, vector<8x64xf32>
    %mul3A_77 = arith.constant 8 : i32
    %mul3A_78 = arith.muli %arg0, %mul3A_77 : i32
    %iota3A_79 = tpu.iota {dimensions = array<i32: 1>} : vector<8x64xi32>
    %iota3A_80 = tpu.iota {dimensions = array<i32: 0>} : vector<8x64xi32>
    %add3A_81 = vector.broadcast %mul3A_78 : i32 to vector<8x64xi32>
    %add3A_82 = arith.addi %add3A_81, %iota3A_80 : vector<8x64xi32>
    %mul3A_83 = arith.constant 100000 : i32
    %mul3A_84 = vector.broadcast %mul3A_83 : i32 to vector<8x64xi32>
    %mul3A_85 = arith.muli %add3A_82, %mul3A_84 : vector<8x64xi32>
    %add3A_86 = arith.addi %mul3A_85, %iota3A_79 : vector<8x64xi32>
    %xor3A = arith.constant 0 : i32
    %xor3A_87 = arith.constant 1 : i32
    %xor3A_88 = arith.xori %xor3A, %xor3A_87 : i32
    %xor3A_89 = arith.constant 466688986 : i32
    %xor3A_90 = arith.xori %xor3A_88, %xor3A_89 : i32
    %broadcast_in_dim3A_91 = arith.constant 0 : i32
    %broadcast_in_dim3A_92 = vector.broadcast %broadcast_in_dim3A_91 : i32 to vector<8x64xi32>
    %add3A_93 = arith.constant 0 : i32
    %add3A_94 = vector.broadcast %add3A_93 : i32 to vector<8x64xi32>
    %add3A_95 = arith.addi %broadcast_in_dim3A_92, %add3A_94 : vector<8x64xi32>
    %add3A_96 = arith.constant 1 : i32
    %add3A_97 = vector.broadcast %add3A_96 : i32 to vector<8x64xi32>
    %add3A_98 = arith.addi %add3A_86, %add3A_97 : vector<8x64xi32>
    %add3A_99 = arith.addi %add3A_95, %add3A_98 : vector<8x64xi32>
    %shift_left3A = arith.constant 13 : i32
    %shift_left3A_100 = vector.broadcast %shift_left3A : i32 to vector<8x64xi32>
    %shift_left3A_101 = arith.shli %add3A_98, %shift_left3A_100 : vector<8x64xi32>
    %shift_right_logical3A = arith.constant 19 : i32
    %shift_right_logical3A_102 = vector.broadcast %shift_right_logical3A : i32 to vector<8x64xi32>
    %shift_right_logical3A_103 = arith.shrui %add3A_98, %shift_right_logical3A_102 : vector<8x64xi32>
    %or3A = arith.ori %shift_left3A_101, %shift_right_logical3A_103 : vector<8x64xi32>
    %xor3A_104 = arith.xori %add3A_99, %or3A : vector<8x64xi32>
    %add3A_105 = arith.addi %add3A_99, %xor3A_104 : vector<8x64xi32>
    %shift_left3A_106 = arith.constant 15 : i32
    %shift_left3A_107 = vector.broadcast %shift_left3A_106 : i32 to vector<8x64xi32>
    %shift_left3A_108 = arith.shli %xor3A_104, %shift_left3A_107 : vector<8x64xi32>
    %shift_right_logical3A_109 = arith.constant 17 : i32
    %shift_right_logical3A_110 = vector.broadcast %shift_right_logical3A_109 : i32 to vector<8x64xi32>
    %shift_right_logical3A_111 = arith.shrui %xor3A_104, %shift_right_logical3A_110 : vector<8x64xi32>
    %or3A_112 = arith.ori %shift_left3A_108, %shift_right_logical3A_111 : vector<8x64xi32>
    %xor3A_113 = arith.xori %add3A_105, %or3A_112 : vector<8x64xi32>
    %add3A_114 = arith.addi %add3A_105, %xor3A_113 : vector<8x64xi32>
    %shift_left3A_115 = arith.constant 26 : i32
    %shift_left3A_116 = vector.broadcast %shift_left3A_115 : i32 to vector<8x64xi32>
    %shift_left3A_117 = arith.shli %xor3A_113, %shift_left3A_116 : vector<8x64xi32>
    %shift_right_logical3A_118 = arith.constant 6 : i32
    %shift_right_logical3A_119 = vector.broadcast %shift_right_logical3A_118 : i32 to vector<8x64xi32>
    %shift_right_logical3A_120 = arith.shrui %xor3A_113, %shift_right_logical3A_119 : vector<8x64xi32>
    %or3A_121 = arith.ori %shift_left3A_117, %shift_right_logical3A_120 : vector<8x64xi32>
    %xor3A_122 = arith.xori %add3A_114, %or3A_121 : vector<8x64xi32>
    %add3A_123 = arith.addi %add3A_114, %xor3A_122 : vector<8x64xi32>
    %shift_left3A_124 = arith.constant 6 : i32
    %shift_left3A_125 = vector.broadcast %shift_left3A_124 : i32 to vector<8x64xi32>
    %shift_left3A_126 = arith.shli %xor3A_122, %shift_left3A_125 : vector<8x64xi32>
    %shift_right_logical3A_127 = arith.constant 26 : i32
    %shift_right_logical3A_128 = vector.broadcast %shift_right_logical3A_127 : i32 to vector<8x64xi32>
    %shift_right_logical3A_129 = arith.shrui %xor3A_122, %shift_right_logical3A_128 : vector<8x64xi32>
    %or3A_130 = arith.ori %shift_left3A_126, %shift_right_logical3A_129 : vector<8x64xi32>
    %xor3A_131 = arith.xori %add3A_123, %or3A_130 : vector<8x64xi32>
    %add3A_132 = arith.constant 1 : i32
    %add3A_133 = vector.broadcast %add3A_132 : i32 to vector<8x64xi32>
    %add3A_134 = arith.addi %add3A_123, %add3A_133 : vector<8x64xi32>
    %add3A_135 = vector.broadcast %xor3A_90 : i32 to vector<8x64xi32>
    %add3A_136 = arith.addi %xor3A_131, %add3A_135 : vector<8x64xi32>
    %add3A_137 = arith.constant 1 : i32
    %add3A_138 = vector.broadcast %add3A_137 : i32 to vector<8x64xi32>
    %add3A_139 = arith.addi %add3A_136, %add3A_138 : vector<8x64xi32>
    %add3A_140 = arith.addi %add3A_134, %add3A_139 : vector<8x64xi32>
    %shift_left3A_141 = arith.constant 17 : i32
    %shift_left3A_142 = vector.broadcast %shift_left3A_141 : i32 to vector<8x64xi32>
    %shift_left3A_143 = arith.shli %add3A_139, %shift_left3A_142 : vector<8x64xi32>
    %shift_right_logical3A_144 = arith.constant 15 : i32
    %shift_right_logical3A_145 = vector.broadcast %shift_right_logical3A_144 : i32 to vector<8x64xi32>
    %shift_right_logical3A_146 = arith.shrui %add3A_139, %shift_right_logical3A_145 : vector<8x64xi32>
    %or3A_147 = arith.ori %shift_left3A_143, %shift_right_logical3A_146 : vector<8x64xi32>
    %xor3A_148 = arith.xori %add3A_140, %or3A_147 : vector<8x64xi32>
    %add3A_149 = arith.addi %add3A_140, %xor3A_148 : vector<8x64xi32>
    %shift_left3A_150 = arith.constant 29 : i32
    %shift_left3A_151 = vector.broadcast %shift_left3A_150 : i32 to vector<8x64xi32>
    %shift_left3A_152 = arith.shli %xor3A_148, %shift_left3A_151 : vector<8x64xi32>
    %shift_right_logical3A_153 = arith.constant 3 : i32
    %shift_right_logical3A_154 = vector.broadcast %shift_right_logical3A_153 : i32 to vector<8x64xi32>
    %shift_right_logical3A_155 = arith.shrui %xor3A_148, %shift_right_logical3A_154 : vector<8x64xi32>
    %or3A_156 = arith.ori %shift_left3A_152, %shift_right_logical3A_155 : vector<8x64xi32>
    %xor3A_157 = arith.xori %add3A_149, %or3A_156 : vector<8x64xi32>
    %add3A_158 = arith.addi %add3A_149, %xor3A_157 : vector<8x64xi32>
    %shift_left3A_159 = arith.constant 16 : i32
    %shift_left3A_160 = vector.broadcast %shift_left3A_159 : i32 to vector<8x64xi32>
    %shift_left3A_161 = arith.shli %xor3A_157, %shift_left3A_160 : vector<8x64xi32>
    %shift_right_logical3A_162 = arith.constant 16 : i32
    %shift_right_logical3A_163 = vector.broadcast %shift_right_logical3A_162 : i32 to vector<8x64xi32>
    %shift_right_logical3A_164 = arith.shrui %xor3A_157, %shift_right_logical3A_163 : vector<8x64xi32>
    %or3A_165 = arith.ori %shift_left3A_161, %shift_right_logical3A_164 : vector<8x64xi32>
    %xor3A_166 = arith.xori %add3A_158, %or3A_165 : vector<8x64xi32>
    %add3A_167 = arith.addi %add3A_158, %xor3A_166 : vector<8x64xi32>
    %shift_left3A_168 = arith.constant 24 : i32
    %shift_left3A_169 = vector.broadcast %shift_left3A_168 : i32 to vector<8x64xi32>
    %shift_left3A_170 = arith.shli %xor3A_166, %shift_left3A_169 : vector<8x64xi32>
    %shift_right_logical3A_171 = arith.constant 8 : i32
    %shift_right_logical3A_172 = vector.broadcast %shift_right_logical3A_171 : i32 to vector<8x64xi32>
    %shift_right_logical3A_173 = arith.shrui %xor3A_166, %shift_right_logical3A_172 : vector<8x64xi32>
    %or3A_174 = arith.ori %shift_left3A_170, %shift_right_logical3A_173 : vector<8x64xi32>
    %xor3A_175 = arith.xori %add3A_167, %or3A_174 : vector<8x64xi32>
    %add3A_176 = vector.broadcast %xor3A_90 : i32 to vector<8x64xi32>
    %add3A_177 = arith.addi %add3A_167, %add3A_176 : vector<8x64xi32>
    %add3A_178 = arith.constant 0 : i32
    %add3A_179 = vector.broadcast %add3A_178 : i32 to vector<8x64xi32>
    %add3A_180 = arith.addi %xor3A_175, %add3A_179 : vector<8x64xi32>
    %add3A_181 = arith.constant 2 : i32
    %add3A_182 = vector.broadcast %add3A_181 : i32 to vector<8x64xi32>
    %add3A_183 = arith.addi %add3A_180, %add3A_182 : vector<8x64xi32>
    %add3A_184 = arith.addi %add3A_177, %add3A_183 : vector<8x64xi32>
    %shift_left3A_185 = arith.constant 13 : i32
    %shift_left3A_186 = vector.broadcast %shift_left3A_185 : i32 to vector<8x64xi32>
    %shift_left3A_187 = arith.shli %add3A_183, %shift_left3A_186 : vector<8x64xi32>
    %shift_right_logical3A_188 = arith.constant 19 : i32
    %shift_right_logical3A_189 = vector.broadcast %shift_right_logical3A_188 : i32 to vector<8x64xi32>
    %shift_right_logical3A_190 = arith.shrui %add3A_183, %shift_right_logical3A_189 : vector<8x64xi32>
    %or3A_191 = arith.ori %shift_left3A_187, %shift_right_logical3A_190 : vector<8x64xi32>
    %xor3A_192 = arith.xori %add3A_184, %or3A_191 : vector<8x64xi32>
    %add3A_193 = arith.addi %add3A_184, %xor3A_192 : vector<8x64xi32>
    %shift_left3A_194 = arith.constant 15 : i32
    %shift_left3A_195 = vector.broadcast %shift_left3A_194 : i32 to vector<8x64xi32>
    %shift_left3A_196 = arith.shli %xor3A_192, %shift_left3A_195 : vector<8x64xi32>
    %shift_right_logical3A_197 = arith.constant 17 : i32
    %shift_right_logical3A_198 = vector.broadcast %shift_right_logical3A_197 : i32 to vector<8x64xi32>
    %shift_right_logical3A_199 = arith.shrui %xor3A_192, %shift_right_logical3A_198 : vector<8x64xi32>
    %or3A_200 = arith.ori %shift_left3A_196, %shift_right_logical3A_199 : vector<8x64xi32>
    %xor3A_201 = arith.xori %add3A_193, %or3A_200 : vector<8x64xi32>
    %add3A_202 = arith.addi %add3A_193, %xor3A_201 : vector<8x64xi32>
    %shift_left3A_203 = arith.constant 26 : i32
    %shift_left3A_204 = vector.broadcast %shift_left3A_203 : i32 to vector<8x64xi32>
    %shift_left3A_205 = arith.shli %xor3A_201, %shift_left3A_204 : vector<8x64xi32>
    %shift_right_logical3A_206 = arith.constant 6 : i32
    %shift_right_logical3A_207 = vector.broadcast %shift_right_logical3A_206 : i32 to vector<8x64xi32>
    %shift_right_logical3A_208 = arith.shrui %xor3A_201, %shift_right_logical3A_207 : vector<8x64xi32>
    %or3A_209 = arith.ori %shift_left3A_205, %shift_right_logical3A_208 : vector<8x64xi32>
    %xor3A_210 = arith.xori %add3A_202, %or3A_209 : vector<8x64xi32>
    %add3A_211 = arith.addi %add3A_202, %xor3A_210 : vector<8x64xi32>
    %shift_left3A_212 = arith.constant 6 : i32
    %shift_left3A_213 = vector.broadcast %shift_left3A_212 : i32 to vector<8x64xi32>
    %shift_left3A_214 = arith.shli %xor3A_210, %shift_left3A_213 : vector<8x64xi32>
    %shift_right_logical3A_215 = arith.constant 26 : i32
    %shift_right_logical3A_216 = vector.broadcast %shift_right_logical3A_215 : i32 to vector<8x64xi32>
    %shift_right_logical3A_217 = arith.shrui %xor3A_210, %shift_right_logical3A_216 : vector<8x64xi32>
    %or3A_218 = arith.ori %shift_left3A_214, %shift_right_logical3A_217 : vector<8x64xi32>
    %xor3A_219 = arith.xori %add3A_211, %or3A_218 : vector<8x64xi32>
    %add3A_220 = arith.constant 0 : i32
    %add3A_221 = vector.broadcast %add3A_220 : i32 to vector<8x64xi32>
    %add3A_222 = arith.addi %add3A_211, %add3A_221 : vector<8x64xi32>
    %add3A_223 = arith.constant 1 : i32
    %add3A_224 = vector.broadcast %add3A_223 : i32 to vector<8x64xi32>
    %add3A_225 = arith.addi %xor3A_219, %add3A_224 : vector<8x64xi32>
    %add3A_226 = arith.constant 3 : i32
    %add3A_227 = vector.broadcast %add3A_226 : i32 to vector<8x64xi32>
    %add3A_228 = arith.addi %add3A_225, %add3A_227 : vector<8x64xi32>
    %add3A_229 = arith.addi %add3A_222, %add3A_228 : vector<8x64xi32>
    %shift_left3A_230 = arith.constant 17 : i32
    %shift_left3A_231 = vector.broadcast %shift_left3A_230 : i32 to vector<8x64xi32>
    %shift_left3A_232 = arith.shli %add3A_228, %shift_left3A_231 : vector<8x64xi32>
    %shift_right_logical3A_233 = arith.constant 15 : i32
    %shift_right_logical3A_234 = vector.broadcast %shift_right_logical3A_233 : i32 to vector<8x64xi32>
    %shift_right_logical3A_235 = arith.shrui %add3A_228, %shift_right_logical3A_234 : vector<8x64xi32>
    %or3A_236 = arith.ori %shift_left3A_232, %shift_right_logical3A_235 : vector<8x64xi32>
    %xor3A_237 = arith.xori %add3A_229, %or3A_236 : vector<8x64xi32>
    %add3A_238 = arith.addi %add3A_229, %xor3A_237 : vector<8x64xi32>
    %shift_left3A_239 = arith.constant 29 : i32
    %shift_left3A_240 = vector.broadcast %shift_left3A_239 : i32 to vector<8x64xi32>
    %shift_left3A_241 = arith.shli %xor3A_237, %shift_left3A_240 : vector<8x64xi32>
    %shift_right_logical3A_242 = arith.constant 3 : i32
    %shift_right_logical3A_243 = vector.broadcast %shift_right_logical3A_242 : i32 to vector<8x64xi32>
    %shift_right_logical3A_244 = arith.shrui %xor3A_237, %shift_right_logical3A_243 : vector<8x64xi32>
    %or3A_245 = arith.ori %shift_left3A_241, %shift_right_logical3A_244 : vector<8x64xi32>
    %xor3A_246 = arith.xori %add3A_238, %or3A_245 : vector<8x64xi32>
    %add3A_247 = arith.addi %add3A_238, %xor3A_246 : vector<8x64xi32>
    %shift_left3A_248 = arith.constant 16 : i32
    %shift_left3A_249 = vector.broadcast %shift_left3A_248 : i32 to vector<8x64xi32>
    %shift_left3A_250 = arith.shli %xor3A_246, %shift_left3A_249 : vector<8x64xi32>
    %shift_right_logical3A_251 = arith.constant 16 : i32
    %shift_right_logical3A_252 = vector.broadcast %shift_right_logical3A_251 : i32 to vector<8x64xi32>
    %shift_right_logical3A_253 = arith.shrui %xor3A_246, %shift_right_logical3A_252 : vector<8x64xi32>
    %or3A_254 = arith.ori %shift_left3A_250, %shift_right_logical3A_253 : vector<8x64xi32>
    %xor3A_255 = arith.xori %add3A_247, %or3A_254 : vector<8x64xi32>
    %add3A_256 = arith.addi %add3A_247, %xor3A_255 : vector<8x64xi32>
    %shift_left3A_257 = arith.constant 24 : i32
    %shift_left3A_258 = vector.broadcast %shift_left3A_257 : i32 to vector<8x64xi32>
    %shift_left3A_259 = arith.shli %xor3A_255, %shift_left3A_258 : vector<8x64xi32>
    %shift_right_logical3A_260 = arith.constant 8 : i32
    %shift_right_logical3A_261 = vector.broadcast %shift_right_logical3A_260 : i32 to vector<8x64xi32>
    %shift_right_logical3A_262 = arith.shrui %xor3A_255, %shift_right_logical3A_261 : vector<8x64xi32>
    %or3A_263 = arith.ori %shift_left3A_259, %shift_right_logical3A_262 : vector<8x64xi32>
    %xor3A_264 = arith.xori %add3A_256, %or3A_263 : vector<8x64xi32>
    %add3A_265 = arith.constant 1 : i32
    %add3A_266 = vector.broadcast %add3A_265 : i32 to vector<8x64xi32>
    %add3A_267 = arith.addi %add3A_256, %add3A_266 : vector<8x64xi32>
    %add3A_268 = vector.broadcast %xor3A_90 : i32 to vector<8x64xi32>
    %add3A_269 = arith.addi %xor3A_264, %add3A_268 : vector<8x64xi32>
    %add3A_270 = arith.constant 4 : i32
    %add3A_271 = vector.broadcast %add3A_270 : i32 to vector<8x64xi32>
    %add3A_272 = arith.addi %add3A_269, %add3A_271 : vector<8x64xi32>
    %add3A_273 = arith.addi %add3A_267, %add3A_272 : vector<8x64xi32>
    %shift_left3A_274 = arith.constant 13 : i32
    %shift_left3A_275 = vector.broadcast %shift_left3A_274 : i32 to vector<8x64xi32>
    %shift_left3A_276 = arith.shli %add3A_272, %shift_left3A_275 : vector<8x64xi32>
    %shift_right_logical3A_277 = arith.constant 19 : i32
    %shift_right_logical3A_278 = vector.broadcast %shift_right_logical3A_277 : i32 to vector<8x64xi32>
    %shift_right_logical3A_279 = arith.shrui %add3A_272, %shift_right_logical3A_278 : vector<8x64xi32>
    %or3A_280 = arith.ori %shift_left3A_276, %shift_right_logical3A_279 : vector<8x64xi32>
    %xor3A_281 = arith.xori %add3A_273, %or3A_280 : vector<8x64xi32>
    %add3A_282 = arith.addi %add3A_273, %xor3A_281 : vector<8x64xi32>
    %shift_left3A_283 = arith.constant 15 : i32
    %shift_left3A_284 = vector.broadcast %shift_left3A_283 : i32 to vector<8x64xi32>
    %shift_left3A_285 = arith.shli %xor3A_281, %shift_left3A_284 : vector<8x64xi32>
    %shift_right_logical3A_286 = arith.constant 17 : i32
    %shift_right_logical3A_287 = vector.broadcast %shift_right_logical3A_286 : i32 to vector<8x64xi32>
    %shift_right_logical3A_288 = arith.shrui %xor3A_281, %shift_right_logical3A_287 : vector<8x64xi32>
    %or3A_289 = arith.ori %shift_left3A_285, %shift_right_logical3A_288 : vector<8x64xi32>
    %xor3A_290 = arith.xori %add3A_282, %or3A_289 : vector<8x64xi32>
    %add3A_291 = arith.addi %add3A_282, %xor3A_290 : vector<8x64xi32>
    %shift_left3A_292 = arith.constant 26 : i32
    %shift_left3A_293 = vector.broadcast %shift_left3A_292 : i32 to vector<8x64xi32>
    %shift_left3A_294 = arith.shli %xor3A_290, %shift_left3A_293 : vector<8x64xi32>
    %shift_right_logical3A_295 = arith.constant 6 : i32
    %shift_right_logical3A_296 = vector.broadcast %shift_right_logical3A_295 : i32 to vector<8x64xi32>
    %shift_right_logical3A_297 = arith.shrui %xor3A_290, %shift_right_logical3A_296 : vector<8x64xi32>
    %or3A_298 = arith.ori %shift_left3A_294, %shift_right_logical3A_297 : vector<8x64xi32>
    %xor3A_299 = arith.xori %add3A_291, %or3A_298 : vector<8x64xi32>
    %add3A_300 = arith.addi %add3A_291, %xor3A_299 : vector<8x64xi32>
    %shift_left3A_301 = arith.constant 6 : i32
    %shift_left3A_302 = vector.broadcast %shift_left3A_301 : i32 to vector<8x64xi32>
    %shift_left3A_303 = arith.shli %xor3A_299, %shift_left3A_302 : vector<8x64xi32>
    %shift_right_logical3A_304 = arith.constant 26 : i32
    %shift_right_logical3A_305 = vector.broadcast %shift_right_logical3A_304 : i32 to vector<8x64xi32>
    %shift_right_logical3A_306 = arith.shrui %xor3A_299, %shift_right_logical3A_305 : vector<8x64xi32>
    %or3A_307 = arith.ori %shift_left3A_303, %shift_right_logical3A_306 : vector<8x64xi32>
    %xor3A_308 = arith.xori %add3A_300, %or3A_307 : vector<8x64xi32>
    %add3A_309 = vector.broadcast %xor3A_90 : i32 to vector<8x64xi32>
    %add3A_310 = arith.addi %add3A_300, %add3A_309 : vector<8x64xi32>
    %add3A_311 = arith.constant 0 : i32
    %add3A_312 = vector.broadcast %add3A_311 : i32 to vector<8x64xi32>
    %add3A_313 = arith.addi %xor3A_308, %add3A_312 : vector<8x64xi32>
    %add3A_314 = arith.constant 5 : i32
    %add3A_315 = vector.broadcast %add3A_314 : i32 to vector<8x64xi32>
    %add3A_316 = arith.addi %add3A_313, %add3A_315 : vector<8x64xi32>
    %xor3A_317 = arith.xori %add3A_310, %add3A_316 : vector<8x64xi32>
    %shift_right_logical3A_318 = arith.constant 9 : i32
    %shift_right_logical3A_319 = vector.broadcast %shift_right_logical3A_318 : i32 to vector<8x64xi32>
    %shift_right_logical3A_320 = arith.shrui %xor3A_317, %shift_right_logical3A_319 : vector<8x64xi32>
    %or3A_321 = arith.constant 1065353216 : i32
    %or3A_322 = vector.broadcast %or3A_321 : i32 to vector<8x64xi32>
    %or3A_323 = arith.ori %shift_right_logical3A_320, %or3A_322 : vector<8x64xi32>
    %bitcast_convert_type3A = tpu.bitcast %or3A_323 : vector<8x64xi32> -> vector<8x64xf32>
    %sub3A_324 = arith.constant 1.000000e+00 : f32
    %sub3A_325 = vector.broadcast %sub3A_324 : f32 to vector<8x64xf32>
    %sub3A_326 = arith.subf %bitcast_convert_type3A, %sub3A_325 : vector<8x64xf32>
    %sub3A_327 = arith.constant 1.000000e+00 : f32
    %sub3A_328 = arith.constant 1.17549435E-38 : f32
    %sub3A_329 = arith.subf %sub3A_327, %sub3A_328 : f32
    %mul3A_330 = vector.broadcast %sub3A_329 : f32 to vector<8x64xf32>
    %mul3A_331 = arith.mulf %sub3A_326, %mul3A_330 : vector<8x64xf32>
    %add3A_332 = arith.constant 1.17549435E-38 : f32
    %add3A_333 = vector.broadcast %add3A_332 : f32 to vector<8x64xf32>
    %add3A_334 = arith.addf %mul3A_331, %add3A_333 : vector<8x64xf32>
    %max3A = arith.constant 1.17549435E-38 : f32
    %max3A_335 = vector.broadcast %max3A : f32 to vector<8x64xf32>
    %max3A_336 = arith.maximumf %max3A_335, %add3A_334 : vector<8x64xf32>
    %log3A = math.log %max3A_336 : vector<8x64xf32>
    %neg3A = arith.constant 0.000000e+00 : f32
    %neg3A_337 = vector.broadcast %neg3A : f32 to vector<8x64xf32>
    %neg3A_338 = arith.subf %neg3A_337, %log3A : vector<8x64xf32>
    %log3A_339 = math.log %neg3A_338 : vector<8x64xf32>
    %neg3A_340 = arith.constant 0.000000e+00 : f32
    %neg3A_341 = vector.broadcast %neg3A_340 : f32 to vector<8x64xf32>
    %neg3A_342 = arith.subf %neg3A_341, %log3A_339 : vector<8x64xf32>
    %gt3A_343 = arith.constant 0.000000e+00 : f32
    %gt3A_344 = vector.broadcast %gt3A_343 : f32 to vector<8x64xf32>
    %gt3A_345 = arith.cmpf ogt, %select_n3A_76, %gt3A_344 : vector<8x64xf32>
    %log3A_346 = math.log %select_n3A_76 : vector<8x64xf32>
    %add3A_347 = arith.addf %log3A_346, %neg3A_342 : vector<8x64xf32>
    %jit3A_348 = arith.constant -3.000000e+38 : f32
    %broadcast_in_dim3A_349 = vector.broadcast %jit3A_348 : f32 to vector<8x64xf32>
    %select_n3A_350 = arith.select %gt3A_345, %add3A_347, %broadcast_in_dim3A_349 : vector<8x64xi1>, vector<8x64xf32>
    %reduce_max3A = arith.constant dense<0xFF800000> : vector<8xf32>
    %reduce_max3A_351 = vector.multi_reduction <maximumf>, %select_n3A_350, %reduce_max3A [1] : vector<8x64xf32> to vector<8xf32>
    %broadcast_in_dim3A_352 = vector.shape_cast %reduce_max3A_351 : vector<8xf32> to vector<8x1xf32>
    %eq3A = vector.broadcast %broadcast_in_dim3A_352 : vector<8x1xf32> to vector<8x64xf32>
    %eq3A_353 = arith.cmpf oeq, %select_n3A_350, %eq3A : vector<8x64xf32>
    %jit3A_354 = arith.constant 64 : i32
    %broadcast_in_dim3A_355 = vector.broadcast %jit3A_354 : i32 to vector<8x64xi32>
    %select_n3A_356 = arith.select %eq3A_353, %iota3A, %broadcast_in_dim3A_355 : vector<8x64xi1>, vector<8x64xi32>
    %reduce_min3A = arith.constant dense<2147483647> : vector<8xi32>
    %reduce_min3A_357 = vector.multi_reduction <minsi>, %select_n3A_356, %reduce_min3A [1] : vector<8x64xi32> to vector<8xi32>
    %broadcast_in_dim3A_358 = vector.shape_cast %reduce_min3A_357 : vector<8xi32> to vector<8x1xi32>
    %eq3A_359 = vector.broadcast %broadcast_in_dim3A_358 : vector<8x1xi32> to vector<8x64xi32>
    %eq3A_360 = arith.cmpi eq, %iota3A, %eq3A_359 : vector<8x64xi32>
    %jit3A_361 = arith.constant 0 : i32
    %broadcast_in_dim3A_362 = vector.broadcast %jit3A_361 : i32 to vector<8x64xi32>
    %select_n3A_363 = arith.select %eq3A_360, %scan3A_26#1, %broadcast_in_dim3A_362 : vector<8x64xi1>, vector<8x64xi32>
    %reduce_sum3A = arith.constant dense<0> : vector<8xi32>
    %reduce_sum3A_364 = vector.multi_reduction <add>, %select_n3A_363, %reduce_sum3A [1] : vector<8x64xi32> to vector<8xi32>
    %broadcast_in_dim3A_365 = vector.shape_cast %reduce_sum3A_364 : vector<8xi32> to vector<8x1xi32>
    %swap3A = arith.constant 0 : index
    %swap3A_366 = arith.constant 0 : index
    %swap3A_367 = vector.load %arg9[%swap3A, %swap3A_366] : memref<8x1xi32, #tpu.memory_space<vmem>>, vector<8x1xi32>
    tpu.vector_store %arg9[%swap3A, %swap3A_366], %broadcast_in_dim3A_365 {strides = array<i32>} : memref<8x1xi32, #tpu.memory_space<vmem>>, vector<8x1xi32>,
    %log3A_368 = math.log %scan3A_26#0 : vector<8x64xf32>
    %jit3A_369 = arith.constant 0.000000e+00 : f32
    %broadcast_in_dim3A_370 = vector.broadcast %jit3A_369 : f32 to vector<8x64xf32>
    %select_n3A_371 = arith.select %eq3A_360, %log3A_368, %broadcast_in_dim3A_370 : vector<8x64xi1>, vector<8x64xf32>
    %reduce_sum3A_372 = arith.constant dense<0.000000e+00> : vector<8xf32>
    %reduce_sum3A_373 = vector.multi_reduction <add>, %select_n3A_371, %reduce_sum3A_372 [1] : vector<8x64xf32> to vector<8xf32>
    %broadcast_in_dim3A_374 = vector.shape_cast %reduce_sum3A_373 : vector<8xf32> to vector<8x1xf32>
    %swap3A_375 = arith.constant 0 : index
    %swap3A_376 = arith.constant 0 : index
    %swap3A_377 = vector.load %arg10[%swap3A_375, %swap3A_376] : memref<8x1xf32, #tpu.memory_space<vmem>>, vector<8x1xf32>
    tpu.vector_store %arg10[%swap3A_375, %swap3A_376], %broadcast_in_dim3A_374 {strides = array<i32>} : memref<8x1xf32, #tpu.memory_space<vmem>>, vector<8x1xf32>,
    return
  }
  func.func @transform_0(%arg0: i32) -> (i32, i32) {
    %c0_i32 = arith.constant 0 : i32
    %c0_i32_0 = arith.constant 0 : i32
    return %arg0, %c0_i32 : i32, i32
  }
  func.func @transform_1(%arg0: i32) -> (i32, i32) {
    %c0_i32 = arith.constant 0 : i32
    %c0_i32_0 = arith.constant 0 : i32
    return %arg0, %c0_i32 : i32, i32
  }
  func.func @transform_2(%arg0: i32) -> (i32, i32) {
    %c0_i32 = arith.constant 0 : i32
    %c0_i32_0 = arith.constant 0 : i32
    return %arg0, %c0_i32 : i32, i32
  }
  func.func @transform_3(%arg0: i32) -> (i32, i32) {
    %c0_i32 = arith.constant 0 : i32
    %c0_i32_0 = arith.constant 0 : i32
    return %arg0, %c0_i32 : i32, i32
  }
  func.func @transform_4(%arg0: i32) -> (i32, i32) {
    %c0_i32 = arith.constant 0 : i32
    %c0_i32_0 = arith.constant 0 : i32
    return %arg0, %c0_i32 : i32, i32
  }
  func.func @transform_5(%arg0: i32) -> (i32, i32) {
    %c0_i32 = arith.constant 0 : i32
    %c0_i32_0 = arith.constant 0 : i32
    return %arg0, %c0_i32 : i32, i32
  }
  func.func @transform_6(%arg0: i32) -> (i32, i32) {
    %c0_i32 = arith.constant 0 : i32
    %c0_i32_0 = arith.constant 0 : i32
    return %arg0, %c0_i32 : i32, i32
  }
  func.func @transform_7(%arg0: i32) -> (i32, i32) {
    %c0_i32 = arith.constant 0 : i32
    %c0_i32_0 = arith.constant 0 : i32
    return %arg0, %c0_i32 : i32, i32
  }
  func.func @transform_8(%arg0: i32) -> (i32, i32) {
    %c0_i32 = arith.constant 0 : i32
    %c0_i32_0 = arith.constant 0 : i32
    return %arg0, %c0_i32 : i32, i32
  }
  func.func @transform_9(%arg0: i32) -> (i32, i32) {
    %c0_i32 = arith.constant 0 : i32
    %c0_i32_0 = arith.constant 0 : i32
    return %arg0, %c0_i32 : i32, i32
  }
}

</mosaic_0001>

<sc_bundles>
// kernel: kernel.5.cloned.1.call-start
scs
__scs_entry_jumppad:
0x0: {  	(pc) =	sbr.rel $0x88, $3  }
0x1: {  	(tag) =	ssettag $0x0;
	lr =	simm.s32 $0x1  }
0x2: {  	[smem:$0x3F9C] =	sst lr;
	_ =	strace $0xD0000000  }
0x3: {  	_ = 	snop  }
0x4: {  	_ = 	snop  }
0x5: {  	_ = 	snop  }
0x6: {  	_ = 	snop  }
0x7: {  	_ = 	snop  }
__scs_overlays_trampoline_lowered:
0x8: {  	[smem:$0x3FAB] =	sst s0  }
0x9: {  	[smem:$0x3FAC] =	sst s1  }
0xa: {  	[smem:$0x3FAD] =	sst s2  }
0xb: {  	[smem:$0x3FAE] =	sst s3  }
0xc: {  	[smem:$0x3FAF] =	sst s4  }
0xd: {  	[smem:$0x3FB0] =	sst s5  }
0xe: {  	[smem:$0x3FB1] =	sst s6  }
0xf: {  	[smem:$0x3FB2] =	sst s7  }
0x10: {  	[smem:$0x3FB3] =	sst s8  }
0x11: {  	[smem:$0x3FB4] =	sst s9;
	s0 =	simm.s32 @!p0 $0x0  }
0x12: {  	s1 =	sld [smem:$0x3F9A];
	s0 =	simm.s32 @p0 $0x1  }
0x13: {  	[smem:$0x3FB5] =	sst s0;
	s0 =	simm.s32 @!p1 $0x0  }
0x14: {  	s2 =	sld [smem:$0x3F99];
	s0 =	simm.s32 @p1 $0x1  }
0x15: {  	[smem:$0x3FB6] =	sst s0;
	s0 =	simm.s32 @!p2 $0x0  }
0x16: {  	s3 =	sld [smem:$0x3FDB];
	s0 =	simm.s32 @p2 $0x1  }
0x17: {  	s4 =	simm.s32 $0x1BF5;
	[smem:$0x3FB8] =	sst s0  }
0x18: {  	s0 =	sld [smem:$0x3F9B];
	_ =	swait.ge [sflag:s4], $0x0  }
0x19: {  	s7 =	sld [smem:$0x3F9C]  }
0x1a: {  	s8 =	sadd.s32 $0xFFFFE003, lr  }
0x1b: {  	s9 =	sadd.s32 $0xFFFFFEF7, lr;
	s5 =	simm.s32 $0xFFFFFFFF;
	p2 =	slt.u32 s8, $0xFFFFF086  }
0x1c: {  	p1 =	slt.u32 s9, $0xF7A;
	s5 =	simm.s32 @!p2 $0x0  }
0x1d: {  	s5 =	simm.s32 @p1 $0x1;
	p0 =	seq.s32 s7, s2  }
0x1e: {  	s7 =	smul.u32 @!p0 $0xF7A, s2;
	p2 =	seq.s32 @!p0 s5, $0x0  }
0x1f: {  	s9 =	smul.u32 $0xF7A, s1;
	s8 =	simm.s32 @!p0 $0x1BF5;
	p2 =	por !p2, p0  }
0x20: {  	[sflag:s8] =	ssyncset.s32 @!p0 $0xFFFFF086;
	s6 =	sadd.s32 @!p0 s3, s7;
	s7 =	simm.s32 @!p0 $0x108  }
0x21: {  	s3 =	sadd.s32 s3, s9;
	s6 =	sadd.s32 @!p0 $0x88, s6;
	s7 =	simm.s32 @p2 $0x1082  }
0x22: {  	[simem:s7], [sflag:s8] =	dma.local @!p0 [hbm:s6], $0xF7A  }
0x23: {  	s9 =	sor.u32 $0xD0000000, s2;
	s6 =	simm.s32 $0x108;
	_ =	swait.ge @!p0 [sflag:s8], $0x0  }
0x24: {  	s3 =	sadd.s32 $0x88, s3;
	s6 =	simm.s32 @!p1 $0x1082;
	[sflag:s4] =	ssyncset.s32 $0xFFFFF086  }
0x25: {  	[simem:s6], [sflag:s4] =	dma.local [hbm:s3], $0xF7A  }
0x26: {  	[smem:$0x3F9C] =	sst s1;
	(tag) =	ssettag s2;
	_ =	strace s9  }
0x27: {  	s1 =	sld [smem:$0x3FAC]  }
0x28: {  	s2 =	sld [smem:$0x3FAD]  }
0x29: {  	s4 =	sld [smem:$0x3FAF]  }
0x2a: {  	p0 =	seq.s32 s5, $0x0;
	s5 =	sld [smem:$0x3FB0]  }
0x2b: {  	s6 =	sld [smem:$0x3FB1]  }
0x2c: {  	s7 =	sld [smem:$0x3FB2]  }
0x2d: {  	s3 =	simm.s32 $0x108;
	s8 =	sld [smem:$0x3FB3]  }
0x2e: {  	s3 =	simm.s32 @!p0 $0x1082;
	s9 =	sld [smem:$0x3FB4]  }
0x2f: {  	lr =	sadd.s32 s0, s3;
	s0 =	sld [smem:$0x3FAB]  }
0x30: {  	s3 =	sld [smem:$0x3FAE]  }
0x31: {  	[smem:$0x3FB7] =	sst s10  }
0x32: {  	s10 =	sld [smem:$0x3FB5];
	_ =	sdelay $0x3  }
0x33: {  	p0 =	seq.s32 s10, $0x1;
	s10 =	sld [smem:$0x3FB7];
	_ =	sdelay $0x3  }
0x34: {  	[smem:$0x3FB7] =	sst s10  }
0x35: {  	s10 =	sld [smem:$0x3FB6];
	_ =	sdelay $0x3  }
0x36: {  	p1 =	seq.s32 s10, $0x1;
	s10 =	sld [smem:$0x3FB7];
	_ =	sdelay $0x3  }
0x37: {  	[smem:$0x3FB7] =	sst s10  }
0x38: {  	s10 =	sld [smem:$0x3FB8]  }
0x39: {  	_ = 	snop;
	(pc) =	sbr.ind lr, $3  }
0x3a: {  	_ = 	snop  }
0x3b: {  	_ = 	snop  }
0x3c: {  	p2 =	seq.s32 s10, $0x1;
	s10 =	sld [smem:$0x3FB7]  }
0x3d: {  	_ =	shalt  }
0x3e: {  	_ =	shalt  }
0x3f: {  	_ =	shalt  }
0x40: {  	_ =	shalt  }
0x41: {  	_ =	shalt  }
0x42: {  	_ =	shalt  }
0x43: {  	_ =	shalt  }
0x44: {  	_ =	shalt  }
0x45: {  	_ =	shalt  }
0x46: {  	_ =	shalt  }
0x47: {  	_ =	shalt  }
0x48: {  	_ =	shalt  }
0x49: {  	_ =	shalt  }
0x4a: {  	_ =	shalt  }
0x4b: {  	_ =	shalt  }
0x4c: {  	_ =	shalt  }
0x4d: {  	_ =	shalt  }
0x4e: {  	_ =	shalt  }
0x4f: {  	_ =	shalt  }
0x50: {  	_ =	shalt  }
0x51: {  	_ =	shalt  }
0x52: {  	_ =	shalt  }
0x53: {  	_ =	shalt  }
0x54: {  	_ =	shalt  }
0x55: {  	_ =	shalt  }
0x56: {  	_ =	shalt  }
0x57: {  	_ =	shalt  }
0x58: {  	_ =	shalt  }
0x59: {  	_ =	shalt  }
0x5a: {  	_ =	shalt  }
0x5b: {  	_ =	shalt  }
0x5c: {  	_ =	shalt  }
0x5d: {  	_ =	shalt  }
0x5e: {  	_ =	shalt  }
0x5f: {  	_ =	shalt  }
0x60: {  	_ =	shalt  }
0x61: {  	_ =	shalt  }
0x62: {  	_ =	shalt  }
0x63: {  	_ =	shalt  }
0x64: {  	_ =	shalt  }
0x65: {  	_ =	shalt  }
0x66: {  	_ =	shalt  }
0x67: {  	_ =	shalt  }
0x68: {  	_ =	shalt  }
0x69: {  	_ =	shalt  }
0x6a: {  	_ =	shalt  }
0x6b: {  	_ =	shalt  }
0x6c: {  	_ =	shalt  }
0x6d: {  	_ =	shalt  }
0x6e: {  	_ =	shalt  }
0x6f: {  	_ =	shalt  }
0x70: {  	_ =	shalt  }
0x71: {  	_ =	shalt  }
0x72: {  	_ =	shalt  }
0x73: {  	_ =	shalt  }
0x74: {  	_ =	shalt  }
0x75: {  	_ =	shalt  }
0x76: {  	_ =	shalt  }
0x77: {  	_ =	shalt  }
0x78: {  	_ =	shalt  }
0x79: {  	_ =	shalt  }
0x7a: {  	_ =	shalt  }
0x7b: {  	_ =	shalt  }
0x7c: {  	_ =	shalt  }
0x7d: {  	_ =	shalt  }
0x7e: {  	_ =	shalt  }
0x7f: {  	_ =	shalt  }
0x80: {  	_ =	shalt  }
0x81: {  	_ =	shalt  }
0x82: {  	_ =	shalt  }
0x83: {  	_ =	shalt  }
0x84: {  	_ =	shalt  }
0x85: {  	_ =	shalt  }
0x86: {  	_ =	shalt  }
0x87: {  	_ =	shalt  }
.Lfunc_end0:
.L_simem_size_0:
called_computation_lowered:
.L_overlay_start_0:
0x88: {  	s2 =	sld [smem:$0x3FD9]  }
0x89: {  	s3 =	sld [smem:$0x3FFE];
	_ =	sdelay $0x1  }
0x8a: {  	s1 =	srdreg.scid  }
0x8b: {  	s0 =	sand.u32 $0x1, s1  }
0x8c: {  	s16 =	sshll.u32 s0, $0xA;
	s2 =	sadd.s32 s3, s2  }
0x8d: {  	s2 =	sadd.s32 s2, s16  }
0x8e: {  	[smem:$0x3FC3] =	sst s2  }
0x8f: {  	_ = 	snop  }
0x90: {  	(tm) =	ssettm $0x1  }
0x91: {  	s17 =	sld [smem:$0x3FFB];
	_ =	sdelay $0x3  }
0x92: {  	_ =	strace s17  }
0x93: {  	s2 =	sld [smem:$0x3FFC];
	_ =	sdelay $0x3  }
0x94: {  	_ =	strace s2  }
0x95: {  	s2 =	sld [smem:$0x3FFD];
	_ =	sdelay $0x3  }
0x96: {  	_ =	strace s2  }
0x97: {  	_ =	strace $0x8FFFFFFF  }
0x98: {  	s18 =	sld [smem:$0x3FDB];
	_ =	sdelay $0x1  }
0x99: {  	s19 =	simm.s32 $_scs_section_size  }
0x9a: {  	s4 =	simm.s32 $_size__tile_overlayer_lowered;
	s5 =	simm.s32 $_tile_overlayer_lowered  }
0x9b: {  	s22 =	simm.s32 $0x1BFF;
	s21 =	sshll.u32 s5, $0x1;
	s2 =	sadd.s32 s19, s18  }
0x9c: {  	s6 =	simm.s32 $0x0;
	s20 =	sshll.u32 s4, $0x1;
	s4 =	sadd.s32 s21, s2  }
0x9d: {  	[timem:s6], [sflag:s22] =	dma.local [hbm:s4], s20  }
0x9e: {  	_ =	swait.ge [sflag:s22], s20  }
0x9f: {  	s3 =	ssub.s32 $0x0, s20;
	[sflag:s22] =	ssyncset.done $0x0  }
0xa0: {  	[sflag:s22] =	ssyncadd.s32 s3;
	_ =	sdelay $0x1  }
0xa1: {  	s23 =	simm.s32 $0x1B8B  }
0xa2: {  	_ =	swait.ge [sflag:s23], $0x1  }
0xa3: {  	[sflag:s23] =	ssyncset.done $0x0  }
0xa4: {  	s25 =	simm.s32 $0x1B8E;
	s24 =	sld [smem:$0x3FFE];
	[sflag:s23] =	ssyncadd.s32 $0xFFFFFFFF  }
0xa5: {  	s26 =	simm.s32 $execute0_lowered;
	[smem:$0x3FD2] =	sst s25  }
0xa6: {  	s4 =	sshll.u32 s26, $0x1;
	_ =	strace $0x80000046;
	[dreg:$0x1] =	wrdreg $0xFFFFFFFF  }
0xa7: {  	s28 =	simm.s32 $_size_execute0_lowered;
	s2 =	sadd.s32 s2, s4;
	[dreg:$0x0] =	wrdreg $0x0  }
0xa8: {  	s4 =	sshll.u32 s28, $0x1;
	[dreg:$0x2] =	wrdreg s2  }
0xa9: {  	[dreg:$0x3] =	wrdreg s4  }
0xaa: {  	[dreg:$0x4] =	wrdreg $0xC0  }
0xab: {  	_ =	task [dreg:s6], $0x5FFFF  }
0xac: {  	[dreg:$0x1] =	wrdreg $0xFFFFFFFF  }
0xad: {  	[dreg:$0x0] =	wrdreg $0x60  }
0xae: {  	[dreg:$0x2] =	wrdreg s24  }
0xaf: {  	[dreg:$0x3] =	wrdreg $0x9  }
0xb0: {  	_ =	task.clear_ibuf [dreg:s6], $0x4FFFF;
	_ =	strace $0x90000046  }
0xb1: {  	s29 =	simm.s32 $0x9;
	_ =	strace $0x80000048  }
0xb2: {  	_ =	swait.ge [sflag:s29], $0x1  }
0xb3: {  	[sflag:s29] =	ssyncadd.s32 $0xFFFFFFFF  }
0xb4: {  	_ =	strace $0x90000048  }
0xb5: {  	_ =	sfence  }
0xb6: {  	s30 =	sld [smem:$0x0];
	_ =	sdelay $0x2  }
0xb7: {  	s31 =	sshll.u32 s1, $0xD;
	s1 =	sshrl.u32 s1, $0x2  }
0xb8: {  	s3 =	sand.u32 $0x4000, s31;
	s1 =	sadd.s32 s1, s30  }
0xb9: {  	s0 =	sor.u32 s3, s0;
	s1 =	sshll.u32 s1, $0x11  }
0xba: {  	s0 =	sor.u32 s1, s0  }
0xbb: {  	s0 =	sadd.s32 $0x8F2B, s0  }
0xbc: {  	[sflag:s0] =	ssyncadd.remote.s32 $0x1  }
0xbd: {  	_ =	sfence.sel $0xFFFF  }
0xbe: {  	[dreg:$0x0] =	wrdreg $0xFFFFFFFF;
	(pc) =	sbr.abs _section_cstart, $3  }
0xbf: {  	[dreg:$0x1] =	wrdreg $0xFFFFFFFF  }
0xc0: {  	_ =	task.clear_ibuf [dreg:s6], $0x2FFFF;
	_ =	strace $0x9FFFFFFF  }
0xc1: {  	(tm) =	ssettm $0x7FFFFFFF  }
tec
execute0_lowered:
.L_overlay_start_1:
0x0: {  	(tag) =	ssettag $0x1  }
0x1: {  	v0 =	vimm.s32 $0xEFCDAB89;
	v1 =	vimm.s32 $0x67452301  }
0x2: {  	v2 =	vimm.s32 $0xDCFE98BA;
	v3 =	vimm.s32 $0x54761032;
	v4 =	vimm.s32 $0xBA98FEDC  }
0x3: {  	s4 =	rddreg [dreg:$0x0];
	v5 =	vimm.s32 $0x32107654;
	v6 =	vimm.s32 $0xFEDCBA98;
	v7 =	vimm.s32 $0x76543210  }
0x4: {  	s0 =	rddreg [dreg:$0x1];
	s1 =	simm.s32 $0x0;
	v0 =	vunpack.c.l.s4.s8 v0;
	v1 =	vunpack.c.l.s4.s8 v1;
	v2 =	vunpack.c.l.s4.s8 v2  }
0x5: {  	s2 =	srdreg.scid;
	s10 =	simm.s32 $0x80;
	s11 =	simm.s32 $0x400;
	v3 =	vunpack.c.l.s4.s8 v3;
	v4 =	vunpack.c.l.s4.s8 v4;
	v5 =	vunpack.c.l.s4.s8 v5  }
0x6: {  	s12 =	simm.s32 $0x1;
	s13 =	simm.s32 $0x18700;
	s14 =	simm.s32 $0x18B00;
	v6 =	vunpack.c.l.s4.s8 v6;
	v7 =	vunpack.c.l.s4.s8 v7;
	v0 =	vunpack.c.0.s8.s32 v0  }
.Ltmp0:
0x7: {  	[smem:$0x7FF] =	sst s1;
	s6 =	sand.u32 $0x1, s2;
	v1 =	vunpack.c.0.s8.s32 v1;
	v2 =	vunpack.c.0.s8.s32 v2;
	v3 =	vunpack.c.0.s8.s32 v3;
	(pc) =	sbr.rel .LBB2_1-.Ltmp0, $4  }
0x8: {  	s2 =	sadd.s32 $0xE00, s4;
	s3 =	sadd.s32 $0x187E00, s4;
	s7 =	ssub.s32 $0x2, s6;
	v4 =	vunpack.c.0.s8.s32 v4;
	v5 =	vunpack.c.0.s8.s32 v5;
	v6 =	vunpack.c.0.s8.s32 v6  }
0x9: {  	s5 =	sadd.s32 $0x18BE00, s4;
	s4 =	stileid.u32;
	s8 =	sshrl.u32 s7, $0x1;
	v7 =	vunpack.c.0.s8.s32 v7;
	v0 =	vcombine.low v1, v0  }
0xa: {  	_ =	strace $0x80000047;
	s6 =	sshll.u32 s6, $0x9;
	s9 =	ssub.s32 s7, s8;
	v1 =	vcombine.low v3, v2;
	v2 =	vcombine.low v5, v4;
	v4 =	vand.u32 $0xF, v6  }
0xb: {  	s7 =	smul.u32 $0xC3800, s4;
	s8 =	sshll.u32 s4, $0xD;
	s9 =	smax.u32 s9, $0x1;
	v3 =	vimm.s32 $0x0;
	v5 =	vlaneseq.u32;
	v4 =	vcombine.low v4, v7  }
.LBB2_90:
0xc: {  	s1 =	sadd.s32 $0x1, s1  }
0xd: {  	p0 =	sne.s32 s1, s9  }
.Ltmp1:
0xe: {  	_ = 	snop;
	(pc) =	sbr.rel @!p0 .LBB2_91-.Ltmp1, $1  }
0xf: {  	_ =	sdelay $0x3  }
.LBB2_1:
.Ltmp2:
0x10: {  	(pc) =	sbr.rel .LBB2_2-.Ltmp2, $2  }
0x11: {  	_ =	sdelay $0x2  }
0x12: {  	s15 =	simm.s32 $0x0  }
.LBB2_89:
0x13: {  	s16 =	sadd.s32 s8, s16  }
0x14: {  	s16 =	sshrl.u32 s16, $0x3  }
0x15: {  	s17 =	sadd.s32 s3, s16  }
0x16: {  	[hbm4b:s17+s10] =	stream.strided.scatter [tilespmem:s13], [sflag:$0x1], $0x400, s11, s10, $0x38;
	[tilespmem:$0x18F00] =	vst v63  }
0x17: {  	s15 =	sadd.s32 $0x1, s15;
	_ =	swait.ge [sflag:s12], $0x400  }
0x18: {  	p0 =	sne.s32 s15, $0x4;
	[sflag:s12] =	ssyncset.done $0x0  }
.Ltmp3:
0x19: {  	s16 =	sadd.s32 s5, s16;
	[sflag:s12] =	ssyncadd.s32 $0xFFFFFC00;
	(pc) =	sbr.rel @!p0 .LBB2_90-.Ltmp3, $4  }
0x1a: {  	[hbm4b:s16+s10] =	stream.strided.scatter [tilespmem:s14], [sflag:$0x1], $0x400, s11, s10, $0x38;
	[tilespmem:$0x18F00] =	vst v63  }
0x1b: {  	_ =	swait.ge [sflag:s12], $0x400  }
0x1c: {  	[sflag:s12] =	ssyncset.done $0x0  }
0x1d: {  	[sflag:s12] =	ssyncadd.s32 $0xFFFFFC00  }
.LBB2_2:
0x1e: {  	s16 =	sshll.u32 s15, $0x7  }
0x1f: {  	s16 =	sadd.s32 s6, s16  }
0x20: {  	s17 =	sadd.s32 s7, s16  }
0x21: {  	s17 =	sshrl.u32 s17, $0x3  }
0x22: {  	s18 =	sadd.s32 s2, s17;
	s17 =	simm.s32 $0x0  }
0x23: {  	[tilespmem:s17], [sflag:$0x1] =	stream.strided.gather [hbm4b:s18+s10], $0x18700, s11, s10, $0x38;
	[tilespmem:$0x18F00] =	vst v63  }
0x24: {  	_ =	swait.ge [sflag:s12], $0x18700  }
0x25: {  	[sflag:s12] =	ssyncset.done $0x0  }
0x26: {  	s18 =	simm.s32 $0x0;
	[sflag:s12] =	ssyncadd.s32 $0xFFFE7900  }
.LBB2_3:
0x27: {  	p0 =	sne.s32 s18, $0xFC0  }
.Ltmp4:
0x28: {  	_ = 	snop;
	(pc) =	sbr.rel @p0 .LBB2_3-.Ltmp4, $4  }
0x29: {  	_ = 	snop  }
0x2a: {  	s19 =	sshra.s32 s18, $0x2;
	v6 =	vimm.f32 $-3.000000010e+38  }
0x2b: {  	[tilespmem:s19+$0x18700] =	vst v6  }
0x2c: {  	s18 =	sadd.s32 $0x40, s18;
	[tilespmem:s19+$0x18B00] =	vst v3  }
0x2d: {  	s18 =	simm.s32 $0xC0  }
0x2e: {  	v7 =	vld [tilespmem:s18+$0xFFFFFF40]  }
0x2f: {  	v8 =	vld [tilespmem:s18+$0xFFFFFF50]  }
0x30: {  	v9 =	vld [tilespmem:s18+$0xFFFFFF60]  }
0x31: {  	v10 =	vld [tilespmem:s18+$0xFFFFFF70]  }
0x32: {  	v11 =	vld [tilespmem:s18+$0xFFFFFF80]  }
0x33: {  	v12 =	vld [tilespmem:s18+$0xFFFFFF90]  }
0x34: {  	v13 =	vld [tilespmem:s18+$0xFFFFFFA0]  }
0x35: {  	s17 =	sand.u32 $0x1FFF0, s17;
	v14 =	vld [tilespmem:s18+$0xFFFFFFB0]  }
0x36: {  	v15 =	vld [tilespmem:s17+$0x80]  }
0x37: {  	v16 =	vld [tilespmem:s18+$0xFFFFFFD0]  }
0x38: {  	v17 =	vld [tilespmem:s18+$0xFFFFFFE0]  }
0x39: {  	v18 =	vld [tilespmem:s18+$0xFFFFFFF0]  }
0x3a: {  	v19 =	vld [tilespmem:s18+$0x0]  }
0x3b: {  	v20 =	vld [tilespmem:s18+$0x10]  }
0x3c: {  	v21 =	vld [tilespmem:s18+$0x20]  }
0x3d: {  	v22 =	vld [tilespmem:s18+$0x30]  }
0x3e: {  	v23 =	vld [tilespmem:s17+$0x100]  }
0x3f: {  	v24 =	vld [tilespmem:s18+$0x50]  }
0x40: {  	v25 =	vld [tilespmem:s18+$0x60]  }
0x41: {  	v26 =	vld [tilespmem:s18+$0x70]  }
0x42: {  	v27 =	vld [tilespmem:s18+$0x80]  }
0x43: {  	v28 =	vld [tilespmem:s18+$0x90]  }
0x44: {  	v29 =	vld [tilespmem:s18+$0xA0]  }
0x45: {  	v7 =	vmax.f32 v7, v8;
	v8 =	vld [tilespmem:s18+$0xB0]  }
0x46: {  	s30 =	simm.s32 $0x250;
	v7 =	vmax.f32 v7, v9;
	v9 =	vld [tilespmem:s17+$0x180]  }
0x47: {  	v7 =	vmax.f32 v7, v10;
	v10 =	vld [tilespmem:s30+$0xFFFFFF40]  }
0x48: {  	v7 =	vmax.f32 v7, v11;
	v11 =	vld [tilespmem:s30+$0xFFFFFF50]  }
0x49: {  	v7 =	vmax.f32 v7, v12;
	v12 =	vld [tilespmem:s30+$0xFFFFFF60]  }
0x4a: {  	v7 =	vmax.f32 v7, v13;
	v13 =	vld [tilespmem:s30+$0xFFFFFF70]  }
0x4b: {  	v7 =	vmax.f32 v7, v14;
	v14 =	vld [tilespmem:s30+$0xFFFFFF80]  }
0x4c: {  	v7 =	vmax.f32 v7, v15;
	v15 =	vld [tilespmem:s30+$0xFFFFFF90]  }
0x4d: {  	s31 =	simm.s32 $0x190;
	v7 =	vmax.f32 v7, v16;
	v10 =	vmax.f32 v10, v11;
	v11 =	vld [tilespmem:s30+$0xFFFFFFA0]  }
0x4e: {  	s18 =	sand.u32 $0x1FFF0, s31;
	v7 =	vmax.f32 v7, v17;
	v10 =	vmax.f32 v10, v12;
	v12 =	vld [tilespmem:s30+$0xFFFFFFB0]  }
0x4f: {  	v7 =	vmax.f32 v7, v18;
	v10 =	vmax.f32 v10, v13;
	v13 =	vld [tilespmem:s18+$0x80]  }
0x50: {  	v7 =	vmax.f32 v7, v19;
	v10 =	vmax.f32 v10, v14;
	v14 =	vld [tilespmem:s30+$0xFFFFFFD0]  }
0x51: {  	v7 =	vmax.f32 v7, v20;
	v10 =	vmax.f32 v10, v15;
	v15 =	vld [tilespmem:s30+$0xFFFFFFE0]  }
0x52: {  	v7 =	vmax.f32 v7, v21;
	v10 =	vmax.f32 v10, v11;
	v11 =	vld [tilespmem:s30+$0xFFFFFFF0]  }
0x53: {  	v7 =	vmax.f32 v7, v22;
	v10 =	vmax.f32 v10, v12;
	v12 =	vld [tilespmem:s30+$0x0]  }
0x54: {  	v7 =	vmax.f32 v7, v23;
	v10 =	vmax.f32 v10, v13;
	v13 =	vld [tilespmem:s30+$0x10]  }
0x55: {  	v7 =	vmax.f32 v7, v24;
	v10 =	vmax.f32 v10, v14;
	v14 =	vld [tilespmem:s30+$0x20]  }
0x56: {  	v7 =	vmax.f32 v7, v25;
	v10 =	vmax.f32 v10, v15;
	v15 =	vld [tilespmem:s30+$0x30]  }
0x57: {  	v7 =	vmax.f32 v7, v26;
	v10 =	vmax.f32 v10, v11;
	v11 =	vld [tilespmem:s18+$0x100]  }
0x58: {  	v7 =	vmax.f32 v7, v27;
	v10 =	vmax.f32 v10, v12;
	v12 =	vld [tilespmem:s30+$0x50]  }
0x59: {  	v16 =	vld [tilespmem:s30+$0x60];
	v7 =	vmax.f32 v7, v28;
	v10 =	vmax.f32 v10, v13  }
0x5a: {  	v17 =	vld [tilespmem:s30+$0x70];
	v7 =	vmax.f32 v7, v29;
	v10 =	vmax.f32 v10, v14  }
0x5b: {  	v18 =	vld [tilespmem:s30+$0x80];
	v7 =	vmax.f32 v7, v8;
	v8 =	vmax.f32 v10, v15  }
0x5c: {  	v9 =	vmax.f32 v7, v9;
	v7 =	vmax.f32 v8, v11;
	v11 =	vld [tilespmem:s30+$0x90]  }
0x5d: {  	v13 =	vld [tilespmem:s30+$0xA0];
	v10 =	vmin.f32 v6, v9;
	v8 =	vmax.f32 v7, v12  }
0x5e: {  	v14 =	vld [tilespmem:s30+$0xB0];
	v7 =	vmin.f32 v6, v10;
	v8 =	vmax.f32 v8, v16  }
0x5f: {  	s17 =	simm.s32 $0x3E0;
	v15 =	vld [tilespmem:s18+$0x180];
	v12 =	vmin.f32 v6, v7;
	v16 =	vmax.f32 v8, v17  }
0x60: {  	v17 =	vld [tilespmem:s17+$0xFFFFFF40];
	v8 =	vmax.f32 v6, v12;
	v12 =	vmax.f32 v16, v18  }
0x61: {  	s19 =	simm.s32 $0x4B0;
	s18 =	simm.s32 $0x320;
	v18 =	vld [tilespmem:s17+$0xFFFFFF50];
	v16 =	vmax.f32 v12, v11;
	v12 =	vimm.f32 $-3.000000010e+38;
	v11 =	vimm.f32 $-3.000000010e+38  }
.LBB2_5:
0x62: {  	p0 =	sne.s32 s19, $0x18510;
	v19 =	vld [tilespmem:s17+$0xFFFFFF60];
	v13 =	vmax.f32 v16, v13  }
0x63: {  	v16 =	vld [tilespmem:s17+$0xFFFFFF70];
	v13 =	vmax.f32 v13, v14  }
0x64: {  	v6 =	vmax.f32 v6, v9;
	v14 =	vld [tilespmem:s17+$0xFFFFFF80];
	v9 =	vmax.f32 v13, v15  }
0x65: {  	v12 =	vmax.f32 v12, v10;
	v13 =	vld [tilespmem:s17+$0xFFFFFF90];
	v10 =	vmin.f32 v6, v9  }
0x66: {  	v11 =	vmax.f32 v11, v7;
	v15 =	vmax.f32 v17, v18;
	v17 =	vld [tilespmem:s17+$0xFFFFFFA0];
	v7 =	vmin.f32 v12, v10  }
0x67: {  	s20 =	sand.u32 $0x1FFF0, s18;
	s18 =	smov.u32 s19;
	v15 =	vmax.f32 v15, v19;
	v18 =	vld [tilespmem:s17+$0xFFFFFFB0];
	v19 =	vmin.f32 v11, v7  }
0x68: {  	v15 =	vmax.f32 v15, v16;
	v16 =	vld [tilespmem:s20+$0x80];
	v8 =	vmax.f32 v8, v19  }
0x69: {  	v14 =	vmax.f32 v15, v14;
	v15 =	vld [tilespmem:s17+$0xFFFFFFD0]  }
0x6a: {  	v13 =	vmax.f32 v14, v13;
	v14 =	vld [tilespmem:s17+$0xFFFFFFE0]  }
0x6b: {  	v13 =	vmax.f32 v13, v17;
	v17 =	vld [tilespmem:s17+$0xFFFFFFF0]  }
0x6c: {  	v13 =	vmax.f32 v13, v18;
	v18 =	vld [tilespmem:s17+$0x0]  }
0x6d: {  	v13 =	vmax.f32 v13, v16;
	v16 =	vld [tilespmem:s17+$0x10]  }
0x6e: {  	v13 =	vmax.f32 v13, v15;
	v15 =	vld [tilespmem:s17+$0x20]  }
0x6f: {  	v13 =	vmax.f32 v13, v14;
	v14 =	vld [tilespmem:s17+$0x30]  }
0x70: {  	v13 =	vmax.f32 v13, v17;
	v17 =	vld [tilespmem:s20+$0x100]  }
0x71: {  	v13 =	vmax.f32 v13, v18;
	v18 =	vld [tilespmem:s17+$0x50]  }
0x72: {  	v13 =	vmax.f32 v13, v16;
	v16 =	vld [tilespmem:s17+$0x60]  }
0x73: {  	v13 =	vmax.f32 v13, v15;
	v15 =	vld [tilespmem:s17+$0x70]  }
0x74: {  	v13 =	vmax.f32 v13, v14;
	v19 =	vld [tilespmem:s17+$0x80]  }
0x75: {  	v13 =	vmax.f32 v13, v17;
	v20 =	vld [tilespmem:s17+$0x90]  }
.Ltmp5:
0x76: {  	v14 =	vmax.f32 v13, v18;
	v13 =	vld [tilespmem:s17+$0xA0];
	(pc) =	sbr.rel @p0 .LBB2_5-.Ltmp5, $4  }
0x77: {  	v16 =	vmax.f32 v14, v16;
	v14 =	vld [tilespmem:s17+$0xB0]  }
0x78: {  	s17 =	sadd.s32 $0x190, s17;
	v16 =	vmax.f32 v16, v15;
	v15 =	vld [tilespmem:s20+$0x180]  }
0x79: {  	v17 =	vld [tilespmem:s17+$0xFFFFFF40];
	v16 =	vmax.f32 v16, v19  }
0x7a: {  	s19 =	sadd.s32 $0x190, s19;
	v18 =	vld [tilespmem:s17+$0xFFFFFF50];
	v16 =	vmax.f32 v16, v20  }
0x7b: {  	v19 =	vld [tilespmem:s17+$0xFFFFFF60]  }
0x7c: {  	v20 =	vld [tilespmem:s17+$0xFFFFFF70]  }
0x7d: {  	v21 =	vld [tilespmem:s17+$0xFFFFFF80]  }
0x7e: {  	v22 =	vld [tilespmem:s17+$0xFFFFFF90]  }
0x7f: {  	v39 =	vld [tilespmem:s17+$0xFFFFFFA0];
	v17 =	vmax.f32 v17, v18  }
0x80: {  	v40 =	vld [tilespmem:s17+$0xFFFFFFB0];
	s18 =	sand.u32 $0x1FFF0, s18;
	v17 =	vmax.f32 v17, v19  }
0x81: {  	v41 =	vld [tilespmem:s18+$0x80];
	v17 =	vmax.f32 v17, v20  }
0x82: {  	v42 =	vld [tilespmem:s17+$0xFFFFFFD0];
	v17 =	vmax.f32 v17, v21  }
0x83: {  	v43 =	vld [tilespmem:s17+$0xFFFFFFE0];
	v17 =	vmax.f32 v17, v22  }
0x84: {  	v44 =	vld [tilespmem:s17+$0xFFFFFFF0];
	v17 =	vmax.f32 v17, v39  }
0x85: {  	v45 =	vld [tilespmem:s17+$0x0];
	v17 =	vmax.f32 v17, v40  }
0x86: {  	v46 =	vld [tilespmem:s17+$0x10];
	v17 =	vmax.f32 v17, v41  }
0x87: {  	v47 =	vld [tilespmem:s17+$0x20];
	v17 =	vmax.f32 v17, v42  }
0x88: {  	v48 =	vld [tilespmem:s17+$0x30];
	v17 =	vmax.f32 v17, v43  }
0x89: {  	v49 =	vld [tilespmem:s18+$0x100];
	v17 =	vmax.f32 v17, v44  }
0x8a: {  	v50 =	vld [tilespmem:s17+$0x50];
	v17 =	vmax.f32 v17, v45  }
0x8b: {  	v51 =	vld [tilespmem:s17+$0x60];
	v17 =	vmax.f32 v17, v46  }
0x8c: {  	v52 =	vld [tilespmem:s17+$0x70];
	v17 =	vmax.f32 v17, v47  }
0x8d: {  	v53 =	vld [tilespmem:s17+$0x80];
	v17 =	vmax.f32 v17, v48  }
0x8e: {  	v54 =	vld [tilespmem:s17+$0x90];
	v17 =	vmax.f32 v17, v49  }
0x8f: {  	v55 =	vld [tilespmem:s17+$0xA0];
	v17 =	vmax.f32 v17, v50  }
0x90: {  	v56 =	vld [tilespmem:s17+$0xB0];
	v17 =	vmax.f32 v17, v51  }
0x91: {  	v57 =	vld [tilespmem:s18+$0x180];
	v17 =	vmax.f32 v17, v52  }
0x92: {  	v58 =	vmax.f32 v17, v53  }
0x93: {  	v13 =	vmax.f32 v16, v13;
	v6 =	vmax.f32 v6, v9;
	v59 =	vmax.f32 v58, v54  }
0x94: {  	v10 =	vmax.f32 v12, v10;
	v13 =	vmax.f32 v13, v14;
	v60 =	vmax.f32 v59, v55  }
0x95: {  	v7 =	vmax.f32 v11, v7;
	v13 =	vmax.f32 v13, v15;
	v9 =	vmax.f32 v60, v56  }
0x96: {  	v61 =	vmin.f32 v6, v13;
	v6 =	vmax.f32 v6, v13;
	v9 =	vmax.f32 v9, v57  }
0x97: {  	v12 =	vmin.f32 v10, v61;
	v62 =	vmax.f32 v10, v61;
	v6 =	vmin.f32 v6, v9  }
0x98: {  	v63 =	vmin.f32 v7, v12;
	v7 =	vmax.f32 v7, v12;
	v6 =	vmin.f32 v62, v6  }
0x99: {  	v8 =	vmax.f32 v8, v63;
	v6 =	vmin.f32 v7, v6  }
0x9a: {  	v6 =	vmax.f32 v8, v6  }
0x9b: {  	v7 =	vperm.xlane v6, v0;
	_ =	sdelay $0x1  }
0x9c: {  	v6 =	vmin.f32 v6, v7  }
0x9d: {  	v7 =	vperm.xlane v6, v1;
	_ =	sdelay $0x1  }
0x9e: {  	v6 =	vmin.f32 v6, v7  }
0x9f: {  	v7 =	vperm.xlane v6, v2  }
.Ltmp6:
0xa0: {  	_ = 	snop;
	(pc) =	sbr.rel .LBB2_7-.Ltmp6, $4  }
0xa1: {  	v6 =	vmin.f32 v6, v7  }
0xa2: {  	v7 =	vperm.xlane v6, v4  }
0xa3: {  	s18 =	simm.s32 $0x0  }
0xa4: {  	s17 =	simm.s32 $0x0;
	[smem:$0x0] =	sst s18;
	v6 =	vmin.f32 v6, v7  }
.LBB2_82:
0xa5: {  	s20 =	smov.u32 s19  }
.LBB2_87:
0xa6: {  	vm0 =	veq.s32 v8, $0x0  }
0xa7: {  	v8 =	vsel vm0, $0xF, v5  }
0xa8: {  	v11 =	vperm.xlane v8, v0;
	_ =	sdelay $0x1  }
0xa9: {  	vm0 =	vlt.s32 v8, v11  }
0xaa: {  	v8 =	vsel vm0, v8, v11  }
0xab: {  	v11 =	vperm.xlane v8, v1;
	_ =	sdelay $0x1  }
0xac: {  	vm0 =	vlt.s32 v8, v11  }
0xad: {  	v8 =	vsel vm0, v8, v11  }
0xae: {  	v11 =	vperm.xlane v8, v2;
	_ =	sdelay $0x1  }
0xaf: {  	vm0 =	vlt.s32 v8, v11  }
0xb0: {  	v8 =	vsel vm0, v8, v11  }
0xb1: {  	v11 =	vperm.xlane v8, v4;
	_ =	sdelay $0x1  }
0xb2: {  	vm0 =	vlt.s32 v8, v11  }
0xb3: {  	v8 =	vsel vm0, v8, v11  }
0xb4: {  	[tilespmem:s21+$0x18700] =	vst @p0 v10;
	v7 =	vperm.xlane v7, v8;
	v8 =	vadd.s32 v9, v8  }
0xb5: {  	[tilespmem:s18+$0x18B00] =	vst v8  }
0xb6: {  	[tilespmem:s18+$0x18700] =	vst v7;
	s18 =	smov.u32 s20  }
.LBB2_88:
0xb7: {  	s17 =	sadd.s32 $0x1, s17  }
0xb8: {  	p0 =	sne.s32 s17, $0x271  }
.Ltmp7:
0xb9: {  	_ = 	snop;
	(pc) =	sbr.rel @!p0 .LBB2_89-.Ltmp7, $1  }
0xba: {  	_ =	sdelay $0x3  }
.LBB2_7:
0xbb: {  	s19 =	smul.u32 $0xA0, s17;
	_ =	sdelay $0x1  }
0xbc: {  	v16 =	vld [tilespmem:s19+$0x0]  }
0xbd: {  	v15 =	vld [tilespmem:s19+$0x10]  }
0xbe: {  	v14 =	vld [tilespmem:s19+$0x20]  }
0xbf: {  	v13 =	vld [tilespmem:s19+$0x30]  }
0xc0: {  	v12 =	vld [tilespmem:s19+$0x40]  }
0xc1: {  	v11 =	vld [tilespmem:s19+$0x50];
	s20 =	sadd.s32 $0x80, s19  }
0xc2: {  	v10 =	vld [tilespmem:s19+$0x60];
	s22 =	sand.u32 $0x60, s19;
	s21 =	sand.u32 $0x7FF80, s20;
	v7 =	vmax.f32 v16, v15  }
0xc3: {  	v9 =	vld [tilespmem:s19+$0x70];
	s21 =	sor.u32 s22, s21;
	v7 =	vmax.f32 v7, v14  }
0xc4: {  	v8 =	vld [tilespmem:s21+$0x0];
	v17 =	vmax.f32 v7, v13  }
0xc5: {  	v7 =	vld [tilespmem:s19+$0x90];
	v17 =	vmax.f32 v17, v12  }
0xc6: {  	v17 =	vmax.f32 v17, v11  }
0xc7: {  	v17 =	vmax.f32 v17, v10  }
0xc8: {  	v17 =	vmax.f32 v17, v9  }
0xc9: {  	v17 =	vmax.f32 v17, v8  }
0xca: {  	v17 =	vmax.f32 v17, v7  }
0xcb: {  	vm0 =	vge.f32 v17, v6  }
0xcc: {  	v17 =	vsel vm0, $0x1, v3  }
0xcd: {  	v18 =	vperm.xlane v17, v0;
	_ =	sdelay $0x1  }
0xce: {  	v17 =	vor.u32 v17, v18  }
0xcf: {  	v18 =	vperm.xlane v17, v1;
	_ =	sdelay $0x1  }
0xd0: {  	v17 =	vor.u32 v18, v17  }
0xd1: {  	v18 =	vperm.xlane v17, v2;
	_ =	sdelay $0x1  }
0xd2: {  	v17 =	vor.u32 v18, v17  }
0xd3: {  	v18 =	vperm.xlane v17, v4;
	_ =	sdelay $0x1  }
0xd4: {  	v17 =	vor.u32 v18, v17  }
0xd5: {  	(v2sf) =	vpush v17, $0x0;
	_ =	sdelay $0xe  }
0xd6: {  	s31 =	spop (v2sf)  }
0xd7: {  	p0 =	slt.s32 s31, $0x1  }
.Ltmp8:
0xd8: {  	_ = 	snop;
	(pc) =	sbr.rel @p0 .LBB2_88-.Ltmp8, $1  }
0xd9: {  	_ =	sdelay $0x3  }
0xda: {  	vm0 =	vge.f32 v16, v6  }
0xdb: {  	v17 =	vsel vm0, $0x1, v3  }
0xdc: {  	v18 =	vperm.xlane v17, v0;
	_ =	sdelay $0x1  }
0xdd: {  	v18 =	vadd.s32 v17, v18  }
0xde: {  	v19 =	vperm.xlane v18, v1;
	_ =	sdelay $0x1  }
0xdf: {  	v18 =	vadd.s32 v19, v18  }
0xe0: {  	v19 =	vperm.xlane v18, v2;
	_ =	sdelay $0x1  }
0xe1: {  	v18 =	vadd.s32 v19, v18  }
0xe2: {  	v19 =	vperm.xlane v18, v4;
	_ =	sdelay $0x1  }
0xe3: {  	v18 =	vadd.s32 v19, v18  }
0xe4: {  	(v2sf) =	vpush v18, $0x0;
	_ =	sdelay $0xe  }
0xe5: {  	s22 =	spop (v2sf)  }
0xe6: {  	p0 =	slt.s32 s22, $0x1  }
.Ltmp9:
0xe7: {  	_ = 	snop;
	(pc) =	sbr.rel @p0 .LBB2_16-.Ltmp9, $1  }
0xe8: {  	_ =	sdelay $0x3  }
0xe9: {  	p1 =	sne.s32 s22, $0x1  }
.Ltmp10:
0xea: {  	_ = 	snop;
	(pc) =	sbr.rel @!p1 .LBB2_10-.Ltmp10, $4  }
0xeb: {  	p0 =	slt.s32 s18, $0x3F0  }
0xec: {  	s18 =	simm.s32 @!p0 $0x3F0  }
0xed: {  	s21 =	sadd.s32 $0x1, s18  }
0xee: {  	v18 =	vmov s19;
	s23 =	sadd.s32 $0xFFFFFFFF, s22;
	p0 =	por $0x0, $0x0;
	[smem:$0x0] =	sst s21  }
0xef: {  	vm0 =	veq.s32 v17, $0x0  }
0xf0: {  	v19 =	vsel vm0, $0xF, v5  }
0xf1: {  	v20 =	vperm.xlane v19, v0;
	_ =	sdelay $0x1  }
0xf2: {  	vm0 =	vlt.s32 v19, v20  }
0xf3: {  	v19 =	vsel vm0, v19, v20  }
0xf4: {  	v20 =	vperm.xlane v19, v1;
	_ =	sdelay $0x1  }
0xf5: {  	vm0 =	vlt.s32 v19, v20  }
0xf6: {  	v19 =	vsel vm0, v19, v20  }
0xf7: {  	v20 =	vperm.xlane v19, v2;
	_ =	sdelay $0x1  }
0xf8: {  	vm0 =	vlt.s32 v19, v20  }
0xf9: {  	v19 =	vsel vm0, v19, v20  }
0xfa: {  	p1 =	sne.s32 s23, $0x1;
	v20 =	vperm.xlane v19, v4  }
.Ltmp11:
0xfb: {  	_ = 	snop;
	(pc) =	sbr.rel @!p1 .LBB2_12-.Ltmp11, $4  }
0xfc: {  	p0 =	slt.s32 s21, $0x3F0;
	vm0 =	vlt.s32 v19, v20  }
0xfd: {  	s21 =	simm.s32 @!p0 $0x3F0;
	v19 =	vsel vm0, v19, v20  }
0xfe: {  	s22 =	sadd.s32 $0x1, s21;
	v20 =	vadd.s32 v18, v19;
	vm0 =	veq.s32 v19, v5  }
0xff: {  	s23 =	sadd.s32 $0xFFFFFFFF, s23;
	p0 =	por $0x1, $0x1;
	[smem:$0x0] =	sst s22;
	v19 =	vperm.xlane v16, v19;
	[tilespmem:s18+$0x18B00] =	vst v20;
	v17 =	vsel vm0, $0x0, v17  }
.LBB2_13:
0x100: {  	p2 =	slt.s32 s22, $0x3F0  }
0x101: {  	p1 =	sne.s32 s23, $0x1;
	vm0 =	veq.s32 v17, $0x0;
	[tilespmem:s18+$0x18700] =	vst v19;
	s18 =	smov.u32 s21;
	s21 =	smov.u32 s22  }
0x102: {  	s21 =	simm.s32 @!p2 $0x3F0;
	v19 =	vsel vm0, $0xF, v5  }
0x103: {  	s22 =	sadd.s32 $0x1, s21;
	v20 =	vperm.xlane v19, v0  }
0x104: {  	[smem:$0x0] =	sst s22  }
0x105: {  	vm0 =	vlt.s32 v19, v20  }
0x106: {  	v19 =	vsel vm0, v19, v20  }
0x107: {  	v20 =	vperm.xlane v19, v1;
	_ =	sdelay $0x1  }
0x108: {  	vm0 =	vlt.s32 v19, v20  }
0x109: {  	v19 =	vsel vm0, v19, v20  }
0x10a: {  	v20 =	vperm.xlane v19, v2;
	_ =	sdelay $0x1  }
0x10b: {  	vm0 =	vlt.s32 v19, v20  }
0x10c: {  	v19 =	vsel vm0, v19, v20  }
0x10d: {  	v20 =	vperm.xlane v19, v4  }
.Ltmp12:
0x10e: {  	(pc) =	sbr.rel @p1 .LBB2_13-.Ltmp12, $4  }
0x10f: {  	vm0 =	vlt.s32 v19, v20  }
0x110: {  	v20 =	vsel vm0, v19, v20  }
0x111: {  	v19 =	vperm.xlane v16, v20;
	v21 =	vadd.s32 v18, v20;
	vm0 =	veq.s32 v20, v5  }
0x112: {  	s23 =	sadd.s32 $0xFFFFFFFF, s23;
	[tilespmem:s18+$0x18B00] =	vst v21;
	v17 =	vsel vm0, $0x0, v17  }
0x113: {  	s23 =	smov.u32 s18;
	s18 =	smov.u32 s21  }
.LBB2_15:
0x114: {  	vm0 =	veq.s32 v17, $0x0  }
0x115: {  	v17 =	vsel vm0, $0xF, v5  }
0x116: {  	v20 =	vperm.xlane v17, v0;
	_ =	sdelay $0x1  }
0x117: {  	vm0 =	vlt.s32 v17, v20  }
0x118: {  	v17 =	vsel vm0, v17, v20  }
0x119: {  	v20 =	vperm.xlane v17, v1;
	_ =	sdelay $0x1  }
0x11a: {  	vm0 =	vlt.s32 v17, v20  }
0x11b: {  	v17 =	vsel vm0, v17, v20  }
0x11c: {  	v20 =	vperm.xlane v17, v2;
	_ =	sdelay $0x1  }
0x11d: {  	vm0 =	vlt.s32 v17, v20  }
0x11e: {  	v17 =	vsel vm0, v17, v20  }
0x11f: {  	v20 =	vperm.xlane v17, v4;
	_ =	sdelay $0x1  }
0x120: {  	vm0 =	vlt.s32 v17, v20  }
0x121: {  	v17 =	vsel vm0, v17, v20  }
0x122: {  	[tilespmem:s23+$0x18700] =	vst @p0 v19;
	v16 =	vperm.xlane v16, v17;
	v17 =	vadd.s32 v18, v17  }
0x123: {  	[tilespmem:s18+$0x18B00] =	vst v17  }
0x124: {  	[tilespmem:s18+$0x18700] =	vst v16;
	s18 =	smov.u32 s22  }
.LBB2_16:
0x125: {  	vm0 =	vge.f32 v15, v6  }
0x126: {  	v16 =	vsel vm0, $0x1, v3  }
0x127: {  	v17 =	vperm.xlane v16, v0;
	_ =	sdelay $0x1  }
0x128: {  	v17 =	vadd.s32 v16, v17  }
0x129: {  	v18 =	vperm.xlane v17, v1;
	_ =	sdelay $0x1  }
0x12a: {  	v17 =	vadd.s32 v18, v17  }
0x12b: {  	v18 =	vperm.xlane v17, v2;
	_ =	sdelay $0x1  }
0x12c: {  	v17 =	vadd.s32 v18, v17  }
0x12d: {  	v18 =	vperm.xlane v17, v4;
	_ =	sdelay $0x1  }
0x12e: {  	v17 =	vadd.s32 v18, v17  }
0x12f: {  	(v2sf) =	vpush v17, $0x0;
	_ =	sdelay $0xe  }
0x130: {  	s22 =	spop (v2sf)  }
0x131: {  	p0 =	slt.s32 s22, $0x1  }
.Ltmp13:
0x132: {  	_ = 	snop;
	(pc) =	sbr.rel @p0 .LBB2_24-.Ltmp13, $1  }
0x133: {  	_ =	sdelay $0x3  }
0x134: {  	p1 =	sne.s32 s22, $0x1  }
.Ltmp14:
0x135: {  	_ = 	snop;
	(pc) =	sbr.rel @!p1 .LBB2_18-.Ltmp14, $4  }
0x136: {  	p0 =	slt.s32 s18, $0x3F0  }
0x137: {  	s18 =	simm.s32 @!p0 $0x3F0  }
0x138: {  	s23 =	sor.u32 $0x10, s19;
	s21 =	sadd.s32 $0x1, s18  }
0x139: {  	v17 =	vmov s23;
	s23 =	sadd.s32 $0xFFFFFFFF, s22;
	p0 =	por $0x0, $0x0;
	[smem:$0x0] =	sst s21  }
0x13a: {  	vm0 =	veq.s32 v16, $0x0  }
0x13b: {  	v18 =	vsel vm0, $0xF, v5  }
0x13c: {  	v19 =	vperm.xlane v18, v0;
	_ =	sdelay $0x1  }
0x13d: {  	vm0 =	vlt.s32 v18, v19  }
0x13e: {  	v18 =	vsel vm0, v18, v19  }
0x13f: {  	v19 =	vperm.xlane v18, v1;
	_ =	sdelay $0x1  }
0x140: {  	vm0 =	vlt.s32 v18, v19  }
0x141: {  	v18 =	vsel vm0, v18, v19  }
0x142: {  	v19 =	vperm.xlane v18, v2;
	_ =	sdelay $0x1  }
0x143: {  	vm0 =	vlt.s32 v18, v19  }
0x144: {  	v18 =	vsel vm0, v18, v19  }
0x145: {  	p1 =	sne.s32 s23, $0x1;
	v19 =	vperm.xlane v18, v4  }
.Ltmp15:
0x146: {  	_ = 	snop;
	(pc) =	sbr.rel @!p1 .LBB2_20-.Ltmp15, $4  }
0x147: {  	p0 =	slt.s32 s21, $0x3F0;
	vm0 =	vlt.s32 v18, v19  }
0x148: {  	s21 =	simm.s32 @!p0 $0x3F0;
	v18 =	vsel vm0, v18, v19  }
0x149: {  	s22 =	sadd.s32 $0x1, s21;
	v19 =	vadd.s32 v17, v18;
	vm0 =	veq.s32 v18, v5  }
0x14a: {  	s23 =	sadd.s32 $0xFFFFFFFF, s23;
	p0 =	por $0x1, $0x1;
	[smem:$0x0] =	sst s22;
	v18 =	vperm.xlane v15, v18;
	[tilespmem:s18+$0x18B00] =	vst v19;
	v16 =	vsel vm0, $0x0, v16  }
.LBB2_21:
0x14b: {  	p2 =	slt.s32 s22, $0x3F0  }
0x14c: {  	p1 =	sne.s32 s23, $0x1;
	vm0 =	veq.s32 v16, $0x0;
	[tilespmem:s18+$0x18700] =	vst v18;
	s18 =	smov.u32 s21;
	s21 =	smov.u32 s22  }
0x14d: {  	s21 =	simm.s32 @!p2 $0x3F0;
	v18 =	vsel vm0, $0xF, v5  }
0x14e: {  	s22 =	sadd.s32 $0x1, s21;
	v19 =	vperm.xlane v18, v0  }
0x14f: {  	[smem:$0x0] =	sst s22  }
0x150: {  	vm0 =	vlt.s32 v18, v19  }
0x151: {  	v18 =	vsel vm0, v18, v19  }
0x152: {  	v19 =	vperm.xlane v18, v1;
	_ =	sdelay $0x1  }
0x153: {  	vm0 =	vlt.s32 v18, v19  }
0x154: {  	v18 =	vsel vm0, v18, v19  }
0x155: {  	v19 =	vperm.xlane v18, v2;
	_ =	sdelay $0x1  }
0x156: {  	vm0 =	vlt.s32 v18, v19  }
0x157: {  	v18 =	vsel vm0, v18, v19  }
0x158: {  	v19 =	vperm.xlane v18, v4  }
.Ltmp16:
0x159: {  	(pc) =	sbr.rel @p1 .LBB2_21-.Ltmp16, $4  }
0x15a: {  	vm0 =	vlt.s32 v18, v19  }
0x15b: {  	v19 =	vsel vm0, v18, v19  }
0x15c: {  	v18 =	vperm.xlane v15, v19;
	v20 =	vadd.s32 v17, v19;
	vm0 =	veq.s32 v19, v5  }
0x15d: {  	s23 =	sadd.s32 $0xFFFFFFFF, s23;
	[tilespmem:s18+$0x18B00] =	vst v20;
	v16 =	vsel vm0, $0x0, v16  }
0x15e: {  	s23 =	smov.u32 s18;
	s18 =	smov.u32 s21  }
.LBB2_23:
0x15f: {  	vm0 =	veq.s32 v16, $0x0  }
0x160: {  	v16 =	vsel vm0, $0xF, v5  }
0x161: {  	v19 =	vperm.xlane v16, v0;
	_ =	sdelay $0x1  }
0x162: {  	vm0 =	vlt.s32 v16, v19  }
0x163: {  	v16 =	vsel vm0, v16, v19  }
0x164: {  	v19 =	vperm.xlane v16, v1;
	_ =	sdelay $0x1  }
0x165: {  	vm0 =	vlt.s32 v16, v19  }
0x166: {  	v16 =	vsel vm0, v16, v19  }
0x167: {  	v19 =	vperm.xlane v16, v2;
	_ =	sdelay $0x1  }
0x168: {  	vm0 =	vlt.s32 v16, v19  }
0x169: {  	v16 =	vsel vm0, v16, v19  }
0x16a: {  	v19 =	vperm.xlane v16, v4;
	_ =	sdelay $0x1  }
0x16b: {  	vm0 =	vlt.s32 v16, v19  }
0x16c: {  	v16 =	vsel vm0, v16, v19  }
0x16d: {  	[tilespmem:s23+$0x18700] =	vst @p0 v18;
	v15 =	vperm.xlane v15, v16;
	v16 =	vadd.s32 v17, v16  }
0x16e: {  	[tilespmem:s18+$0x18B00] =	vst v16  }
0x16f: {  	[tilespmem:s18+$0x18700] =	vst v15;
	s18 =	smov.u32 s22  }
.LBB2_24:
0x170: {  	vm0 =	vge.f32 v14, v6  }
0x171: {  	v15 =	vsel vm0, $0x1, v3  }
0x172: {  	v16 =	vperm.xlane v15, v0;
	_ =	sdelay $0x1  }
0x173: {  	v16 =	vadd.s32 v15, v16  }
0x174: {  	v17 =	vperm.xlane v16, v1;
	_ =	sdelay $0x1  }
0x175: {  	v16 =	vadd.s32 v17, v16  }
0x176: {  	v17 =	vperm.xlane v16, v2;
	_ =	sdelay $0x1  }
0x177: {  	v16 =	vadd.s32 v17, v16  }
0x178: {  	v17 =	vperm.xlane v16, v4;
	_ =	sdelay $0x1  }
0x179: {  	v16 =	vadd.s32 v17, v16  }
0x17a: {  	(v2sf) =	vpush v16, $0x0;
	_ =	sdelay $0xe  }
0x17b: {  	s22 =	spop (v2sf)  }
0x17c: {  	p0 =	slt.s32 s22, $0x1  }
.Ltmp17:
0x17d: {  	_ = 	snop;
	(pc) =	sbr.rel @p0 .LBB2_32-.Ltmp17, $1  }
0x17e: {  	_ =	sdelay $0x3  }
0x17f: {  	p1 =	sne.s32 s22, $0x1  }
.Ltmp18:
0x180: {  	_ = 	snop;
	(pc) =	sbr.rel @!p1 .LBB2_26-.Ltmp18, $4  }
0x181: {  	p0 =	slt.s32 s18, $0x3F0  }
0x182: {  	s18 =	simm.s32 @!p0 $0x3F0  }
0x183: {  	s23 =	sadd.s32 $0x20, s19;
	s21 =	sadd.s32 $0x1, s18  }
0x184: {  	v16 =	vmov s23;
	s23 =	sadd.s32 $0xFFFFFFFF, s22;
	p0 =	por $0x0, $0x0;
	[smem:$0x0] =	sst s21  }
0x185: {  	vm0 =	veq.s32 v15, $0x0  }
0x186: {  	v17 =	vsel vm0, $0xF, v5  }
0x187: {  	v18 =	vperm.xlane v17, v0;
	_ =	sdelay $0x1  }
0x188: {  	vm0 =	vlt.s32 v17, v18  }
0x189: {  	v17 =	vsel vm0, v17, v18  }
0x18a: {  	v18 =	vperm.xlane v17, v1;
	_ =	sdelay $0x1  }
0x18b: {  	vm0 =	vlt.s32 v17, v18  }
0x18c: {  	v17 =	vsel vm0, v17, v18  }
0x18d: {  	v18 =	vperm.xlane v17, v2;
	_ =	sdelay $0x1  }
0x18e: {  	vm0 =	vlt.s32 v17, v18  }
0x18f: {  	v17 =	vsel vm0, v17, v18  }
0x190: {  	p1 =	sne.s32 s23, $0x1;
	v18 =	vperm.xlane v17, v4  }
.Ltmp19:
0x191: {  	_ = 	snop;
	(pc) =	sbr.rel @!p1 .LBB2_28-.Ltmp19, $4  }
0x192: {  	p0 =	slt.s32 s21, $0x3F0;
	vm0 =	vlt.s32 v17, v18  }
0x193: {  	s21 =	simm.s32 @!p0 $0x3F0;
	v17 =	vsel vm0, v17, v18  }
0x194: {  	s22 =	sadd.s32 $0x1, s21;
	v18 =	vadd.s32 v16, v17;
	vm0 =	veq.s32 v17, v5  }
0x195: {  	s23 =	sadd.s32 $0xFFFFFFFF, s23;
	p0 =	por $0x1, $0x1;
	[smem:$0x0] =	sst s22;
	v17 =	vperm.xlane v14, v17;
	[tilespmem:s18+$0x18B00] =	vst v18;
	v15 =	vsel vm0, $0x0, v15  }
.LBB2_29:
0x196: {  	p2 =	slt.s32 s22, $0x3F0  }
0x197: {  	p1 =	sne.s32 s23, $0x1;
	vm0 =	veq.s32 v15, $0x0;
	[tilespmem:s18+$0x18700] =	vst v17;
	s18 =	smov.u32 s21;
	s21 =	smov.u32 s22  }
0x198: {  	s21 =	simm.s32 @!p2 $0x3F0;
	v17 =	vsel vm0, $0xF, v5  }
0x199: {  	s22 =	sadd.s32 $0x1, s21;
	v18 =	vperm.xlane v17, v0  }
0x19a: {  	[smem:$0x0] =	sst s22  }
0x19b: {  	vm0 =	vlt.s32 v17, v18  }
0x19c: {  	v17 =	vsel vm0, v17, v18  }
0x19d: {  	v18 =	vperm.xlane v17, v1;
	_ =	sdelay $0x1  }
0x19e: {  	vm0 =	vlt.s32 v17, v18  }
0x19f: {  	v17 =	vsel vm0, v17, v18  }
0x1a0: {  	v18 =	vperm.xlane v17, v2;
	_ =	sdelay $0x1  }
0x1a1: {  	vm0 =	vlt.s32 v17, v18  }
0x1a2: {  	v17 =	vsel vm0, v17, v18  }
0x1a3: {  	v18 =	vperm.xlane v17, v4  }
.Ltmp20:
0x1a4: {  	(pc) =	sbr.rel @p1 .LBB2_29-.Ltmp20, $4  }
0x1a5: {  	vm0 =	vlt.s32 v17, v18  }
0x1a6: {  	v18 =	vsel vm0, v17, v18  }
0x1a7: {  	v17 =	vperm.xlane v14, v18;
	v19 =	vadd.s32 v16, v18;
	vm0 =	veq.s32 v18, v5  }
0x1a8: {  	s23 =	sadd.s32 $0xFFFFFFFF, s23;
	[tilespmem:s18+$0x18B00] =	vst v19;
	v15 =	vsel vm0, $0x0, v15  }
0x1a9: {  	s23 =	smov.u32 s18;
	s18 =	smov.u32 s21  }
.LBB2_31:
0x1aa: {  	vm0 =	veq.s32 v15, $0x0  }
0x1ab: {  	v15 =	vsel vm0, $0xF, v5  }
0x1ac: {  	v18 =	vperm.xlane v15, v0;
	_ =	sdelay $0x1  }
0x1ad: {  	vm0 =	vlt.s32 v15, v18  }
0x1ae: {  	v15 =	vsel vm0, v15, v18  }
0x1af: {  	v18 =	vperm.xlane v15, v1;
	_ =	sdelay $0x1  }
0x1b0: {  	vm0 =	vlt.s32 v15, v18  }
0x1b1: {  	v15 =	vsel vm0, v15, v18  }
0x1b2: {  	v18 =	vperm.xlane v15, v2;
	_ =	sdelay $0x1  }
0x1b3: {  	vm0 =	vlt.s32 v15, v18  }
0x1b4: {  	v15 =	vsel vm0, v15, v18  }
0x1b5: {  	v18 =	vperm.xlane v15, v4;
	_ =	sdelay $0x1  }
0x1b6: {  	vm0 =	vlt.s32 v15, v18  }
0x1b7: {  	v15 =	vsel vm0, v15, v18  }
0x1b8: {  	[tilespmem:s23+$0x18700] =	vst @p0 v17;
	v14 =	vperm.xlane v14, v15;
	v15 =	vadd.s32 v16, v15  }
0x1b9: {  	[tilespmem:s18+$0x18B00] =	vst v15  }
0x1ba: {  	[tilespmem:s18+$0x18700] =	vst v14;
	s18 =	smov.u32 s22  }
.LBB2_32:
0x1bb: {  	vm0 =	vge.f32 v13, v6  }
0x1bc: {  	v14 =	vsel vm0, $0x1, v3  }
0x1bd: {  	v15 =	vperm.xlane v14, v0;
	_ =	sdelay $0x1  }
0x1be: {  	v15 =	vadd.s32 v14, v15  }
0x1bf: {  	v16 =	vperm.xlane v15, v1;
	_ =	sdelay $0x1  }
0x1c0: {  	v15 =	vadd.s32 v16, v15  }
0x1c1: {  	v16 =	vperm.xlane v15, v2;
	_ =	sdelay $0x1  }
0x1c2: {  	v15 =	vadd.s32 v16, v15  }
0x1c3: {  	v16 =	vperm.xlane v15, v4;
	_ =	sdelay $0x1  }
0x1c4: {  	v15 =	vadd.s32 v16, v15  }
0x1c5: {  	(v2sf) =	vpush v15, $0x0;
	_ =	sdelay $0xe  }
0x1c6: {  	s22 =	spop (v2sf)  }
0x1c7: {  	p0 =	slt.s32 s22, $0x1  }
.Ltmp21:
0x1c8: {  	_ = 	snop;
	(pc) =	sbr.rel @p0 .LBB2_40-.Ltmp21, $1  }
0x1c9: {  	_ =	sdelay $0x3  }
0x1ca: {  	p1 =	sne.s32 s22, $0x1  }
.Ltmp22:
0x1cb: {  	_ = 	snop;
	(pc) =	sbr.rel @!p1 .LBB2_34-.Ltmp22, $4  }
0x1cc: {  	p0 =	slt.s32 s18, $0x3F0  }
0x1cd: {  	s18 =	simm.s32 @!p0 $0x3F0  }
0x1ce: {  	s23 =	sadd.s32 $0x30, s19;
	s21 =	sadd.s32 $0x1, s18  }
0x1cf: {  	v15 =	vmov s23;
	s23 =	sadd.s32 $0xFFFFFFFF, s22;
	p0 =	por $0x0, $0x0;
	[smem:$0x0] =	sst s21  }
0x1d0: {  	vm0 =	veq.s32 v14, $0x0  }
0x1d1: {  	v16 =	vsel vm0, $0xF, v5  }
0x1d2: {  	v17 =	vperm.xlane v16, v0;
	_ =	sdelay $0x1  }
0x1d3: {  	vm0 =	vlt.s32 v16, v17  }
0x1d4: {  	v16 =	vsel vm0, v16, v17  }
0x1d5: {  	v17 =	vperm.xlane v16, v1;
	_ =	sdelay $0x1  }
0x1d6: {  	vm0 =	vlt.s32 v16, v17  }
0x1d7: {  	v16 =	vsel vm0, v16, v17  }
0x1d8: {  	v17 =	vperm.xlane v16, v2;
	_ =	sdelay $0x1  }
0x1d9: {  	vm0 =	vlt.s32 v16, v17  }
0x1da: {  	v16 =	vsel vm0, v16, v17  }
0x1db: {  	p1 =	sne.s32 s23, $0x1;
	v17 =	vperm.xlane v16, v4  }
.Ltmp23:
0x1dc: {  	_ = 	snop;
	(pc) =	sbr.rel @!p1 .LBB2_36-.Ltmp23, $4  }
0x1dd: {  	p0 =	slt.s32 s21, $0x3F0;
	vm0 =	vlt.s32 v16, v17  }
0x1de: {  	s21 =	simm.s32 @!p0 $0x3F0;
	v16 =	vsel vm0, v16, v17  }
0x1df: {  	s22 =	sadd.s32 $0x1, s21;
	v17 =	vadd.s32 v15, v16;
	vm0 =	veq.s32 v16, v5  }
0x1e0: {  	s23 =	sadd.s32 $0xFFFFFFFF, s23;
	p0 =	por $0x1, $0x1;
	[smem:$0x0] =	sst s22;
	v16 =	vperm.xlane v13, v16;
	[tilespmem:s18+$0x18B00] =	vst v17;
	v14 =	vsel vm0, $0x0, v14  }
.LBB2_37:
0x1e1: {  	p2 =	slt.s32 s22, $0x3F0  }
0x1e2: {  	p1 =	sne.s32 s23, $0x1;
	vm0 =	veq.s32 v14, $0x0;
	[tilespmem:s18+$0x18700] =	vst v16;
	s18 =	smov.u32 s21;
	s21 =	smov.u32 s22  }
0x1e3: {  	s21 =	simm.s32 @!p2 $0x3F0;
	v16 =	vsel vm0, $0xF, v5  }
0x1e4: {  	s22 =	sadd.s32 $0x1, s21;
	v17 =	vperm.xlane v16, v0  }
0x1e5: {  	[smem:$0x0] =	sst s22  }
0x1e6: {  	vm0 =	vlt.s32 v16, v17  }
0x1e7: {  	v16 =	vsel vm0, v16, v17  }
0x1e8: {  	v17 =	vperm.xlane v16, v1;
	_ =	sdelay $0x1  }
0x1e9: {  	vm0 =	vlt.s32 v16, v17  }
0x1ea: {  	v16 =	vsel vm0, v16, v17  }
0x1eb: {  	v17 =	vperm.xlane v16, v2;
	_ =	sdelay $0x1  }
0x1ec: {  	vm0 =	vlt.s32 v16, v17  }
0x1ed: {  	v16 =	vsel vm0, v16, v17  }
0x1ee: {  	v17 =	vperm.xlane v16, v4  }
.Ltmp24:
0x1ef: {  	(pc) =	sbr.rel @p1 .LBB2_37-.Ltmp24, $4  }
0x1f0: {  	vm0 =	vlt.s32 v16, v17  }
0x1f1: {  	v17 =	vsel vm0, v16, v17  }
0x1f2: {  	v16 =	vperm.xlane v13, v17;
	v18 =	vadd.s32 v15, v17;
	vm0 =	veq.s32 v17, v5  }
0x1f3: {  	s23 =	sadd.s32 $0xFFFFFFFF, s23;
	[tilespmem:s18+$0x18B00] =	vst v18;
	v14 =	vsel vm0, $0x0, v14  }
0x1f4: {  	s23 =	smov.u32 s18;
	s18 =	smov.u32 s21  }
.LBB2_39:
0x1f5: {  	vm0 =	veq.s32 v14, $0x0  }
0x1f6: {  	v14 =	vsel vm0, $0xF, v5  }
0x1f7: {  	v17 =	vperm.xlane v14, v0;
	_ =	sdelay $0x1  }
0x1f8: {  	vm0 =	vlt.s32 v14, v17  }
0x1f9: {  	v14 =	vsel vm0, v14, v17  }
0x1fa: {  	v17 =	vperm.xlane v14, v1;
	_ =	sdelay $0x1  }
0x1fb: {  	vm0 =	vlt.s32 v14, v17  }
0x1fc: {  	v14 =	vsel vm0, v14, v17  }
0x1fd: {  	v17 =	vperm.xlane v14, v2;
	_ =	sdelay $0x1  }
0x1fe: {  	vm0 =	vlt.s32 v14, v17  }
0x1ff: {  	v14 =	vsel vm0, v14, v17  }
0x200: {  	v17 =	vperm.xlane v14, v4;
	_ =	sdelay $0x1  }
0x201: {  	vm0 =	vlt.s32 v14, v17  }
0x202: {  	v14 =	vsel vm0, v14, v17  }
0x203: {  	[tilespmem:s23+$0x18700] =	vst @p0 v16;
	v13 =	vperm.xlane v13, v14;
	v14 =	vadd.s32 v15, v14  }
0x204: {  	[tilespmem:s18+$0x18B00] =	vst v14  }
0x205: {  	[tilespmem:s18+$0x18700] =	vst v13;
	s18 =	smov.u32 s22  }
.LBB2_40:
0x206: {  	vm0 =	vge.f32 v12, v6  }
0x207: {  	v13 =	vsel vm0, $0x1, v3  }
0x208: {  	v14 =	vperm.xlane v13, v0;
	_ =	sdelay $0x1  }
0x209: {  	v14 =	vadd.s32 v13, v14  }
0x20a: {  	v15 =	vperm.xlane v14, v1;
	_ =	sdelay $0x1  }
0x20b: {  	v14 =	vadd.s32 v15, v14  }
0x20c: {  	v15 =	vperm.xlane v14, v2;
	_ =	sdelay $0x1  }
0x20d: {  	v14 =	vadd.s32 v15, v14  }
0x20e: {  	v15 =	vperm.xlane v14, v4;
	_ =	sdelay $0x1  }
0x20f: {  	v14 =	vadd.s32 v15, v14  }
0x210: {  	(v2sf) =	vpush v14, $0x0;
	_ =	sdelay $0xe  }
0x211: {  	s22 =	spop (v2sf)  }
0x212: {  	p0 =	slt.s32 s22, $0x1  }
.Ltmp25:
0x213: {  	_ = 	snop;
	(pc) =	sbr.rel @p0 .LBB2_48-.Ltmp25, $1  }
0x214: {  	_ =	sdelay $0x3  }
0x215: {  	p1 =	sne.s32 s22, $0x1  }
.Ltmp26:
0x216: {  	_ = 	snop;
	(pc) =	sbr.rel @!p1 .LBB2_42-.Ltmp26, $4  }
0x217: {  	p0 =	slt.s32 s18, $0x3F0  }
0x218: {  	s18 =	simm.s32 @!p0 $0x3F0  }
0x219: {  	s23 =	sadd.s32 $0x40, s19;
	s21 =	sadd.s32 $0x1, s18  }
0x21a: {  	v14 =	vmov s23;
	s23 =	sadd.s32 $0xFFFFFFFF, s22;
	p0 =	por $0x0, $0x0;
	[smem:$0x0] =	sst s21  }
0x21b: {  	vm0 =	veq.s32 v13, $0x0  }
0x21c: {  	v15 =	vsel vm0, $0xF, v5  }
0x21d: {  	v16 =	vperm.xlane v15, v0;
	_ =	sdelay $0x1  }
0x21e: {  	vm0 =	vlt.s32 v15, v16  }
0x21f: {  	v15 =	vsel vm0, v15, v16  }
0x220: {  	v16 =	vperm.xlane v15, v1;
	_ =	sdelay $0x1  }
0x221: {  	vm0 =	vlt.s32 v15, v16  }
0x222: {  	v15 =	vsel vm0, v15, v16  }
0x223: {  	v16 =	vperm.xlane v15, v2;
	_ =	sdelay $0x1  }
0x224: {  	vm0 =	vlt.s32 v15, v16  }
0x225: {  	v15 =	vsel vm0, v15, v16  }
0x226: {  	p1 =	sne.s32 s23, $0x1;
	v16 =	vperm.xlane v15, v4  }
.Ltmp27:
0x227: {  	_ = 	snop;
	(pc) =	sbr.rel @!p1 .LBB2_44-.Ltmp27, $4  }
0x228: {  	p0 =	slt.s32 s21, $0x3F0;
	vm0 =	vlt.s32 v15, v16  }
0x229: {  	s21 =	simm.s32 @!p0 $0x3F0;
	v15 =	vsel vm0, v15, v16  }
0x22a: {  	s22 =	sadd.s32 $0x1, s21;
	v16 =	vadd.s32 v14, v15;
	vm0 =	veq.s32 v15, v5  }
0x22b: {  	s23 =	sadd.s32 $0xFFFFFFFF, s23;
	p0 =	por $0x1, $0x1;
	[smem:$0x0] =	sst s22;
	v15 =	vperm.xlane v12, v15;
	[tilespmem:s18+$0x18B00] =	vst v16;
	v13 =	vsel vm0, $0x0, v13  }
.LBB2_45:
0x22c: {  	p2 =	slt.s32 s22, $0x3F0  }
0x22d: {  	p1 =	sne.s32 s23, $0x1;
	vm0 =	veq.s32 v13, $0x0;
	[tilespmem:s18+$0x18700] =	vst v15;
	s18 =	smov.u32 s21;
	s21 =	smov.u32 s22  }
0x22e: {  	s21 =	simm.s32 @!p2 $0x3F0;
	v15 =	vsel vm0, $0xF, v5  }
0x22f: {  	s22 =	sadd.s32 $0x1, s21;
	v16 =	vperm.xlane v15, v0  }
0x230: {  	[smem:$0x0] =	sst s22  }
0x231: {  	vm0 =	vlt.s32 v15, v16  }
0x232: {  	v15 =	vsel vm0, v15, v16  }
0x233: {  	v16 =	vperm.xlane v15, v1;
	_ =	sdelay $0x1  }
0x234: {  	vm0 =	vlt.s32 v15, v16  }
0x235: {  	v15 =	vsel vm0, v15, v16  }
0x236: {  	v16 =	vperm.xlane v15, v2;
	_ =	sdelay $0x1  }
0x237: {  	vm0 =	vlt.s32 v15, v16  }
0x238: {  	v15 =	vsel vm0, v15, v16  }
0x239: {  	v16 =	vperm.xlane v15, v4  }
.Ltmp28:
0x23a: {  	(pc) =	sbr.rel @p1 .LBB2_45-.Ltmp28, $4  }
0x23b: {  	vm0 =	vlt.s32 v15, v16  }
0x23c: {  	v16 =	vsel vm0, v15, v16  }
0x23d: {  	v15 =	vperm.xlane v12, v16;
	v17 =	vadd.s32 v14, v16;
	vm0 =	veq.s32 v16, v5  }
0x23e: {  	s23 =	sadd.s32 $0xFFFFFFFF, s23;
	[tilespmem:s18+$0x18B00] =	vst v17;
	v13 =	vsel vm0, $0x0, v13  }
0x23f: {  	s23 =	smov.u32 s18;
	s18 =	smov.u32 s21  }
.LBB2_47:
0x240: {  	vm0 =	veq.s32 v13, $0x0  }
0x241: {  	v13 =	vsel vm0, $0xF, v5  }
0x242: {  	v16 =	vperm.xlane v13, v0;
	_ =	sdelay $0x1  }
0x243: {  	vm0 =	vlt.s32 v13, v16  }
0x244: {  	v13 =	vsel vm0, v13, v16  }
0x245: {  	v16 =	vperm.xlane v13, v1;
	_ =	sdelay $0x1  }
0x246: {  	vm0 =	vlt.s32 v13, v16  }
0x247: {  	v13 =	vsel vm0, v13, v16  }
0x248: {  	v16 =	vperm.xlane v13, v2;
	_ =	sdelay $0x1  }
0x249: {  	vm0 =	vlt.s32 v13, v16  }
0x24a: {  	v13 =	vsel vm0, v13, v16  }
0x24b: {  	v16 =	vperm.xlane v13, v4;
	_ =	sdelay $0x1  }
0x24c: {  	vm0 =	vlt.s32 v13, v16  }
0x24d: {  	v13 =	vsel vm0, v13, v16  }
0x24e: {  	[tilespmem:s23+$0x18700] =	vst @p0 v15;
	v12 =	vperm.xlane v12, v13;
	v13 =	vadd.s32 v14, v13  }
0x24f: {  	[tilespmem:s18+$0x18B00] =	vst v13  }
0x250: {  	[tilespmem:s18+$0x18700] =	vst v12;
	s18 =	smov.u32 s22  }
.LBB2_48:
0x251: {  	vm0 =	vge.f32 v11, v6  }
0x252: {  	v12 =	vsel vm0, $0x1, v3  }
0x253: {  	v13 =	vperm.xlane v12, v0;
	_ =	sdelay $0x1  }
0x254: {  	v13 =	vadd.s32 v12, v13  }
0x255: {  	v14 =	vperm.xlane v13, v1;
	_ =	sdelay $0x1  }
0x256: {  	v13 =	vadd.s32 v14, v13  }
0x257: {  	v14 =	vperm.xlane v13, v2;
	_ =	sdelay $0x1  }
0x258: {  	v13 =	vadd.s32 v14, v13  }
0x259: {  	v14 =	vperm.xlane v13, v4;
	_ =	sdelay $0x1  }
0x25a: {  	v13 =	vadd.s32 v14, v13  }
0x25b: {  	(v2sf) =	vpush v13, $0x0;
	_ =	sdelay $0xe  }
0x25c: {  	s22 =	spop (v2sf)  }
0x25d: {  	p0 =	slt.s32 s22, $0x1  }
.Ltmp29:
0x25e: {  	_ = 	snop;
	(pc) =	sbr.rel @p0 .LBB2_56-.Ltmp29, $1  }
0x25f: {  	_ =	sdelay $0x3  }
0x260: {  	p1 =	sne.s32 s22, $0x1  }
.Ltmp30:
0x261: {  	_ = 	snop;
	(pc) =	sbr.rel @!p1 .LBB2_50-.Ltmp30, $4  }
0x262: {  	p0 =	slt.s32 s18, $0x3F0  }
0x263: {  	s18 =	simm.s32 @!p0 $0x3F0  }
0x264: {  	s23 =	sadd.s32 $0x50, s19;
	s21 =	sadd.s32 $0x1, s18  }
0x265: {  	v13 =	vmov s23;
	s23 =	sadd.s32 $0xFFFFFFFF, s22;
	p0 =	por $0x0, $0x0;
	[smem:$0x0] =	sst s21  }
0x266: {  	vm0 =	veq.s32 v12, $0x0  }
0x267: {  	v14 =	vsel vm0, $0xF, v5  }
0x268: {  	v15 =	vperm.xlane v14, v0;
	_ =	sdelay $0x1  }
0x269: {  	vm0 =	vlt.s32 v14, v15  }
0x26a: {  	v14 =	vsel vm0, v14, v15  }
0x26b: {  	v15 =	vperm.xlane v14, v1;
	_ =	sdelay $0x1  }
0x26c: {  	vm0 =	vlt.s32 v14, v15  }
0x26d: {  	v14 =	vsel vm0, v14, v15  }
0x26e: {  	v15 =	vperm.xlane v14, v2;
	_ =	sdelay $0x1  }
0x26f: {  	vm0 =	vlt.s32 v14, v15  }
0x270: {  	v14 =	vsel vm0, v14, v15  }
0x271: {  	p1 =	sne.s32 s23, $0x1;
	v15 =	vperm.xlane v14, v4  }
.Ltmp31:
0x272: {  	_ = 	snop;
	(pc) =	sbr.rel @!p1 .LBB2_52-.Ltmp31, $4  }
0x273: {  	p0 =	slt.s32 s21, $0x3F0;
	vm0 =	vlt.s32 v14, v15  }
0x274: {  	s21 =	simm.s32 @!p0 $0x3F0;
	v14 =	vsel vm0, v14, v15  }
0x275: {  	s22 =	sadd.s32 $0x1, s21;
	v15 =	vadd.s32 v13, v14;
	vm0 =	veq.s32 v14, v5  }
0x276: {  	s23 =	sadd.s32 $0xFFFFFFFF, s23;
	p0 =	por $0x1, $0x1;
	[smem:$0x0] =	sst s22;
	v14 =	vperm.xlane v11, v14;
	[tilespmem:s18+$0x18B00] =	vst v15;
	v12 =	vsel vm0, $0x0, v12  }
.LBB2_53:
0x277: {  	p2 =	slt.s32 s22, $0x3F0  }
0x278: {  	p1 =	sne.s32 s23, $0x1;
	vm0 =	veq.s32 v12, $0x0;
	[tilespmem:s18+$0x18700] =	vst v14;
	s18 =	smov.u32 s21;
	s21 =	smov.u32 s22  }
0x279: {  	s21 =	simm.s32 @!p2 $0x3F0;
	v14 =	vsel vm0, $0xF, v5  }
0x27a: {  	s22 =	sadd.s32 $0x1, s21;
	v15 =	vperm.xlane v14, v0  }
0x27b: {  	[smem:$0x0] =	sst s22  }
0x27c: {  	vm0 =	vlt.s32 v14, v15  }
0x27d: {  	v14 =	vsel vm0, v14, v15  }
0x27e: {  	v15 =	vperm.xlane v14, v1;
	_ =	sdelay $0x1  }
0x27f: {  	vm0 =	vlt.s32 v14, v15  }
0x280: {  	v14 =	vsel vm0, v14, v15  }
0x281: {  	v15 =	vperm.xlane v14, v2;
	_ =	sdelay $0x1  }
0x282: {  	vm0 =	vlt.s32 v14, v15  }
0x283: {  	v14 =	vsel vm0, v14, v15  }
0x284: {  	v15 =	vperm.xlane v14, v4  }
.Ltmp32:
0x285: {  	(pc) =	sbr.rel @p1 .LBB2_53-.Ltmp32, $4  }
0x286: {  	vm0 =	vlt.s32 v14, v15  }
0x287: {  	v15 =	vsel vm0, v14, v15  }
0x288: {  	v14 =	vperm.xlane v11, v15;
	v16 =	vadd.s32 v13, v15;
	vm0 =	veq.s32 v15, v5  }
0x289: {  	s23 =	sadd.s32 $0xFFFFFFFF, s23;
	[tilespmem:s18+$0x18B00] =	vst v16;
	v12 =	vsel vm0, $0x0, v12  }
0x28a: {  	s23 =	smov.u32 s18;
	s18 =	smov.u32 s21  }
.LBB2_55:
0x28b: {  	vm0 =	veq.s32 v12, $0x0  }
0x28c: {  	v12 =	vsel vm0, $0xF, v5  }
0x28d: {  	v15 =	vperm.xlane v12, v0;
	_ =	sdelay $0x1  }
0x28e: {  	vm0 =	vlt.s32 v12, v15  }
0x28f: {  	v12 =	vsel vm0, v12, v15  }
0x290: {  	v15 =	vperm.xlane v12, v1;
	_ =	sdelay $0x1  }
0x291: {  	vm0 =	vlt.s32 v12, v15  }
0x292: {  	v12 =	vsel vm0, v12, v15  }
0x293: {  	v15 =	vperm.xlane v12, v2;
	_ =	sdelay $0x1  }
0x294: {  	vm0 =	vlt.s32 v12, v15  }
0x295: {  	v12 =	vsel vm0, v12, v15  }
0x296: {  	v15 =	vperm.xlane v12, v4;
	_ =	sdelay $0x1  }
0x297: {  	vm0 =	vlt.s32 v12, v15  }
0x298: {  	v12 =	vsel vm0, v12, v15  }
0x299: {  	[tilespmem:s23+$0x18700] =	vst @p0 v14;
	v11 =	vperm.xlane v11, v12;
	v12 =	vadd.s32 v13, v12  }
0x29a: {  	[tilespmem:s18+$0x18B00] =	vst v12  }
0x29b: {  	[tilespmem:s18+$0x18700] =	vst v11;
	s18 =	smov.u32 s22  }
.LBB2_56:
0x29c: {  	vm0 =	vge.f32 v10, v6  }
0x29d: {  	v11 =	vsel vm0, $0x1, v3  }
0x29e: {  	v12 =	vperm.xlane v11, v0;
	_ =	sdelay $0x1  }
0x29f: {  	v12 =	vadd.s32 v11, v12  }
0x2a0: {  	v13 =	vperm.xlane v12, v1;
	_ =	sdelay $0x1  }
0x2a1: {  	v12 =	vadd.s32 v13, v12  }
0x2a2: {  	v13 =	vperm.xlane v12, v2;
	_ =	sdelay $0x1  }
0x2a3: {  	v12 =	vadd.s32 v13, v12  }
0x2a4: {  	v13 =	vperm.xlane v12, v4;
	_ =	sdelay $0x1  }
0x2a5: {  	v12 =	vadd.s32 v13, v12  }
0x2a6: {  	(v2sf) =	vpush v12, $0x0;
	_ =	sdelay $0xe  }
0x2a7: {  	s22 =	spop (v2sf)  }
0x2a8: {  	p0 =	slt.s32 s22, $0x1  }
.Ltmp33:
0x2a9: {  	_ = 	snop;
	(pc) =	sbr.rel @p0 .LBB2_64-.Ltmp33, $1  }
0x2aa: {  	_ =	sdelay $0x3  }
0x2ab: {  	p1 =	sne.s32 s22, $0x1  }
.Ltmp34:
0x2ac: {  	_ = 	snop;
	(pc) =	sbr.rel @!p1 .LBB2_58-.Ltmp34, $4  }
0x2ad: {  	p0 =	slt.s32 s18, $0x3F0  }
0x2ae: {  	s18 =	simm.s32 @!p0 $0x3F0  }
0x2af: {  	s23 =	sadd.s32 $0x60, s19;
	s21 =	sadd.s32 $0x1, s18  }
0x2b0: {  	v12 =	vmov s23;
	s23 =	sadd.s32 $0xFFFFFFFF, s22;
	p0 =	por $0x0, $0x0;
	[smem:$0x0] =	sst s21  }
0x2b1: {  	vm0 =	veq.s32 v11, $0x0  }
0x2b2: {  	v13 =	vsel vm0, $0xF, v5  }
0x2b3: {  	v14 =	vperm.xlane v13, v0;
	_ =	sdelay $0x1  }
0x2b4: {  	vm0 =	vlt.s32 v13, v14  }
0x2b5: {  	v13 =	vsel vm0, v13, v14  }
0x2b6: {  	v14 =	vperm.xlane v13, v1;
	_ =	sdelay $0x1  }
0x2b7: {  	vm0 =	vlt.s32 v13, v14  }
0x2b8: {  	v13 =	vsel vm0, v13, v14  }
0x2b9: {  	v14 =	vperm.xlane v13, v2;
	_ =	sdelay $0x1  }
0x2ba: {  	vm0 =	vlt.s32 v13, v14  }
0x2bb: {  	v13 =	vsel vm0, v13, v14  }
0x2bc: {  	p1 =	sne.s32 s23, $0x1;
	v14 =	vperm.xlane v13, v4  }
.Ltmp35:
0x2bd: {  	_ = 	snop;
	(pc) =	sbr.rel @!p1 .LBB2_60-.Ltmp35, $4  }
0x2be: {  	p0 =	slt.s32 s21, $0x3F0;
	vm0 =	vlt.s32 v13, v14  }
0x2bf: {  	s21 =	simm.s32 @!p0 $0x3F0;
	v13 =	vsel vm0, v13, v14  }
0x2c0: {  	s22 =	sadd.s32 $0x1, s21;
	v14 =	vadd.s32 v12, v13;
	vm0 =	veq.s32 v13, v5  }
0x2c1: {  	s23 =	sadd.s32 $0xFFFFFFFF, s23;
	p0 =	por $0x1, $0x1;
	[smem:$0x0] =	sst s22;
	v13 =	vperm.xlane v10, v13;
	[tilespmem:s18+$0x18B00] =	vst v14;
	v11 =	vsel vm0, $0x0, v11  }
.LBB2_61:
0x2c2: {  	p2 =	slt.s32 s22, $0x3F0  }
0x2c3: {  	p1 =	sne.s32 s23, $0x1;
	vm0 =	veq.s32 v11, $0x0;
	[tilespmem:s18+$0x18700] =	vst v13;
	s18 =	smov.u32 s21;
	s21 =	smov.u32 s22  }
0x2c4: {  	s21 =	simm.s32 @!p2 $0x3F0;
	v13 =	vsel vm0, $0xF, v5  }
0x2c5: {  	s22 =	sadd.s32 $0x1, s21;
	v14 =	vperm.xlane v13, v0  }
0x2c6: {  	[smem:$0x0] =	sst s22  }
0x2c7: {  	vm0 =	vlt.s32 v13, v14  }
0x2c8: {  	v13 =	vsel vm0, v13, v14  }
0x2c9: {  	v14 =	vperm.xlane v13, v1;
	_ =	sdelay $0x1  }
0x2ca: {  	vm0 =	vlt.s32 v13, v14  }
0x2cb: {  	v13 =	vsel vm0, v13, v14  }
0x2cc: {  	v14 =	vperm.xlane v13, v2;
	_ =	sdelay $0x1  }
0x2cd: {  	vm0 =	vlt.s32 v13, v14  }
0x2ce: {  	v13 =	vsel vm0, v13, v14  }
0x2cf: {  	v14 =	vperm.xlane v13, v4  }
.Ltmp36:
0x2d0: {  	(pc) =	sbr.rel @p1 .LBB2_61-.Ltmp36, $4  }
0x2d1: {  	vm0 =	vlt.s32 v13, v14  }
0x2d2: {  	v14 =	vsel vm0, v13, v14  }
0x2d3: {  	v13 =	vperm.xlane v10, v14;
	v15 =	vadd.s32 v12, v14;
	vm0 =	veq.s32 v14, v5  }
0x2d4: {  	s23 =	sadd.s32 $0xFFFFFFFF, s23;
	[tilespmem:s18+$0x18B00] =	vst v15;
	v11 =	vsel vm0, $0x0, v11  }
0x2d5: {  	s23 =	smov.u32 s18;
	s18 =	smov.u32 s21  }
.LBB2_63:
0x2d6: {  	vm0 =	veq.s32 v11, $0x0  }
0x2d7: {  	v11 =	vsel vm0, $0xF, v5  }
0x2d8: {  	v14 =	vperm.xlane v11, v0;
	_ =	sdelay $0x1  }
0x2d9: {  	vm0 =	vlt.s32 v11, v14  }
0x2da: {  	v11 =	vsel vm0, v11, v14  }
0x2db: {  	v14 =	vperm.xlane v11, v1;
	_ =	sdelay $0x1  }
0x2dc: {  	vm0 =	vlt.s32 v11, v14  }
0x2dd: {  	v11 =	vsel vm0, v11, v14  }
0x2de: {  	v14 =	vperm.xlane v11, v2;
	_ =	sdelay $0x1  }
0x2df: {  	vm0 =	vlt.s32 v11, v14  }
0x2e0: {  	v11 =	vsel vm0, v11, v14  }
0x2e1: {  	v14 =	vperm.xlane v11, v4;
	_ =	sdelay $0x1  }
0x2e2: {  	vm0 =	vlt.s32 v11, v14  }
0x2e3: {  	v11 =	vsel vm0, v11, v14  }
0x2e4: {  	[tilespmem:s23+$0x18700] =	vst @p0 v13;
	v10 =	vperm.xlane v10, v11;
	v11 =	vadd.s32 v12, v11  }
0x2e5: {  	[tilespmem:s18+$0x18B00] =	vst v11  }
0x2e6: {  	[tilespmem:s18+$0x18700] =	vst v10;
	s18 =	smov.u32 s22  }
.LBB2_64:
0x2e7: {  	vm0 =	vge.f32 v9, v6  }
0x2e8: {  	v10 =	vsel vm0, $0x1, v3  }
0x2e9: {  	v11 =	vperm.xlane v10, v0;
	_ =	sdelay $0x1  }
0x2ea: {  	v11 =	vadd.s32 v10, v11  }
0x2eb: {  	v12 =	vperm.xlane v11, v1;
	_ =	sdelay $0x1  }
0x2ec: {  	v11 =	vadd.s32 v12, v11  }
0x2ed: {  	v12 =	vperm.xlane v11, v2;
	_ =	sdelay $0x1  }
0x2ee: {  	v11 =	vadd.s32 v12, v11  }
0x2ef: {  	v12 =	vperm.xlane v11, v4;
	_ =	sdelay $0x1  }
0x2f0: {  	v11 =	vadd.s32 v12, v11  }
0x2f1: {  	(v2sf) =	vpush v11, $0x0;
	_ =	sdelay $0xe  }
0x2f2: {  	s22 =	spop (v2sf)  }
0x2f3: {  	p0 =	slt.s32 s22, $0x1  }
.Ltmp37:
0x2f4: {  	_ = 	snop;
	(pc) =	sbr.rel @p0 .LBB2_72-.Ltmp37, $1  }
0x2f5: {  	_ =	sdelay $0x3  }
0x2f6: {  	p1 =	sne.s32 s22, $0x1  }
.Ltmp38:
0x2f7: {  	_ = 	snop;
	(pc) =	sbr.rel @!p1 .LBB2_66-.Ltmp38, $4  }
0x2f8: {  	p0 =	slt.s32 s18, $0x3F0  }
0x2f9: {  	s18 =	simm.s32 @!p0 $0x3F0  }
0x2fa: {  	s23 =	sadd.s32 $0x70, s19;
	s21 =	sadd.s32 $0x1, s18  }
0x2fb: {  	v11 =	vmov s23;
	s23 =	sadd.s32 $0xFFFFFFFF, s22;
	p0 =	por $0x0, $0x0;
	[smem:$0x0] =	sst s21  }
0x2fc: {  	vm0 =	veq.s32 v10, $0x0  }
0x2fd: {  	v12 =	vsel vm0, $0xF, v5  }
0x2fe: {  	v13 =	vperm.xlane v12, v0;
	_ =	sdelay $0x1  }
0x2ff: {  	vm0 =	vlt.s32 v12, v13  }
0x300: {  	v12 =	vsel vm0, v12, v13  }
0x301: {  	v13 =	vperm.xlane v12, v1;
	_ =	sdelay $0x1  }
0x302: {  	vm0 =	vlt.s32 v12, v13  }
0x303: {  	v12 =	vsel vm0, v12, v13  }
0x304: {  	v13 =	vperm.xlane v12, v2;
	_ =	sdelay $0x1  }
0x305: {  	vm0 =	vlt.s32 v12, v13  }
0x306: {  	v12 =	vsel vm0, v12, v13  }
0x307: {  	p1 =	sne.s32 s23, $0x1;
	v13 =	vperm.xlane v12, v4  }
.Ltmp39:
0x308: {  	_ = 	snop;
	(pc) =	sbr.rel @!p1 .LBB2_68-.Ltmp39, $4  }
0x309: {  	p0 =	slt.s32 s21, $0x3F0;
	vm0 =	vlt.s32 v12, v13  }
0x30a: {  	s21 =	simm.s32 @!p0 $0x3F0;
	v12 =	vsel vm0, v12, v13  }
0x30b: {  	s22 =	sadd.s32 $0x1, s21;
	v13 =	vadd.s32 v11, v12;
	vm0 =	veq.s32 v12, v5  }
0x30c: {  	s23 =	sadd.s32 $0xFFFFFFFF, s23;
	p0 =	por $0x1, $0x1;
	[smem:$0x0] =	sst s22;
	v12 =	vperm.xlane v9, v12;
	[tilespmem:s18+$0x18B00] =	vst v13;
	v10 =	vsel vm0, $0x0, v10  }
.LBB2_69:
0x30d: {  	p2 =	slt.s32 s22, $0x3F0  }
0x30e: {  	p1 =	sne.s32 s23, $0x1;
	vm0 =	veq.s32 v10, $0x0;
	[tilespmem:s18+$0x18700] =	vst v12;
	s18 =	smov.u32 s21;
	s21 =	smov.u32 s22  }
0x30f: {  	s21 =	simm.s32 @!p2 $0x3F0;
	v12 =	vsel vm0, $0xF, v5  }
0x310: {  	s22 =	sadd.s32 $0x1, s21;
	v13 =	vperm.xlane v12, v0  }
0x311: {  	[smem:$0x0] =	sst s22  }
0x312: {  	vm0 =	vlt.s32 v12, v13  }
0x313: {  	v12 =	vsel vm0, v12, v13  }
0x314: {  	v13 =	vperm.xlane v12, v1;
	_ =	sdelay $0x1  }
0x315: {  	vm0 =	vlt.s32 v12, v13  }
0x316: {  	v12 =	vsel vm0, v12, v13  }
0x317: {  	v13 =	vperm.xlane v12, v2;
	_ =	sdelay $0x1  }
0x318: {  	vm0 =	vlt.s32 v12, v13  }
0x319: {  	v12 =	vsel vm0, v12, v13  }
0x31a: {  	v13 =	vperm.xlane v12, v4  }
.Ltmp40:
0x31b: {  	(pc) =	sbr.rel @p1 .LBB2_69-.Ltmp40, $4  }
0x31c: {  	vm0 =	vlt.s32 v12, v13  }
0x31d: {  	v13 =	vsel vm0, v12, v13  }
0x31e: {  	v12 =	vperm.xlane v9, v13;
	v14 =	vadd.s32 v11, v13;
	vm0 =	veq.s32 v13, v5  }
0x31f: {  	s23 =	sadd.s32 $0xFFFFFFFF, s23;
	[tilespmem:s18+$0x18B00] =	vst v14;
	v10 =	vsel vm0, $0x0, v10  }
0x320: {  	s23 =	smov.u32 s18;
	s18 =	smov.u32 s21  }
.LBB2_71:
0x321: {  	vm0 =	veq.s32 v10, $0x0  }
0x322: {  	v10 =	vsel vm0, $0xF, v5  }
0x323: {  	v13 =	vperm.xlane v10, v0;
	_ =	sdelay $0x1  }
0x324: {  	vm0 =	vlt.s32 v10, v13  }
0x325: {  	v10 =	vsel vm0, v10, v13  }
0x326: {  	v13 =	vperm.xlane v10, v1;
	_ =	sdelay $0x1  }
0x327: {  	vm0 =	vlt.s32 v10, v13  }
0x328: {  	v10 =	vsel vm0, v10, v13  }
0x329: {  	v13 =	vperm.xlane v10, v2;
	_ =	sdelay $0x1  }
0x32a: {  	vm0 =	vlt.s32 v10, v13  }
0x32b: {  	v10 =	vsel vm0, v10, v13  }
0x32c: {  	v13 =	vperm.xlane v10, v4;
	_ =	sdelay $0x1  }
0x32d: {  	vm0 =	vlt.s32 v10, v13  }
0x32e: {  	v10 =	vsel vm0, v10, v13  }
0x32f: {  	[tilespmem:s23+$0x18700] =	vst @p0 v12;
	v9 =	vperm.xlane v9, v10;
	v10 =	vadd.s32 v11, v10  }
0x330: {  	[tilespmem:s18+$0x18B00] =	vst v10  }
0x331: {  	[tilespmem:s18+$0x18700] =	vst v9;
	s18 =	smov.u32 s22  }
.LBB2_72:
0x332: {  	vm0 =	vge.f32 v8, v6  }
0x333: {  	v9 =	vsel vm0, $0x1, v3  }
0x334: {  	v10 =	vperm.xlane v9, v0;
	_ =	sdelay $0x1  }
0x335: {  	v10 =	vadd.s32 v9, v10  }
0x336: {  	v11 =	vperm.xlane v10, v1;
	_ =	sdelay $0x1  }
0x337: {  	v10 =	vadd.s32 v11, v10  }
0x338: {  	v11 =	vperm.xlane v10, v2;
	_ =	sdelay $0x1  }
0x339: {  	v10 =	vadd.s32 v11, v10  }
0x33a: {  	v11 =	vperm.xlane v10, v4;
	_ =	sdelay $0x1  }
0x33b: {  	v10 =	vadd.s32 v11, v10  }
0x33c: {  	(v2sf) =	vpush v10, $0x0;
	_ =	sdelay $0xe  }
0x33d: {  	s22 =	spop (v2sf)  }
0x33e: {  	p0 =	slt.s32 s22, $0x1  }
.Ltmp41:
0x33f: {  	_ = 	snop;
	(pc) =	sbr.rel @p0 .LBB2_80-.Ltmp41, $1  }
0x340: {  	_ =	sdelay $0x3  }
0x341: {  	p1 =	sne.s32 s22, $0x1  }
.Ltmp42:
0x342: {  	_ = 	snop;
	(pc) =	sbr.rel @!p1 .LBB2_74-.Ltmp42, $4  }
0x343: {  	p0 =	slt.s32 s18, $0x3F0  }
0x344: {  	s18 =	simm.s32 @!p0 $0x3F0  }
0x345: {  	s21 =	sadd.s32 $0x1, s18  }
0x346: {  	v10 =	vmov s20;
	s22 =	sadd.s32 $0xFFFFFFFF, s22;
	p0 =	por $0x0, $0x0;
	[smem:$0x0] =	sst s21  }
0x347: {  	vm0 =	veq.s32 v9, $0x0  }
0x348: {  	v11 =	vsel vm0, $0xF, v5  }
0x349: {  	v12 =	vperm.xlane v11, v0;
	_ =	sdelay $0x1  }
0x34a: {  	vm0 =	vlt.s32 v11, v12  }
0x34b: {  	v11 =	vsel vm0, v11, v12  }
0x34c: {  	v12 =	vperm.xlane v11, v1;
	_ =	sdelay $0x1  }
0x34d: {  	vm0 =	vlt.s32 v11, v12  }
0x34e: {  	v11 =	vsel vm0, v11, v12  }
0x34f: {  	v12 =	vperm.xlane v11, v2;
	_ =	sdelay $0x1  }
0x350: {  	vm0 =	vlt.s32 v11, v12  }
0x351: {  	v11 =	vsel vm0, v11, v12  }
0x352: {  	p1 =	sne.s32 s22, $0x1;
	v12 =	vperm.xlane v11, v4  }
.Ltmp43:
0x353: {  	_ = 	snop;
	(pc) =	sbr.rel @!p1 .LBB2_76-.Ltmp43, $4  }
0x354: {  	p0 =	slt.s32 s21, $0x3F0;
	vm0 =	vlt.s32 v11, v12  }
0x355: {  	s21 =	simm.s32 @!p0 $0x3F0;
	v11 =	vsel vm0, v11, v12  }
0x356: {  	s20 =	sadd.s32 $0x1, s21;
	v12 =	vadd.s32 v10, v11;
	vm0 =	veq.s32 v11, v5  }
0x357: {  	s22 =	sadd.s32 $0xFFFFFFFF, s22;
	p0 =	por $0x1, $0x1;
	[smem:$0x0] =	sst s20;
	v11 =	vperm.xlane v8, v11;
	[tilespmem:s18+$0x18B00] =	vst v12;
	v9 =	vsel vm0, $0x0, v9  }
.LBB2_77:
0x358: {  	p2 =	slt.s32 s20, $0x3F0  }
0x359: {  	p1 =	sne.s32 s22, $0x1;
	vm0 =	veq.s32 v9, $0x0;
	[tilespmem:s18+$0x18700] =	vst v11;
	s18 =	smov.u32 s21;
	s21 =	smov.u32 s20  }
0x35a: {  	s21 =	simm.s32 @!p2 $0x3F0;
	v11 =	vsel vm0, $0xF, v5  }
0x35b: {  	s20 =	sadd.s32 $0x1, s21;
	v12 =	vperm.xlane v11, v0  }
0x35c: {  	[smem:$0x0] =	sst s20  }
0x35d: {  	vm0 =	vlt.s32 v11, v12  }
0x35e: {  	v11 =	vsel vm0, v11, v12  }
0x35f: {  	v12 =	vperm.xlane v11, v1;
	_ =	sdelay $0x1  }
0x360: {  	vm0 =	vlt.s32 v11, v12  }
0x361: {  	v11 =	vsel vm0, v11, v12  }
0x362: {  	v12 =	vperm.xlane v11, v2;
	_ =	sdelay $0x1  }
0x363: {  	vm0 =	vlt.s32 v11, v12  }
0x364: {  	v11 =	vsel vm0, v11, v12  }
0x365: {  	v12 =	vperm.xlane v11, v4  }
.Ltmp44:
0x366: {  	(pc) =	sbr.rel @p1 .LBB2_77-.Ltmp44, $4  }
0x367: {  	vm0 =	vlt.s32 v11, v12  }
0x368: {  	v12 =	vsel vm0, v11, v12  }
0x369: {  	v11 =	vperm.xlane v8, v12;
	v13 =	vadd.s32 v10, v12;
	vm0 =	veq.s32 v12, v5  }
0x36a: {  	s22 =	sadd.s32 $0xFFFFFFFF, s22;
	[tilespmem:s18+$0x18B00] =	vst v13;
	v9 =	vsel vm0, $0x0, v9  }
0x36b: {  	s22 =	smov.u32 s18;
	s18 =	smov.u32 s21  }
.LBB2_79:
0x36c: {  	vm0 =	veq.s32 v9, $0x0  }
0x36d: {  	v9 =	vsel vm0, $0xF, v5  }
0x36e: {  	v12 =	vperm.xlane v9, v0;
	_ =	sdelay $0x1  }
0x36f: {  	vm0 =	vlt.s32 v9, v12  }
0x370: {  	v9 =	vsel vm0, v9, v12  }
0x371: {  	v12 =	vperm.xlane v9, v1;
	_ =	sdelay $0x1  }
0x372: {  	vm0 =	vlt.s32 v9, v12  }
0x373: {  	v9 =	vsel vm0, v9, v12  }
0x374: {  	v12 =	vperm.xlane v9, v2;
	_ =	sdelay $0x1  }
0x375: {  	vm0 =	vlt.s32 v9, v12  }
0x376: {  	v9 =	vsel vm0, v9, v12  }
0x377: {  	v12 =	vperm.xlane v9, v4;
	_ =	sdelay $0x1  }
0x378: {  	vm0 =	vlt.s32 v9, v12  }
0x379: {  	v9 =	vsel vm0, v9, v12  }
0x37a: {  	[tilespmem:s22+$0x18700] =	vst @p0 v11;
	v8 =	vperm.xlane v8, v9;
	v9 =	vadd.s32 v10, v9  }
0x37b: {  	[tilespmem:s18+$0x18B00] =	vst v9  }
0x37c: {  	[tilespmem:s18+$0x18700] =	vst v8;
	s18 =	smov.u32 s20  }
.LBB2_80:
0x37d: {  	vm0 =	vge.f32 v7, v6  }
0x37e: {  	v8 =	vsel vm0, $0x1, v3  }
0x37f: {  	v9 =	vperm.xlane v8, v0;
	_ =	sdelay $0x1  }
0x380: {  	v9 =	vadd.s32 v8, v9  }
0x381: {  	v10 =	vperm.xlane v9, v1;
	_ =	sdelay $0x1  }
0x382: {  	v9 =	vadd.s32 v10, v9  }
0x383: {  	v10 =	vperm.xlane v9, v2;
	_ =	sdelay $0x1  }
0x384: {  	v9 =	vadd.s32 v10, v9  }
0x385: {  	v10 =	vperm.xlane v9, v4;
	_ =	sdelay $0x1  }
0x386: {  	v9 =	vadd.s32 v10, v9  }
0x387: {  	(v2sf) =	vpush v9, $0x0;
	_ =	sdelay $0xe  }
0x388: {  	s20 =	spop (v2sf)  }
0x389: {  	p0 =	slt.s32 s20, $0x1  }
.Ltmp45:
0x38a: {  	_ = 	snop;
	(pc) =	sbr.rel @p0 .LBB2_88-.Ltmp45, $1  }
0x38b: {  	_ =	sdelay $0x3  }
0x38c: {  	p1 =	sne.s32 s20, $0x1  }
.Ltmp46:
0x38d: {  	_ = 	snop;
	(pc) =	sbr.rel @!p1 .LBB2_82-.Ltmp46, $4  }
0x38e: {  	p0 =	slt.s32 s18, $0x3F0  }
0x38f: {  	s18 =	simm.s32 @!p0 $0x3F0  }
0x390: {  	s21 =	sadd.s32 $0x90, s19;
	s19 =	sadd.s32 $0x1, s18  }
0x391: {  	v9 =	vmov s21;
	s21 =	sadd.s32 $0xFFFFFFFF, s20;
	p0 =	por $0x0, $0x0;
	[smem:$0x0] =	sst s19  }
0x392: {  	vm0 =	veq.s32 v8, $0x0  }
0x393: {  	v10 =	vsel vm0, $0xF, v5  }
0x394: {  	v11 =	vperm.xlane v10, v0;
	_ =	sdelay $0x1  }
0x395: {  	vm0 =	vlt.s32 v10, v11  }
0x396: {  	v10 =	vsel vm0, v10, v11  }
0x397: {  	v11 =	vperm.xlane v10, v1;
	_ =	sdelay $0x1  }
0x398: {  	vm0 =	vlt.s32 v10, v11  }
0x399: {  	v10 =	vsel vm0, v10, v11  }
0x39a: {  	v11 =	vperm.xlane v10, v2;
	_ =	sdelay $0x1  }
0x39b: {  	vm0 =	vlt.s32 v10, v11  }
0x39c: {  	v10 =	vsel vm0, v10, v11  }
0x39d: {  	p1 =	sne.s32 s21, $0x1;
	v11 =	vperm.xlane v10, v4  }
.Ltmp47:
0x39e: {  	_ = 	snop;
	(pc) =	sbr.rel @!p1 .LBB2_84-.Ltmp47, $4  }
0x39f: {  	p0 =	slt.s32 s19, $0x3F0;
	vm0 =	vlt.s32 v10, v11  }
0x3a0: {  	s19 =	simm.s32 @!p0 $0x3F0;
	v10 =	vsel vm0, v10, v11  }
0x3a1: {  	s20 =	sadd.s32 $0x1, s19;
	v11 =	vadd.s32 v9, v10;
	vm0 =	veq.s32 v10, v5  }
0x3a2: {  	s21 =	sadd.s32 $0xFFFFFFFF, s21;
	p0 =	por $0x1, $0x1;
	[smem:$0x0] =	sst s20;
	v10 =	vperm.xlane v7, v10;
	[tilespmem:s18+$0x18B00] =	vst v11;
	v8 =	vsel vm0, $0x0, v8  }
.LBB2_85:
0x3a3: {  	p2 =	slt.s32 s20, $0x3F0  }
0x3a4: {  	p1 =	sne.s32 s21, $0x1;
	vm0 =	veq.s32 v8, $0x0;
	[tilespmem:s18+$0x18700] =	vst v10;
	s18 =	smov.u32 s19;
	s19 =	smov.u32 s20  }
0x3a5: {  	s19 =	simm.s32 @!p2 $0x3F0;
	v10 =	vsel vm0, $0xF, v5  }
0x3a6: {  	s20 =	sadd.s32 $0x1, s19;
	v11 =	vperm.xlane v10, v0  }
0x3a7: {  	[smem:$0x0] =	sst s20  }
0x3a8: {  	vm0 =	vlt.s32 v10, v11  }
0x3a9: {  	v10 =	vsel vm0, v10, v11  }
0x3aa: {  	v11 =	vperm.xlane v10, v1;
	_ =	sdelay $0x1  }
0x3ab: {  	vm0 =	vlt.s32 v10, v11  }
0x3ac: {  	v10 =	vsel vm0, v10, v11  }
0x3ad: {  	v11 =	vperm.xlane v10, v2;
	_ =	sdelay $0x1  }
0x3ae: {  	vm0 =	vlt.s32 v10, v11  }
0x3af: {  	v10 =	vsel vm0, v10, v11  }
0x3b0: {  	v11 =	vperm.xlane v10, v4  }
.Ltmp48:
0x3b1: {  	(pc) =	sbr.rel @p1 .LBB2_85-.Ltmp48, $4  }
0x3b2: {  	vm0 =	vlt.s32 v10, v11  }
0x3b3: {  	v11 =	vsel vm0, v10, v11  }
0x3b4: {  	v10 =	vperm.xlane v7, v11;
	v12 =	vadd.s32 v9, v11;
	vm0 =	veq.s32 v11, v5  }
0x3b5: {  	s21 =	sadd.s32 $0xFFFFFFFF, s21;
	[tilespmem:s18+$0x18B00] =	vst v12;
	v8 =	vsel vm0, $0x0, v8  }
.Ltmp49:
0x3b6: {  	(pc) =	sbr.rel .LBB2_87-.Ltmp49, $2  }
0x3b7: {  	_ =	sdelay $0x2  }
0x3b8: {  	s21 =	smov.u32 s18;
	s18 =	smov.u32 s19  }
.LBB2_10:
.Ltmp50:
0x3b9: {  	(pc) =	sbr.rel .LBB2_15-.Ltmp50, $2  }
0x3ba: {  	_ =	sdelay $0x2  }
0x3bb: {  	s22 =	smov.u32 s21  }
.LBB2_18:
.Ltmp51:
0x3bc: {  	(pc) =	sbr.rel .LBB2_23-.Ltmp51, $2  }
0x3bd: {  	_ =	sdelay $0x2  }
0x3be: {  	s22 =	smov.u32 s21  }
.LBB2_26:
.Ltmp52:
0x3bf: {  	(pc) =	sbr.rel .LBB2_31-.Ltmp52, $2  }
0x3c0: {  	_ =	sdelay $0x2  }
0x3c1: {  	s22 =	smov.u32 s21  }
.LBB2_34:
.Ltmp53:
0x3c2: {  	(pc) =	sbr.rel .LBB2_39-.Ltmp53, $2  }
0x3c3: {  	_ =	sdelay $0x2  }
0x3c4: {  	s22 =	smov.u32 s21  }
.LBB2_42:
.Ltmp54:
0x3c5: {  	(pc) =	sbr.rel .LBB2_47-.Ltmp54, $2  }
0x3c6: {  	_ =	sdelay $0x2  }
0x3c7: {  	s22 =	smov.u32 s21  }
.LBB2_50:
.Ltmp55:
0x3c8: {  	(pc) =	sbr.rel .LBB2_55-.Ltmp55, $2  }
0x3c9: {  	_ =	sdelay $0x2  }
0x3ca: {  	s22 =	smov.u32 s21  }
.LBB2_58:
.Ltmp56:
0x3cb: {  	(pc) =	sbr.rel .LBB2_63-.Ltmp56, $2  }
0x3cc: {  	_ =	sdelay $0x2  }
0x3cd: {  	s22 =	smov.u32 s21  }
.LBB2_66:
.Ltmp57:
0x3ce: {  	(pc) =	sbr.rel .LBB2_71-.Ltmp57, $2  }
0x3cf: {  	_ =	sdelay $0x2  }
0x3d0: {  	s22 =	smov.u32 s21  }
.LBB2_74:
.Ltmp58:
0x3d1: {  	(pc) =	sbr.rel .LBB2_79-.Ltmp58, $2  }
0x3d2: {  	_ =	sdelay $0x2  }
0x3d3: {  	s20 =	smov.u32 s21  }
.LBB2_12:
.Ltmp59:
0x3d4: {  	(pc) =	sbr.rel .LBB2_15-.Ltmp59, $2  }
0x3d5: {  	_ =	sdelay $0x2  }
0x3d6: {  	s23 =	smov.u32 s18;
	s18 =	smov.u32 s21  }
.LBB2_20:
.Ltmp60:
0x3d7: {  	(pc) =	sbr.rel .LBB2_23-.Ltmp60, $2  }
0x3d8: {  	_ =	sdelay $0x2  }
0x3d9: {  	s23 =	smov.u32 s18;
	s18 =	smov.u32 s21  }
.LBB2_28:
.Ltmp61:
0x3da: {  	(pc) =	sbr.rel .LBB2_31-.Ltmp61, $2  }
0x3db: {  	_ =	sdelay $0x2  }
0x3dc: {  	s23 =	smov.u32 s18;
	s18 =	smov.u32 s21  }
.LBB2_36:
.Ltmp62:
0x3dd: {  	(pc) =	sbr.rel .LBB2_39-.Ltmp62, $2  }
0x3de: {  	_ =	sdelay $0x2  }
0x3df: {  	s23 =	smov.u32 s18;
	s18 =	smov.u32 s21  }
.LBB2_44:
.Ltmp63:
0x3e0: {  	(pc) =	sbr.rel .LBB2_47-.Ltmp63, $2  }
0x3e1: {  	_ =	sdelay $0x2  }
0x3e2: {  	s23 =	smov.u32 s18;
	s18 =	smov.u32 s21  }
.LBB2_52:
.Ltmp64:
0x3e3: {  	(pc) =	sbr.rel .LBB2_55-.Ltmp64, $2  }
0x3e4: {  	_ =	sdelay $0x2  }
0x3e5: {  	s23 =	smov.u32 s18;
	s18 =	smov.u32 s21  }
.LBB2_60:
.Ltmp65:
0x3e6: {  	(pc) =	sbr.rel .LBB2_63-.Ltmp65, $2  }
0x3e7: {  	_ =	sdelay $0x2  }
0x3e8: {  	s23 =	smov.u32 s18;
	s18 =	smov.u32 s21  }
.LBB2_68:
.Ltmp66:
0x3e9: {  	(pc) =	sbr.rel .LBB2_71-.Ltmp66, $2  }
0x3ea: {  	_ =	sdelay $0x2  }
0x3eb: {  	s23 =	smov.u32 s18;
	s18 =	smov.u32 s21  }
.LBB2_76:
.Ltmp67:
0x3ec: {  	(pc) =	sbr.rel .LBB2_79-.Ltmp67, $2  }
0x3ed: {  	_ =	sdelay $0x2  }
0x3ee: {  	s22 =	smov.u32 s18;
	s18 =	smov.u32 s21  }
.LBB2_84:
.Ltmp68:
0x3ef: {  	(pc) =	sbr.rel .LBB2_87-.Ltmp68, $2  }
0x3f0: {  	_ =	sdelay $0x2  }
0x3f1: {  	s21 =	smov.u32 s18;
	s18 =	smov.u32 s19  }
.LBB2_91:
0x3f2: {  	_ =	sfence.sel $0x180000  }
0x3f3: {  	[bflag:$0x0] =	sbarrier.arrive $0xFFFF  }
0x3f4: {  	p0 =	sne.s32 s4, $0x0;
	_ =	strace $0x90000047  }
0x3f5: {  	s0 =	sadd.s32 @!p0 $0x100000, s0;
	[bflag:$0x2] =	sbarrier.arrive $0xFFFF  }
0x3f6: {  	[sflag:s0] =	ssyncadd.tile.s32 @!p0 $0x1;
	_ =	shalt  }
.Lfunc_end2:
_tile_overlayer_lowered:
.L_overlay_start_2:
0x3f7: {  	(tag) =	ssettag $0x2  }
0x3f8: {  	s0 =	rddreg [dreg:$0x0];
	s2 =	stileid.u32  }
0x3f9: {  	s1 =	rddreg [dreg:$0x1];
	p0 =	sne.s32 s2, $0x0  }
0x3fa: {  	s3 =	rddreg [dreg:$0x2];
	[bflag:$0x3] =	sbarrier.arrive $0xFFFF;
	s2 =	simm.s32 @!p0 $0x1C01  }
0x3fb: {  	[timem:s3], [sflag:s2] =	dma.local @!p0 [hbm:s0], s1  }
0x3fc: {  	s0 =	simm.s32 @!p0 $0x1  }
0x3fd: {  	_ =	swait.ge @!p0 [sflag:s0], s1  }
0x3fe: {  	s1 =	ssub.s32 @!p0 $0x0, s1;
	[sflag:s0] =	ssyncset.done @!p0 $0x0  }
0x3ff: {  	[sflag:s0] =	ssyncadd.s32 @!p0 s1  }
0x400: {  	[bflag:$0x3] =	sbarrier.arrive $0xFFFF  }
0x401: {  	_ =	shalt  }

</sc_bundles>
